<compile_context>
chip_gen: v7x
topology: tpu7x:2x2x1
jax: 0.10.2.dev20260603
libtpu: 0.0.44.dev20260713+nightly
codegen_flags: <defaults>
</compile_context>

<pallas_src>
import functools
import math

import jax
import jax.numpy as jnp
from jax import lax
from jax.experimental import pallas as pl
from jax.experimental.pallas import tpu as pltpu
from jax.experimental.pallas import tpu_sc as plsc

N = 4096
D_FEAT = 128
D_HID = 64
T_TOK = 77
D_TXT = 768
N_SEG = 32
SEG_LEN = 64

ROW_BLK = 512
N_BLK = N // ROW_BLK

_F32 = jnp.float32


def _bf(x):
    return x.astype(jnp.bfloat16)


def _mm(a, b):
    return jax.lax.dot_general(a, b, (((1,), (0,)), ((), ())),
                               preferred_element_type=_F32)


def _mega_body(frames_ref, text_ref, w1_ref, w2_ref,
               wih_ref, whh_ref, bih_ref, bhh_ref,
               wmf_ref, wt0_ref, we2t0_ref, wmt0_ref, we2f0_ref, wf0_ref,
               wmt1_ref, we2f1_ref, wf1_ref,
               f1_out_ref,
               bi_s, y_s, wf_s, sqc_s, sqr_s, gi_s):
    xw = _mm(frames_ref[...], w1_ref[...])
    row = lax.broadcasted_iota(jnp.int32, (N, 1), 0)
    edge = (row == 0) | (row == N - 1)
    dinv = 1.0 / jnp.sqrt(jnp.where(edge, jnp.float32(2.0), jnp.float32(3.0)))
    zero = jnp.zeros((1, 1), _F32)
    dinv_up = jnp.concatenate([zero, dinv[:-1, :]], axis=0)
    dinv_dn = jnp.concatenate([dinv[1:, :], zero], axis=0)
    c_up = _bf(dinv * dinv_up).astype(_F32)
    c_self = _bf(dinv * dinv).astype(_F32)
    c_dn = _bf(dinv * dinv_dn).astype(_F32)
    xb = _bf(xw).astype(_F32)
    zrow = jnp.zeros((1, D_HID), _F32)
    x_up = jnp.concatenate([zrow, xb[:-1, :]], axis=0)
    x_dn = jnp.concatenate([xb[1:, :], zrow], axis=0)
    bi = jax.nn.relu(c_up * x_up + c_self * xb + c_dn * x_dn)
    bi_s[...] = bi
    y_s[...] = _mm(bi, w2_ref[...])
    sq = jnp.sum(bi * bi, axis=1)
    sqc_s[...] = sq[:, None]
    sqr_s[...] = sq[None, :]

    def dist_blk(i):
        off = pl.multiple_of(i * ROW_BLK, ROW_BLK)
        xb = bi_s[pl.ds(off, ROW_BLK), :]
        sqb = sqc_s[pl.ds(off, ROW_BLK), :]
        xxt = jax.lax.dot_general(xb, bi_s[...], (((1,), (1,)), ((), ())),
                                  preferred_element_type=_F32)
        d2 = sqb + sqr_s[...] - 2.0 * xxt
        return jnp.sqrt(jnp.maximum(d2, 0.0))

    dsum = jnp.float32(0.0)
    for i in range(N_BLK):
        xi = bi_s[pl.ds(i * ROW_BLK, ROW_BLK), :]
        sqb_i = sqc_s[pl.ds(i * ROW_BLK, ROW_BLK), :]
        for j in range(i, N_BLK):
            xj = bi_s[pl.ds(j * ROW_BLK, ROW_BLK), :]
            sqr_j = sqr_s[:, pl.ds(j * ROW_BLK, ROW_BLK)]
            xxt = jax.lax.dot_general(xi, xj, (((1,), (1,)), ((), ())),
                                      preferred_element_type=_F32)
            d2 = sqb_i + sqr_j - 2.0 * xxt
            s = jnp.sum(jnp.sqrt(jnp.maximum(d2, 0.0)))
            dsum = dsum + (s if i == j else 2.0 * s)
    stat = dsum * (1.0 / (N * N))

    def pass_b(i, m0):
        off = pl.multiple_of(i * ROW_BLK, ROW_BLK)
        adj = jnp.exp(-dist_blk(i) / (stat + 1e-6))
        rowsum = jnp.sum(adj, axis=1, keepdims=True)
        adjn = adj / (rowsum + 1e-6)
        wfb = jax.nn.relu(_mm(adjn, y_s[...]))
        wf_s[pl.ds(off, ROW_BLK), :] = wfb
        return m0 + jnp.sum(jax.nn.relu(_mm(wfb, wmf_ref[...])),
                            axis=0, keepdims=True)

    m0 = lax.fori_loop(0, N_BLK, pass_b, jnp.zeros((1, D_HID), _F32),
                       unroll=2)

    gi_s[...] = _mm(text_ref[...], wih_ref[...]) + bih_ref[...]
    whh = whh_ref[...]
    bhh = bhh_ref[...]
    H = D_HID

    def gru_step(i, h):
        gi = gi_s[pl.ds(i, 1), :]
        gh = _mm(h, whh) + bhh
        r = jax.nn.sigmoid(gi[:, :H] + gh[:, :H])
        z = jax.nn.sigmoid(gi[:, H:2 * H] + gh[:, H:2 * H])
        n = jnp.tanh(gi[:, 2 * H:] + r * gh[:, 2 * H:])
        return (1.0 - z) * n + z * h

    t = lax.fori_loop(0, T_TOK, gru_step, jnp.zeros((1, H), _F32))

    m0 = m0 * (1.0 / N)
    t0 = jax.nn.relu(_mm(t, wt0_ref[...]) + _mm(m0, we2t0_ref[...]))
    bias0 = _mm(jax.nn.relu(_mm(t, wmt0_ref[...])), we2f0_ref[...])
    f0 = jax.nn.relu(_mm(wf_s[...], wf0_ref[...]) + bias0)
    bias1 = _mm(jax.nn.relu(_mm(t0, wmt1_ref[...])), we2f1_ref[...])
    f1_out_ref[...] = jax.nn.relu(_mm(f0, wf1_ref[...]) + bias1)


def _sc_round_bf16(v):
    u = lax.bitcast_convert_type(v, jnp.uint32)
    lsb = (u >> jnp.uint32(16)) & jnp.uint32(1)
    r = (u + jnp.uint32(0x7FFF) + lsb) & jnp.uint32(0xFFFF0000)
    return lax.bitcast_convert_type(r, _F32)


def _seg_pool_sc(seg_idx, f1, w_fc_vec, b_fc16):
    mesh = plsc.VectorSubcoreMesh(core_axis_name="c", subcore_axis_name="s")

    @functools.partial(
        pl.kernel, mesh=mesh,
        compiler_params=pltpu.CompilerParams(needs_layout_passes=False,
                                             use_tc_tiling_on_sc=False),
        out_type=jax.ShapeDtypeStruct((N_SEG, 16), _F32),
        scratch_types=[
            pltpu.VMEM((SEG_LEN,), jnp.int32),
            pltpu.VMEM((SEG_LEN, D_HID), _F32),
            pltpu.VMEM((D_HID,), _F32),
            pltpu.VMEM((16,), _F32),
            pltpu.VMEM((16,), _F32),
            pltpu.SemaphoreType.DMA,
        ],
    )
    def seg_kernel(idx_hbm, f_hbm, wfc_hbm, bfc_hbm, out_hbm,
                   idx_v, rows_v, wfc_v, bfc_v, res_v, sem):
        wid = lax.axis_index("s") * 2 + lax.axis_index("c")
        pltpu.sync_copy(wfc_hbm, wfc_v)
        pltpu.sync_copy(bfc_hbm, bfc_v)
        pltpu.sync_copy(idx_hbm.at[wid], idx_v)
        pltpu.async_copy(f_hbm.at[idx_v], rows_v, sem).wait()
        prod = jnp.zeros((16,), _F32)
        for c in range(D_HID // 16):
            cs = jnp.zeros((16,), _F32)
            for r in range(SEG_LEN):
                cs = cs + rows_v[r, pl.ds(c * 16, 16)]
            segb = _sc_round_bf16(cs * (1.0 / SEG_LEN))
            prod = prod + segb * _sc_round_bf16(wfc_v[pl.ds(c * 16, 16)])
        score = jnp.sum(prod)
        res_v[...] = jnp.full((16,), score, _F32) + bfc_v[...]
        pltpu.sync_copy(res_v, out_hbm.at[wid])

    return seg_kernel(seg_idx, f1, w_fc_vec, b_fc16)


def kernel(text_feature, frame_features, segment_indices,
           W_gcn1, W_gcn2, gru_W_ih, gru_W_hh, gru_b_ih, gru_b_hh,
           h0_Wt, h0_Wf, h0_Wmf, h0_Wmt, h0_We2t, h0_We2f,
           h1_Wt, h1_Wf, h1_Wmf, h1_Wmt, h1_We2t, h1_We2f,
           W_fc, b_fc):
    f1 = pl.pallas_call(
        _mega_body,
        out_shape=jax.ShapeDtypeStruct((N, D_HID), _F32),
        scratch_shapes=[
            pltpu.VMEM((N, D_HID), _F32),
            pltpu.VMEM((N, D_HID), _F32),
            pltpu.VMEM((N, D_HID), _F32),
            pltpu.VMEM((N, 1), _F32),
            pltpu.VMEM((1, N), _F32),
            pltpu.VMEM((T_TOK, 3 * D_HID), _F32),
        ],
    )(frame_features, text_feature, W_gcn1, W_gcn2,
      gru_W_ih, gru_W_hh, gru_b_ih.reshape(1, -1), gru_b_hh.reshape(1, -1),
      h0_Wmf, h0_Wt, h0_We2t, h0_Wmt, h0_We2f, h0_Wf,
      h1_Wmt, h1_We2f, h1_Wf)

    seg_out = _seg_pool_sc(segment_indices.astype(jnp.int32), f1,
                           W_fc.reshape(-1), jnp.broadcast_to(b_fc, (16,)))
    return seg_out[:, 0]

# --- scband reference (transcript-rebuilt; emitter-appended) ---
"""Pipeline reference for scband-multi-modal-gnn-71519795413641 (READ-ONLY COPY).

The authoritative reference and input builder live on the scoring server;
editing this copy changes nothing except your own understanding.
"""

import jax, jax.numpy as jnp
import numpy as np

N_FRAMES = 4096
D_FEAT = 128
D_HID = 64
T_TOK = 77
D_TXT = 768
N_SEG = 32
SEG_LEN = 64


def setup_inputs(seed: int = 0) -> dict:
    key = jax.random.key(seed)
    ks = jax.random.split(key, 32)

    def rn(k, shape, scale=0.05):
        return jax.random.normal(k, shape, dtype=jnp.float32) * scale

    inp = {}
    inp['text_feature'] = jax.random.normal(ks[0], (T_TOK, D_TXT), dtype=jnp.float32)
    inp['frame_features'] = jax.random.normal(ks[1], (N_FRAMES, D_FEAT), dtype=jnp.float32)
    inp['segment_indices'] = jax.random.randint(ks[2], (N_SEG, SEG_LEN), 0, N_FRAMES)
    inp['W_gcn1'] = rn(ks[3], (D_FEAT, D_HID))
    inp['W_gcn2'] = rn(ks[4], (D_HID, D_HID))
    inp['gru_W_ih'] = rn(ks[5], (D_TXT, 3 * D_HID))
    inp['gru_W_hh'] = rn(ks[6], (D_HID, 3 * D_HID))
    inp['gru_b_ih'] = rn(ks[7], (3 * D_HID,))
    inp['gru_b_hh'] = rn(ks[8], (3 * D_HID,))
    i = 9
    for l in range(2):
        for nm in ['Wt', 'Wf', 'Wmf', 'Wmt', 'We2t', 'We2f']:
            inp['h%d_%s' % (l, nm)] = rn(ks[i], (D_HID, D_HID))
            i += 1
    inp['W_fc'] = rn(ks[i], (D_HID, 1))
    inp['b_fc'] = jnp.zeros((1,), dtype=jnp.float32)
    return inp


def _bi_adj(n):
    # bidirectional temporal chain graph with self loops, sym-normalized (GCN style)
    A = jnp.eye(n, dtype=jnp.float32) + jnp.eye(n, k=1, dtype=jnp.float32) + jnp.eye(n, k=-1, dtype=jnp.float32)
    d = A.sum(axis=1)
    dinv = 1.0 / jnp.sqrt(d)
    return A * dinv[:, None] * dinv[None, :]


def _weight_adj(x):
    # generate_weight_adj: pairwise distances, normalized by mean, projected via negative exp
    sq = jnp.sum(x * x, axis=1)
    d2 = sq[:, None] + sq[None, :] - 2.0 * (x @ x.T)
    dist = jnp.sqrt(jnp.maximum(d2, 0.0))
    stat = jnp.mean(dist)
    adj = jnp.exp(-dist / (stat + 1e-6))
    return adj / (adj.sum(axis=1, keepdims=True) + 1e-6)


def _gcn_layer(x, adj, W):
    return jax.nn.relu(adj @ (x @ W))


def _gru(xs, W_ih, W_hh, b_ih, b_hh):
    H = W_hh.shape[0]

    def step(h, x):
        gi = x @ W_ih + b_ih
        gh = h @ W_hh + b_hh
        r = jax.nn.sigmoid(gi[:H] + gh[:H])
        z = jax.nn.sigmoid(gi[H:2 * H] + gh[H:2 * H])
        n = jnp.tanh(gi[2 * H:] + r * gh[2 * H:])
        h_new = (1.0 - z) * n + z * h
        return h_new, None

    h0 = jnp.zeros((H,), dtype=xs.dtype)
    h_final, _ = jax.lax.scan(step, h0, xs)
    return h_final


def _hetero_layer(t, f, Wt, Wf, Wmf, Wmt, We2t, We2f):
    msg_f2t = jnp.mean(jax.nn.relu(f @ Wmf), axis=0)
    t_new = jax.nn.relu(t @ Wt + msg_f2t @ We2t)
    msg_t2f = jax.nn.relu(t @ Wmt)
    f_new = jax.nn.relu(f @ Wf + (msg_t2f @ We2f)[None, :])
    return t_new, f_new


def reference(text_feature, frame_features, segment_indices,
              W_gcn1, W_gcn2, gru_W_ih, gru_W_hh, gru_b_ih, gru_b_hh,
              h0_Wt, h0_Wf, h0_Wmf, h0_Wmt, h0_We2t, h0_We2f,
              h1_Wt, h1_Wf, h1_Wmf, h1_Wmt, h1_We2t, h1_We2f,
              W_fc, b_fc):
    n = frame_features.shape[0]
    adj_bi = _bi_adj(n)
    bi_frame = _gcn_layer(frame_features, adj_bi, W_gcn1)
    w_adj = _weight_adj(bi_frame)
    w_frame = _gcn_layer(bi_frame, w_adj, W_gcn2)
    t = _gru(text_feature, gru_W_ih, gru_W_hh, gru_b_ih, gru_b_hh)
    t, f = _hetero_layer(t, w_frame, h0_Wt, h0_Wf, h0_Wmf, h0_Wmt, h0_We2t, h0_We2f)
    t, f = _hetero_layer(t, f, h1_Wt, h1_Wf, h1_Wmf, h1_Wmt, h1_We2t, h1_We2f)
    seg = jnp.mean(f[segment_indices], axis=1)  # [N_SEG, D_HID] mean pooling
    scores = (seg @ W_fc + b_fc).reshape(-1)
    return scores

if __name__ == "__main__":
    import jax
    _d = setup_inputs()
    print(jax.jit(kernel)(*tuple(_d.values())))

</pallas_src>

<mosaic_0001>
#map = affine_map<(d0, d1) -> (0, 0)>
#map1 = affine_map<(d0, d1) -> (0)>
module attributes {stable_mosaic.version = 14 : i64} {
  func.func @seg_kernel(%arg0: i32, %arg1: i32, %arg2: memref<32x64xi32, #tpu.memory_space<hbm>>, %arg3: memref<4096x64xf32, #tpu.memory_space<hbm>>, %arg4: memref<64xf32, #tpu.memory_space<hbm>>, %arg5: memref<16xf32, #tpu.memory_space<hbm>>, %arg6: memref<32x16xf32, #tpu.memory_space<hbm>>, %arg7: memref<64xi32, #tpu.memory_space<vmem>>, %arg8: memref<64x64xf32, #tpu.memory_space<vmem>>, %arg9: memref<64xf32, #tpu.memory_space<vmem>>, %arg10: memref<16xf32, #tpu.memory_space<vmem>>, %arg11: memref<16xf32, #tpu.memory_space<vmem>>, %arg12: memref<!tpu.dma_semaphore, #tpu.memory_space<semaphore_mem>>) attributes {dimension_semantics = [#tpu.dimension_semantics<core_parallel>, #tpu.dimension_semantics<subcore_parallel>], iteration_bounds = array<i64: 2, 16>, scalar_prefetch = 0 : i64, scratch_operands = 6 : i64, tpu.core_type = #tpu.core_type<sc_vector_subcore>, window_params = [{transform_indices = #map}, {transform_indices = #map}, {transform_indices = #map1}, {transform_indices = #map1}, {transform_indices = #map}]} {
    %mul3A = arith.constant 2 : i32
    %mul3A_0 = arith.muli %arg1, %mul3A : i32
    %add3A = arith.addi %mul3A_0, %arg0 : i32
    "tpu.region"() ({
      %run_scoped3A = tpu.sem_alloc : memref<!tpu.dma_semaphore, #tpu.memory_space<semaphore_mem>>
      tpu.enqueue_dma source(%arg4 : memref<64xf32, #tpu.memory_space<hbm>>) target(%arg9 : memref<64xf32, #tpu.memory_space<vmem>>) target_semaphore(%run_scoped3A : memref<!tpu.dma_semaphore, #tpu.memory_space<semaphore_mem>>)
      tpu.wait_dma2 semaphore(%run_scoped3A : memref<!tpu.dma_semaphore, #tpu.memory_space<semaphore_mem>>) src(%arg4 : memref<64xf32, #tpu.memory_space<hbm>>) dst(%arg9 : memref<64xf32, #tpu.memory_space<vmem>>)
      tpu.yield
    }) : () -> ()
    "tpu.region"() ({
      %run_scoped3A = tpu.sem_alloc : memref<!tpu.dma_semaphore, #tpu.memory_space<semaphore_mem>>
      tpu.enqueue_dma source(%arg5 : memref<16xf32, #tpu.memory_space<hbm>>) target(%arg10 : memref<16xf32, #tpu.memory_space<vmem>>) target_semaphore(%run_scoped3A : memref<!tpu.dma_semaphore, #tpu.memory_space<semaphore_mem>>)
      tpu.wait_dma2 semaphore(%run_scoped3A : memref<!tpu.dma_semaphore, #tpu.memory_space<semaphore_mem>>) src(%arg5 : memref<16xf32, #tpu.memory_space<hbm>>) dst(%arg10 : memref<16xf32, #tpu.memory_space<vmem>>)
      tpu.yield
    }) : () -> ()
    "tpu.region"() ({
      %run_scoped3A = tpu.sem_alloc : memref<!tpu.dma_semaphore, #tpu.memory_space<semaphore_mem>>
      %dma_start3A_1446 = arith.constant 0 : i32
      %dma_start3A_1447 = tpu.memref_slice %arg2[%add3A, %dma_start3A_1446] : memref<32x64xi32, #tpu.memory_space<hbm>> -> memref<1x64xi32, #tpu.memory_space<hbm>>
      %dma_start3A_1448 = tpu.memref_squeeze %dma_start3A_1447 : memref<1x64xi32, #tpu.memory_space<hbm>> -> memref<64xi32, #tpu.memory_space<hbm>>
      %dma_start3A_1449 = arith.constant 0 : i32
      %dma_start3A_1450 = tpu.memref_slice %arg2[%add3A, %dma_start3A_1449] : memref<32x64xi32, #tpu.memory_space<hbm>> -> memref<1x64xi32, #tpu.memory_space<hbm>>
      %dma_start3A_1451 = tpu.memref_squeeze %dma_start3A_1450 : memref<1x64xi32, #tpu.memory_space<hbm>> -> memref<64xi32, #tpu.memory_space<hbm>>
      tpu.enqueue_dma source(%dma_start3A_1451 : memref<64xi32, #tpu.memory_space<hbm>>) target(%arg7 : memref<64xi32, #tpu.memory_space<vmem>>) target_semaphore(%run_scoped3A : memref<!tpu.dma_semaphore, #tpu.memory_space<semaphore_mem>>)
      %dma_wait3A_1452 = arith.constant 0 : i32
      %dma_wait3A_1453 = tpu.memref_slice %arg2[%add3A, %dma_wait3A_1452] : memref<32x64xi32, #tpu.memory_space<hbm>> -> memref<1x64xi32, #tpu.memory_space<hbm>>
      %dma_wait3A_1454 = tpu.memref_squeeze %dma_wait3A_1453 : memref<1x64xi32, #tpu.memory_space<hbm>> -> memref<64xi32, #tpu.memory_space<hbm>>
      %dma_wait3A_1455 = arith.constant 0 : i32
      %dma_wait3A_1456 = tpu.memref_slice %arg2[%add3A, %dma_wait3A_1455] : memref<32x64xi32, #tpu.memory_space<hbm>> -> memref<1x64xi32, #tpu.memory_space<hbm>>
      %dma_wait3A_1457 = tpu.memref_squeeze %dma_wait3A_1456 : memref<1x64xi32, #tpu.memory_space<hbm>> -> memref<64xi32, #tpu.memory_space<hbm>>
      tpu.wait_dma2 semaphore(%run_scoped3A : memref<!tpu.dma_semaphore, #tpu.memory_space<semaphore_mem>>) src(%dma_wait3A_1457 : memref<64xi32, #tpu.memory_space<hbm>>) dst(%arg7 : memref<64xi32, #tpu.memory_space<vmem>>)
      tpu.yield
    }) : () -> ()
    %dma_start3A = arith.constant 0 : i32
    %dma_start3A_1 = arith.constant 0 : i32
    %dma_start3A_2 = tpu.memref_slice %arg3[%dma_start3A, %dma_start3A_1] : memref<4096x64xf32, #tpu.memory_space<hbm>> -> memref<4096x64xf32, #tpu.memory_space<hbm>>
    tpu.enqueue_indirect_dma source(%dma_start3A_2 : memref<4096x64xf32, #tpu.memory_space<hbm>>) target(%arg8 : memref<64x64xf32, #tpu.memory_space<vmem>>) offsets(%arg7 : memref<64xi32, #tpu.memory_space<vmem>>) semaphore(%arg12 : memref<!tpu.dma_semaphore, #tpu.memory_space<semaphore_mem>>)
    %dma_wait3A = arith.constant 0 : i32
    %dma_wait3A_3 = arith.constant 0 : i32
    %dma_wait3A_4 = tpu.memref_slice %arg3[%dma_wait3A, %dma_wait3A_3] : memref<4096x64xf32, #tpu.memory_space<hbm>> -> memref<4096x64xf32, #tpu.memory_space<hbm>>
    tpu.wait_indirect_dma semaphore(%arg12 : memref<!tpu.dma_semaphore, #tpu.memory_space<semaphore_mem>>) src(%dma_wait3A_4 : memref<4096x64xf32, #tpu.memory_space<hbm>>) dst(%arg8 : memref<64x64xf32, #tpu.memory_space<vmem>>)
    %broadcast_in_dim3A = arith.constant 0.000000e+00 : f32
    %broadcast_in_dim3A_5 = vector.broadcast %broadcast_in_dim3A : f32 to vector<16xf32>
    %broadcast_in_dim3A_6 = arith.constant 0.000000e+00 : f32
    %broadcast_in_dim3A_7 = vector.broadcast %broadcast_in_dim3A_6 : f32 to vector<16xf32>
    %get3A = arith.constant 0 : i32
    %get3A_8 = arith.index_cast %get3A : i32 to index
    %get3A_9 = arith.constant 0 : index
    %get3A_10 = tpu.vector_load %arg8[%get3A_8, %get3A_9] {strides = array<i32>} : memref<64x64xf32, #tpu.memory_space<vmem>>, vector<16xf32>,
    %add3A_11 = arith.addf %broadcast_in_dim3A_7, %get3A_10 : vector<16xf32>
    %get3A_12 = arith.constant 1 : i32
    %get3A_13 = arith.index_cast %get3A_12 : i32 to index
    %get3A_14 = arith.constant 0 : index
    %get3A_15 = tpu.vector_load %arg8[%get3A_13, %get3A_14] {strides = array<i32>} : memref<64x64xf32, #tpu.memory_space<vmem>>, vector<16xf32>,
    %add3A_16 = arith.addf %add3A_11, %get3A_15 : vector<16xf32>
    %get3A_17 = arith.constant 2 : i32
    %get3A_18 = arith.index_cast %get3A_17 : i32 to index
    %get3A_19 = arith.constant 0 : index
    %get3A_20 = tpu.vector_load %arg8[%get3A_18, %get3A_19] {strides = array<i32>} : memref<64x64xf32, #tpu.memory_space<vmem>>, vector<16xf32>,
    %add3A_21 = arith.addf %add3A_16, %get3A_20 : vector<16xf32>
    %get3A_22 = arith.constant 3 : i32
    %get3A_23 = arith.index_cast %get3A_22 : i32 to index
    %get3A_24 = arith.constant 0 : index
    %get3A_25 = tpu.vector_load %arg8[%get3A_23, %get3A_24] {strides = array<i32>} : memref<64x64xf32, #tpu.memory_space<vmem>>, vector<16xf32>,
    %add3A_26 = arith.addf %add3A_21, %get3A_25 : vector<16xf32>
    %get3A_27 = arith.constant 4 : i32
    %get3A_28 = arith.index_cast %get3A_27 : i32 to index
    %get3A_29 = arith.constant 0 : index
    %get3A_30 = tpu.vector_load %arg8[%get3A_28, %get3A_29] {strides = array<i32>} : memref<64x64xf32, #tpu.memory_space<vmem>>, vector<16xf32>,
    %add3A_31 = arith.addf %add3A_26, %get3A_30 : vector<16xf32>
    %get3A_32 = arith.constant 5 : i32
    %get3A_33 = arith.index_cast %get3A_32 : i32 to index
    %get3A_34 = arith.constant 0 : index
    %get3A_35 = tpu.vector_load %arg8[%get3A_33, %get3A_34] {strides = array<i32>} : memref<64x64xf32, #tpu.memory_space<vmem>>, vector<16xf32>,
    %add3A_36 = arith.addf %add3A_31, %get3A_35 : vector<16xf32>
    %get3A_37 = arith.constant 6 : i32
    %get3A_38 = arith.index_cast %get3A_37 : i32 to index
    %get3A_39 = arith.constant 0 : index
    %get3A_40 = tpu.vector_load %arg8[%get3A_38, %get3A_39] {strides = array<i32>} : memref<64x64xf32, #tpu.memory_space<vmem>>, vector<16xf32>,
    %add3A_41 = arith.addf %add3A_36, %get3A_40 : vector<16xf32>
    %get3A_42 = arith.constant 7 : i32
    %get3A_43 = arith.index_cast %get3A_42 : i32 to index
    %get3A_44 = arith.constant 0 : index
    %get3A_45 = tpu.vector_load %arg8[%get3A_43, %get3A_44] {strides = array<i32>} : memref<64x64xf32, #tpu.memory_space<vmem>>, vector<16xf32>,
    %add3A_46 = arith.addf %add3A_41, %get3A_45 : vector<16xf32>
    %get3A_47 = arith.constant 8 : i32
    %get3A_48 = arith.index_cast %get3A_47 : i32 to index
    %get3A_49 = arith.constant 0 : index
    %get3A_50 = tpu.vector_load %arg8[%get3A_48, %get3A_49] {strides = array<i32>} : memref<64x64xf32, #tpu.memory_space<vmem>>, vector<16xf32>,
    %add3A_51 = arith.addf %add3A_46, %get3A_50 : vector<16xf32>
    %get3A_52 = arith.constant 9 : i32
    %get3A_53 = arith.index_cast %get3A_52 : i32 to index
    %get3A_54 = arith.constant 0 : index
    %get3A_55 = tpu.vector_load %arg8[%get3A_53, %get3A_54] {strides = array<i32>} : memref<64x64xf32, #tpu.memory_space<vmem>>, vector<16xf32>,
    %add3A_56 = arith.addf %add3A_51, %get3A_55 : vector<16xf32>
    %get3A_57 = arith.constant 10 : i32
    %get3A_58 = arith.index_cast %get3A_57 : i32 to index
    %get3A_59 = arith.constant 0 : index
    %get3A_60 = tpu.vector_load %arg8[%get3A_58, %get3A_59] {strides = array<i32>} : memref<64x64xf32, #tpu.memory_space<vmem>>, vector<16xf32>,
    %add3A_61 = arith.addf %add3A_56, %get3A_60 : vector<16xf32>
    %get3A_62 = arith.constant 11 : i32
    %get3A_63 = arith.index_cast %get3A_62 : i32 to index
    %get3A_64 = arith.constant 0 : index
    %get3A_65 = tpu.vector_load %arg8[%get3A_63, %get3A_64] {strides = array<i32>} : memref<64x64xf32, #tpu.memory_space<vmem>>, vector<16xf32>,
    %add3A_66 = arith.addf %add3A_61, %get3A_65 : vector<16xf32>
    %get3A_67 = arith.constant 12 : i32
    %get3A_68 = arith.index_cast %get3A_67 : i32 to index
    %get3A_69 = arith.constant 0 : index
    %get3A_70 = tpu.vector_load %arg8[%get3A_68, %get3A_69] {strides = array<i32>} : memref<64x64xf32, #tpu.memory_space<vmem>>, vector<16xf32>,
    %add3A_71 = arith.addf %add3A_66, %get3A_70 : vector<16xf32>
    %get3A_72 = arith.constant 13 : i32
    %get3A_73 = arith.index_cast %get3A_72 : i32 to index
    %get3A_74 = arith.constant 0 : index
    %get3A_75 = tpu.vector_load %arg8[%get3A_73, %get3A_74] {strides = array<i32>} : memref<64x64xf32, #tpu.memory_space<vmem>>, vector<16xf32>,
    %add3A_76 = arith.addf %add3A_71, %get3A_75 : vector<16xf32>
    %get3A_77 = arith.constant 14 : i32
    %get3A_78 = arith.index_cast %get3A_77 : i32 to index
    %get3A_79 = arith.constant 0 : index
    %get3A_80 = tpu.vector_load %arg8[%get3A_78, %get3A_79] {strides = array<i32>} : memref<64x64xf32, #tpu.memory_space<vmem>>, vector<16xf32>,
    %add3A_81 = arith.addf %add3A_76, %get3A_80 : vector<16xf32>
    %get3A_82 = arith.constant 15 : i32
    %get3A_83 = arith.index_cast %get3A_82 : i32 to index
    %get3A_84 = arith.constant 0 : index
    %get3A_85 = tpu.vector_load %arg8[%get3A_83, %get3A_84] {strides = array<i32>} : memref<64x64xf32, #tpu.memory_space<vmem>>, vector<16xf32>,
    %add3A_86 = arith.addf %add3A_81, %get3A_85 : vector<16xf32>
    %get3A_87 = arith.constant 16 : i32
    %get3A_88 = arith.index_cast %get3A_87 : i32 to index
    %get3A_89 = arith.constant 0 : index
    %get3A_90 = tpu.vector_load %arg8[%get3A_88, %get3A_89] {strides = array<i32>} : memref<64x64xf32, #tpu.memory_space<vmem>>, vector<16xf32>,
    %add3A_91 = arith.addf %add3A_86, %get3A_90 : vector<16xf32>
    %get3A_92 = arith.constant 17 : i32
    %get3A_93 = arith.index_cast %get3A_92 : i32 to index
    %get3A_94 = arith.constant 0 : index
    %get3A_95 = tpu.vector_load %arg8[%get3A_93, %get3A_94] {strides = array<i32>} : memref<64x64xf32, #tpu.memory_space<vmem>>, vector<16xf32>,
    %add3A_96 = arith.addf %add3A_91, %get3A_95 : vector<16xf32>
    %get3A_97 = arith.constant 18 : i32
    %get3A_98 = arith.index_cast %get3A_97 : i32 to index
    %get3A_99 = arith.constant 0 : index
    %get3A_100 = tpu.vector_load %arg8[%get3A_98, %get3A_99] {strides = array<i32>} : memref<64x64xf32, #tpu.memory_space<vmem>>, vector<16xf32>,
    %add3A_101 = arith.addf %add3A_96, %get3A_100 : vector<16xf32>
    %get3A_102 = arith.constant 19 : i32
    %get3A_103 = arith.index_cast %get3A_102 : i32 to index
    %get3A_104 = arith.constant 0 : index
    %get3A_105 = tpu.vector_load %arg8[%get3A_103, %get3A_104] {strides = array<i32>} : memref<64x64xf32, #tpu.memory_space<vmem>>, vector<16xf32>,
    %add3A_106 = arith.addf %add3A_101, %get3A_105 : vector<16xf32>
    %get3A_107 = arith.constant 20 : i32
    %get3A_108 = arith.index_cast %get3A_107 : i32 to index
    %get3A_109 = arith.constant 0 : index
    %get3A_110 = tpu.vector_load %arg8[%get3A_108, %get3A_109] {strides = array<i32>} : memref<64x64xf32, #tpu.memory_space<vmem>>, vector<16xf32>,
    %add3A_111 = arith.addf %add3A_106, %get3A_110 : vector<16xf32>
    %get3A_112 = arith.constant 21 : i32
    %get3A_113 = arith.index_cast %get3A_112 : i32 to index
    %get3A_114 = arith.constant 0 : index
    %get3A_115 = tpu.vector_load %arg8[%get3A_113, %get3A_114] {strides = array<i32>} : memref<64x64xf32, #tpu.memory_space<vmem>>, vector<16xf32>,
    %add3A_116 = arith.addf %add3A_111, %get3A_115 : vector<16xf32>
    %get3A_117 = arith.constant 22 : i32
    %get3A_118 = arith.index_cast %get3A_117 : i32 to index
    %get3A_119 = arith.constant 0 : index
    %get3A_120 = tpu.vector_load %arg8[%get3A_118, %get3A_119] {strides = array<i32>} : memref<64x64xf32, #tpu.memory_space<vmem>>, vector<16xf32>,
    %add3A_121 = arith.addf %add3A_116, %get3A_120 : vector<16xf32>
    %get3A_122 = arith.constant 23 : i32
    %get3A_123 = arith.index_cast %get3A_122 : i32 to index
    %get3A_124 = arith.constant 0 : index
    %get3A_125 = tpu.vector_load %arg8[%get3A_123, %get3A_124] {strides = array<i32>} : memref<64x64xf32, #tpu.memory_space<vmem>>, vector<16xf32>,
    %add3A_126 = arith.addf %add3A_121, %get3A_125 : vector<16xf32>
    %get3A_127 = arith.constant 24 : i32
    %get3A_128 = arith.index_cast %get3A_127 : i32 to index
    %get3A_129 = arith.constant 0 : index
    %get3A_130 = tpu.vector_load %arg8[%get3A_128, %get3A_129] {strides = array<i32>} : memref<64x64xf32, #tpu.memory_space<vmem>>, vector<16xf32>,
    %add3A_131 = arith.addf %add3A_126, %get3A_130 : vector<16xf32>
    %get3A_132 = arith.constant 25 : i32
    %get3A_133 = arith.index_cast %get3A_132 : i32 to index
    %get3A_134 = arith.constant 0 : index
    %get3A_135 = tpu.vector_load %arg8[%get3A_133, %get3A_134] {strides = array<i32>} : memref<64x64xf32, #tpu.memory_space<vmem>>, vector<16xf32>,
    %add3A_136 = arith.addf %add3A_131, %get3A_135 : vector<16xf32>
    %get3A_137 = arith.constant 26 : i32
    %get3A_138 = arith.index_cast %get3A_137 : i32 to index
    %get3A_139 = arith.constant 0 : index
    %get3A_140 = tpu.vector_load %arg8[%get3A_138, %get3A_139] {strides = array<i32>} : memref<64x64xf32, #tpu.memory_space<vmem>>, vector<16xf32>,
    %add3A_141 = arith.addf %add3A_136, %get3A_140 : vector<16xf32>
    %get3A_142 = arith.constant 27 : i32
    %get3A_143 = arith.index_cast %get3A_142 : i32 to index
    %get3A_144 = arith.constant 0 : index
    %get3A_145 = tpu.vector_load %arg8[%get3A_143, %get3A_144] {strides = array<i32>} : memref<64x64xf32, #tpu.memory_space<vmem>>, vector<16xf32>,
    %add3A_146 = arith.addf %add3A_141, %get3A_145 : vector<16xf32>
    %get3A_147 = arith.constant 28 : i32
    %get3A_148 = arith.index_cast %get3A_147 : i32 to index
    %get3A_149 = arith.constant 0 : index
    %get3A_150 = tpu.vector_load %arg8[%get3A_148, %get3A_149] {strides = array<i32>} : memref<64x64xf32, #tpu.memory_space<vmem>>, vector<16xf32>,
    %add3A_151 = arith.addf %add3A_146, %get3A_150 : vector<16xf32>
    %get3A_152 = arith.constant 29 : i32
    %get3A_153 = arith.index_cast %get3A_152 : i32 to index
    %get3A_154 = arith.constant 0 : index
    %get3A_155 = tpu.vector_load %arg8[%get3A_153, %get3A_154] {strides = array<i32>} : memref<64x64xf32, #tpu.memory_space<vmem>>, vector<16xf32>,
    %add3A_156 = arith.addf %add3A_151, %get3A_155 : vector<16xf32>
    %get3A_157 = arith.constant 30 : i32
    %get3A_158 = arith.index_cast %get3A_157 : i32 to index
    %get3A_159 = arith.constant 0 : index
    %get3A_160 = tpu.vector_load %arg8[%get3A_158, %get3A_159] {strides = array<i32>} : memref<64x64xf32, #tpu.memory_space<vmem>>, vector<16xf32>,
    %add3A_161 = arith.addf %add3A_156, %get3A_160 : vector<16xf32>
    %get3A_162 = arith.constant 31 : i32
    %get3A_163 = arith.index_cast %get3A_162 : i32 to index
    %get3A_164 = arith.constant 0 : index
    %get3A_165 = tpu.vector_load %arg8[%get3A_163, %get3A_164] {strides = array<i32>} : memref<64x64xf32, #tpu.memory_space<vmem>>, vector<16xf32>,
    %add3A_166 = arith.addf %add3A_161, %get3A_165 : vector<16xf32>
    %get3A_167 = arith.constant 32 : i32
    %get3A_168 = arith.index_cast %get3A_167 : i32 to index
    %get3A_169 = arith.constant 0 : index
    %get3A_170 = tpu.vector_load %arg8[%get3A_168, %get3A_169] {strides = array<i32>} : memref<64x64xf32, #tpu.memory_space<vmem>>, vector<16xf32>,
    %add3A_171 = arith.addf %add3A_166, %get3A_170 : vector<16xf32>
    %get3A_172 = arith.constant 33 : i32
    %get3A_173 = arith.index_cast %get3A_172 : i32 to index
    %get3A_174 = arith.constant 0 : index
    %get3A_175 = tpu.vector_load %arg8[%get3A_173, %get3A_174] {strides = array<i32>} : memref<64x64xf32, #tpu.memory_space<vmem>>, vector<16xf32>,
    %add3A_176 = arith.addf %add3A_171, %get3A_175 : vector<16xf32>
    %get3A_177 = arith.constant 34 : i32
    %get3A_178 = arith.index_cast %get3A_177 : i32 to index
    %get3A_179 = arith.constant 0 : index
    %get3A_180 = tpu.vector_load %arg8[%get3A_178, %get3A_179] {strides = array<i32>} : memref<64x64xf32, #tpu.memory_space<vmem>>, vector<16xf32>,
    %add3A_181 = arith.addf %add3A_176, %get3A_180 : vector<16xf32>
    %get3A_182 = arith.constant 35 : i32
    %get3A_183 = arith.index_cast %get3A_182 : i32 to index
    %get3A_184 = arith.constant 0 : index
    %get3A_185 = tpu.vector_load %arg8[%get3A_183, %get3A_184] {strides = array<i32>} : memref<64x64xf32, #tpu.memory_space<vmem>>, vector<16xf32>,
    %add3A_186 = arith.addf %add3A_181, %get3A_185 : vector<16xf32>
    %get3A_187 = arith.constant 36 : i32
    %get3A_188 = arith.index_cast %get3A_187 : i32 to index
    %get3A_189 = arith.constant 0 : index
    %get3A_190 = tpu.vector_load %arg8[%get3A_188, %get3A_189] {strides = array<i32>} : memref<64x64xf32, #tpu.memory_space<vmem>>, vector<16xf32>,
    %add3A_191 = arith.addf %add3A_186, %get3A_190 : vector<16xf32>
    %get3A_192 = arith.constant 37 : i32
    %get3A_193 = arith.index_cast %get3A_192 : i32 to index
    %get3A_194 = arith.constant 0 : index
    %get3A_195 = tpu.vector_load %arg8[%get3A_193, %get3A_194] {strides = array<i32>} : memref<64x64xf32, #tpu.memory_space<vmem>>, vector<16xf32>,
    %add3A_196 = arith.addf %add3A_191, %get3A_195 : vector<16xf32>
    %get3A_197 = arith.constant 38 : i32
    %get3A_198 = arith.index_cast %get3A_197 : i32 to index
    %get3A_199 = arith.constant 0 : index
    %get3A_200 = tpu.vector_load %arg8[%get3A_198, %get3A_199] {strides = array<i32>} : memref<64x64xf32, #tpu.memory_space<vmem>>, vector<16xf32>,
    %add3A_201 = arith.addf %add3A_196, %get3A_200 : vector<16xf32>
    %get3A_202 = arith.constant 39 : i32
    %get3A_203 = arith.index_cast %get3A_202 : i32 to index
    %get3A_204 = arith.constant 0 : index
    %get3A_205 = tpu.vector_load %arg8[%get3A_203, %get3A_204] {strides = array<i32>} : memref<64x64xf32, #tpu.memory_space<vmem>>, vector<16xf32>,
    %add3A_206 = arith.addf %add3A_201, %get3A_205 : vector<16xf32>
    %get3A_207 = arith.constant 40 : i32
    %get3A_208 = arith.index_cast %get3A_207 : i32 to index
    %get3A_209 = arith.constant 0 : index
    %get3A_210 = tpu.vector_load %arg8[%get3A_208, %get3A_209] {strides = array<i32>} : memref<64x64xf32, #tpu.memory_space<vmem>>, vector<16xf32>,
    %add3A_211 = arith.addf %add3A_206, %get3A_210 : vector<16xf32>
    %get3A_212 = arith.constant 41 : i32
    %get3A_213 = arith.index_cast %get3A_212 : i32 to index
    %get3A_214 = arith.constant 0 : index
    %get3A_215 = tpu.vector_load %arg8[%get3A_213, %get3A_214] {strides = array<i32>} : memref<64x64xf32, #tpu.memory_space<vmem>>, vector<16xf32>,
    %add3A_216 = arith.addf %add3A_211, %get3A_215 : vector<16xf32>
    %get3A_217 = arith.constant 42 : i32
    %get3A_218 = arith.index_cast %get3A_217 : i32 to index
    %get3A_219 = arith.constant 0 : index
    %get3A_220 = tpu.vector_load %arg8[%get3A_218, %get3A_219] {strides = array<i32>} : memref<64x64xf32, #tpu.memory_space<vmem>>, vector<16xf32>,
    %add3A_221 = arith.addf %add3A_216, %get3A_220 : vector<16xf32>
    %get3A_222 = arith.constant 43 : i32
    %get3A_223 = arith.index_cast %get3A_222 : i32 to index
    %get3A_224 = arith.constant 0 : index
    %get3A_225 = tpu.vector_load %arg8[%get3A_223, %get3A_224] {strides = array<i32>} : memref<64x64xf32, #tpu.memory_space<vmem>>, vector<16xf32>,
    %add3A_226 = arith.addf %add3A_221, %get3A_225 : vector<16xf32>
    %get3A_227 = arith.constant 44 : i32
    %get3A_228 = arith.index_cast %get3A_227 : i32 to index
    %get3A_229 = arith.constant 0 : index
    %get3A_230 = tpu.vector_load %arg8[%get3A_228, %get3A_229] {strides = array<i32>} : memref<64x64xf32, #tpu.memory_space<vmem>>, vector<16xf32>,
    %add3A_231 = arith.addf %add3A_226, %get3A_230 : vector<16xf32>
    %get3A_232 = arith.constant 45 : i32
    %get3A_233 = arith.index_cast %get3A_232 : i32 to index
    %get3A_234 = arith.constant 0 : index
    %get3A_235 = tpu.vector_load %arg8[%get3A_233, %get3A_234] {strides = array<i32>} : memref<64x64xf32, #tpu.memory_space<vmem>>, vector<16xf32>,
    %add3A_236 = arith.addf %add3A_231, %get3A_235 : vector<16xf32>
    %get3A_237 = arith.constant 46 : i32
    %get3A_238 = arith.index_cast %get3A_237 : i32 to index
    %get3A_239 = arith.constant 0 : index
    %get3A_240 = tpu.vector_load %arg8[%get3A_238, %get3A_239] {strides = array<i32>} : memref<64x64xf32, #tpu.memory_space<vmem>>, vector<16xf32>,
    %add3A_241 = arith.addf %add3A_236, %get3A_240 : vector<16xf32>
    %get3A_242 = arith.constant 47 : i32
    %get3A_243 = arith.index_cast %get3A_242 : i32 to index
    %get3A_244 = arith.constant 0 : index
    %get3A_245 = tpu.vector_load %arg8[%get3A_243, %get3A_244] {strides = array<i32>} : memref<64x64xf32, #tpu.memory_space<vmem>>, vector<16xf32>,
    %add3A_246 = arith.addf %add3A_241, %get3A_245 : vector<16xf32>
    %get3A_247 = arith.constant 48 : i32
    %get3A_248 = arith.index_cast %get3A_247 : i32 to index
    %get3A_249 = arith.constant 0 : index
    %get3A_250 = tpu.vector_load %arg8[%get3A_248, %get3A_249] {strides = array<i32>} : memref<64x64xf32, #tpu.memory_space<vmem>>, vector<16xf32>,
    %add3A_251 = arith.addf %add3A_246, %get3A_250 : vector<16xf32>
    %get3A_252 = arith.constant 49 : i32
    %get3A_253 = arith.index_cast %get3A_252 : i32 to index
    %get3A_254 = arith.constant 0 : index
    %get3A_255 = tpu.vector_load %arg8[%get3A_253, %get3A_254] {strides = array<i32>} : memref<64x64xf32, #tpu.memory_space<vmem>>, vector<16xf32>,
    %add3A_256 = arith.addf %add3A_251, %get3A_255 : vector<16xf32>
    %get3A_257 = arith.constant 50 : i32
    %get3A_258 = arith.index_cast %get3A_257 : i32 to index
    %get3A_259 = arith.constant 0 : index
    %get3A_260 = tpu.vector_load %arg8[%get3A_258, %get3A_259] {strides = array<i32>} : memref<64x64xf32, #tpu.memory_space<vmem>>, vector<16xf32>,
    %add3A_261 = arith.addf %add3A_256, %get3A_260 : vector<16xf32>
    %get3A_262 = arith.constant 51 : i32
    %get3A_263 = arith.index_cast %get3A_262 : i32 to index
    %get3A_264 = arith.constant 0 : index
    %get3A_265 = tpu.vector_load %arg8[%get3A_263, %get3A_264] {strides = array<i32>} : memref<64x64xf32, #tpu.memory_space<vmem>>, vector<16xf32>,
    %add3A_266 = arith.addf %add3A_261, %get3A_265 : vector<16xf32>
    %get3A_267 = arith.constant 52 : i32
    %get3A_268 = arith.index_cast %get3A_267 : i32 to index
    %get3A_269 = arith.constant 0 : index
    %get3A_270 = tpu.vector_load %arg8[%get3A_268, %get3A_269] {strides = array<i32>} : memref<64x64xf32, #tpu.memory_space<vmem>>, vector<16xf32>,
    %add3A_271 = arith.addf %add3A_266, %get3A_270 : vector<16xf32>
    %get3A_272 = arith.constant 53 : i32
    %get3A_273 = arith.index_cast %get3A_272 : i32 to index
    %get3A_274 = arith.constant 0 : index
    %get3A_275 = tpu.vector_load %arg8[%get3A_273, %get3A_274] {strides = array<i32>} : memref<64x64xf32, #tpu.memory_space<vmem>>, vector<16xf32>,
    %add3A_276 = arith.addf %add3A_271, %get3A_275 : vector<16xf32>
    %get3A_277 = arith.constant 54 : i32
    %get3A_278 = arith.index_cast %get3A_277 : i32 to index
    %get3A_279 = arith.constant 0 : index
    %get3A_280 = tpu.vector_load %arg8[%get3A_278, %get3A_279] {strides = array<i32>} : memref<64x64xf32, #tpu.memory_space<vmem>>, vector<16xf32>,
    %add3A_281 = arith.addf %add3A_276, %get3A_280 : vector<16xf32>
    %get3A_282 = arith.constant 55 : i32
    %get3A_283 = arith.index_cast %get3A_282 : i32 to index
    %get3A_284 = arith.constant 0 : index
    %get3A_285 = tpu.vector_load %arg8[%get3A_283, %get3A_284] {strides = array<i32>} : memref<64x64xf32, #tpu.memory_space<vmem>>, vector<16xf32>,
    %add3A_286 = arith.addf %add3A_281, %get3A_285 : vector<16xf32>
    %get3A_287 = arith.constant 56 : i32
    %get3A_288 = arith.index_cast %get3A_287 : i32 to index
    %get3A_289 = arith.constant 0 : index
    %get3A_290 = tpu.vector_load %arg8[%get3A_288, %get3A_289] {strides = array<i32>} : memref<64x64xf32, #tpu.memory_space<vmem>>, vector<16xf32>,
    %add3A_291 = arith.addf %add3A_286, %get3A_290 : vector<16xf32>
    %get3A_292 = arith.constant 57 : i32
    %get3A_293 = arith.index_cast %get3A_292 : i32 to index
    %get3A_294 = arith.constant 0 : index
    %get3A_295 = tpu.vector_load %arg8[%get3A_293, %get3A_294] {strides = array<i32>} : memref<64x64xf32, #tpu.memory_space<vmem>>, vector<16xf32>,
    %add3A_296 = arith.addf %add3A_291, %get3A_295 : vector<16xf32>
    %get3A_297 = arith.constant 58 : i32
    %get3A_298 = arith.index_cast %get3A_297 : i32 to index
    %get3A_299 = arith.constant 0 : index
    %get3A_300 = tpu.vector_load %arg8[%get3A_298, %get3A_299] {strides = array<i32>} : memref<64x64xf32, #tpu.memory_space<vmem>>, vector<16xf32>,
    %add3A_301 = arith.addf %add3A_296, %get3A_300 : vector<16xf32>
    %get3A_302 = arith.constant 59 : i32
    %get3A_303 = arith.index_cast %get3A_302 : i32 to index
    %get3A_304 = arith.constant 0 : index
    %get3A_305 = tpu.vector_load %arg8[%get3A_303, %get3A_304] {strides = array<i32>} : memref<64x64xf32, #tpu.memory_space<vmem>>, vector<16xf32>,
    %add3A_306 = arith.addf %add3A_301, %get3A_305 : vector<16xf32>
    %get3A_307 = arith.constant 60 : i32
    %get3A_308 = arith.index_cast %get3A_307 : i32 to index
    %get3A_309 = arith.constant 0 : index
    %get3A_310 = tpu.vector_load %arg8[%get3A_308, %get3A_309] {strides = array<i32>} : memref<64x64xf32, #tpu.memory_space<vmem>>, vector<16xf32>,
    %add3A_311 = arith.addf %add3A_306, %get3A_310 : vector<16xf32>
    %get3A_312 = arith.constant 61 : i32
    %get3A_313 = arith.index_cast %get3A_312 : i32 to index
    %get3A_314 = arith.constant 0 : index
    %get3A_315 = tpu.vector_load %arg8[%get3A_313, %get3A_314] {strides = array<i32>} : memref<64x64xf32, #tpu.memory_space<vmem>>, vector<16xf32>,
    %add3A_316 = arith.addf %add3A_311, %get3A_315 : vector<16xf32>
    %get3A_317 = arith.constant 62 : i32
    %get3A_318 = arith.index_cast %get3A_317 : i32 to index
    %get3A_319 = arith.constant 0 : index
    %get3A_320 = tpu.vector_load %arg8[%get3A_318, %get3A_319] {strides = array<i32>} : memref<64x64xf32, #tpu.memory_space<vmem>>, vector<16xf32>,
    %add3A_321 = arith.addf %add3A_316, %get3A_320 : vector<16xf32>
    %get3A_322 = arith.constant 63 : i32
    %get3A_323 = arith.index_cast %get3A_322 : i32 to index
    %get3A_324 = arith.constant 0 : index
    %get3A_325 = tpu.vector_load %arg8[%get3A_323, %get3A_324] {strides = array<i32>} : memref<64x64xf32, #tpu.memory_space<vmem>>, vector<16xf32>,
    %add3A_326 = arith.addf %add3A_321, %get3A_325 : vector<16xf32>
    %mul3A_327 = arith.constant 1.562500e-02 : f32
    %mul3A_328 = vector.broadcast %mul3A_327 : f32 to vector<16xf32>
    %mul3A_329 = arith.mulf %add3A_326, %mul3A_328 : vector<16xf32>
    %bitcast_convert_type3A = tpu.bitcast %mul3A_329 : vector<16xf32> -> vector<16xi32>
    %shift_right_logical3A = arith.constant 16 : i32
    %shift_right_logical3A_330 = vector.broadcast %shift_right_logical3A : i32 to vector<16xi32>
    %shift_right_logical3A_331 = arith.shrui %bitcast_convert_type3A, %shift_right_logical3A_330 : vector<16xi32>
    %and3A = arith.constant 1 : i32
    %and3A_332 = vector.broadcast %and3A : i32 to vector<16xi32>
    %and3A_333 = arith.andi %shift_right_logical3A_331, %and3A_332 : vector<16xi32>
    %add3A_334 = arith.constant 32767 : i32
    %add3A_335 = vector.broadcast %add3A_334 : i32 to vector<16xi32>
    %add3A_336 = arith.addi %bitcast_convert_type3A, %add3A_335 : vector<16xi32>
    %add3A_337 = arith.addi %add3A_336, %and3A_333 : vector<16xi32>
    %and3A_338 = arith.constant -65536 : i32
    %and3A_339 = vector.broadcast %and3A_338 : i32 to vector<16xi32>
    %and3A_340 = arith.andi %add3A_337, %and3A_339 : vector<16xi32>
    %bitcast_convert_type3A_341 = tpu.bitcast %and3A_340 : vector<16xi32> -> vector<16xf32>
    %get3A_342 = arith.constant 0 : index
    %get3A_343 = tpu.vector_load %arg9[%get3A_342] {strides = array<i32>} : memref<64xf32, #tpu.memory_space<vmem>>, vector<16xf32>,
    %bitcast_convert_type3A_344 = tpu.bitcast %get3A_343 : vector<16xf32> -> vector<16xi32>
    %shift_right_logical3A_345 = arith.constant 16 : i32
    %shift_right_logical3A_346 = vector.broadcast %shift_right_logical3A_345 : i32 to vector<16xi32>
    %shift_right_logical3A_347 = arith.shrui %bitcast_convert_type3A_344, %shift_right_logical3A_346 : vector<16xi32>
    %and3A_348 = arith.constant 1 : i32
    %and3A_349 = vector.broadcast %and3A_348 : i32 to vector<16xi32>
    %and3A_350 = arith.andi %shift_right_logical3A_347, %and3A_349 : vector<16xi32>
    %add3A_351 = arith.constant 32767 : i32
    %add3A_352 = vector.broadcast %add3A_351 : i32 to vector<16xi32>
    %add3A_353 = arith.addi %bitcast_convert_type3A_344, %add3A_352 : vector<16xi32>
    %add3A_354 = arith.addi %add3A_353, %and3A_350 : vector<16xi32>
    %and3A_355 = arith.constant -65536 : i32
    %and3A_356 = vector.broadcast %and3A_355 : i32 to vector<16xi32>
    %and3A_357 = arith.andi %add3A_354, %and3A_356 : vector<16xi32>
    %bitcast_convert_type3A_358 = tpu.bitcast %and3A_357 : vector<16xi32> -> vector<16xf32>
    %mul3A_359 = arith.mulf %bitcast_convert_type3A_341, %bitcast_convert_type3A_358 : vector<16xf32>
    %add3A_360 = arith.addf %broadcast_in_dim3A_5, %mul3A_359 : vector<16xf32>
    %broadcast_in_dim3A_361 = arith.constant 0.000000e+00 : f32
    %broadcast_in_dim3A_362 = vector.broadcast %broadcast_in_dim3A_361 : f32 to vector<16xf32>
    %get3A_363 = arith.constant 0 : i32
    %get3A_364 = arith.index_cast %get3A_363 : i32 to index
    %get3A_365 = arith.constant 16 : index
    %get3A_366 = tpu.vector_load %arg8[%get3A_364, %get3A_365] {strides = array<i32>} : memref<64x64xf32, #tpu.memory_space<vmem>>, vector<16xf32>,
    %add3A_367 = arith.addf %broadcast_in_dim3A_362, %get3A_366 : vector<16xf32>
    %get3A_368 = arith.constant 1 : i32
    %get3A_369 = arith.index_cast %get3A_368 : i32 to index
    %get3A_370 = arith.constant 16 : index
    %get3A_371 = tpu.vector_load %arg8[%get3A_369, %get3A_370] {strides = array<i32>} : memref<64x64xf32, #tpu.memory_space<vmem>>, vector<16xf32>,
    %add3A_372 = arith.addf %add3A_367, %get3A_371 : vector<16xf32>
    %get3A_373 = arith.constant 2 : i32
    %get3A_374 = arith.index_cast %get3A_373 : i32 to index
    %get3A_375 = arith.constant 16 : index
    %get3A_376 = tpu.vector_load %arg8[%get3A_374, %get3A_375] {strides = array<i32>} : memref<64x64xf32, #tpu.memory_space<vmem>>, vector<16xf32>,
    %add3A_377 = arith.addf %add3A_372, %get3A_376 : vector<16xf32>
    %get3A_378 = arith.constant 3 : i32
    %get3A_379 = arith.index_cast %get3A_378 : i32 to index
    %get3A_380 = arith.constant 16 : index
    %get3A_381 = tpu.vector_load %arg8[%get3A_379, %get3A_380] {strides = array<i32>} : memref<64x64xf32, #tpu.memory_space<vmem>>, vector<16xf32>,
    %add3A_382 = arith.addf %add3A_377, %get3A_381 : vector<16xf32>
    %get3A_383 = arith.constant 4 : i32
    %get3A_384 = arith.index_cast %get3A_383 : i32 to index
    %get3A_385 = arith.constant 16 : index
    %get3A_386 = tpu.vector_load %arg8[%get3A_384, %get3A_385] {strides = array<i32>} : memref<64x64xf32, #tpu.memory_space<vmem>>, vector<16xf32>,
    %add3A_387 = arith.addf %add3A_382, %get3A_386 : vector<16xf32>
    %get3A_388 = arith.constant 5 : i32
    %get3A_389 = arith.index_cast %get3A_388 : i32 to index
    %get3A_390 = arith.constant 16 : index
    %get3A_391 = tpu.vector_load %arg8[%get3A_389, %get3A_390] {strides = array<i32>} : memref<64x64xf32, #tpu.memory_space<vmem>>, vector<16xf32>,
    %add3A_392 = arith.addf %add3A_387, %get3A_391 : vector<16xf32>
    %get3A_393 = arith.constant 6 : i32
    %get3A_394 = arith.index_cast %get3A_393 : i32 to index
    %get3A_395 = arith.constant 16 : index
    %get3A_396 = tpu.vector_load %arg8[%get3A_394, %get3A_395] {strides = array<i32>} : memref<64x64xf32, #tpu.memory_space<vmem>>, vector<16xf32>,
    %add3A_397 = arith.addf %add3A_392, %get3A_396 : vector<16xf32>
    %get3A_398 = arith.constant 7 : i32
    %get3A_399 = arith.index_cast %get3A_398 : i32 to index
    %get3A_400 = arith.constant 16 : index
    %get3A_401 = tpu.vector_load %arg8[%get3A_399, %get3A_400] {strides = array<i32>} : memref<64x64xf32, #tpu.memory_space<vmem>>, vector<16xf32>,
    %add3A_402 = arith.addf %add3A_397, %get3A_401 : vector<16xf32>
    %get3A_403 = arith.constant 8 : i32
    %get3A_404 = arith.index_cast %get3A_403 : i32 to index
    %get3A_405 = arith.constant 16 : index
    %get3A_406 = tpu.vector_load %arg8[%get3A_404, %get3A_405] {strides = array<i32>} : memref<64x64xf32, #tpu.memory_space<vmem>>, vector<16xf32>,
    %add3A_407 = arith.addf %add3A_402, %get3A_406 : vector<16xf32>
    %get3A_408 = arith.constant 9 : i32
    %get3A_409 = arith.index_cast %get3A_408 : i32 to index
    %get3A_410 = arith.constant 16 : index
    %get3A_411 = tpu.vector_load %arg8[%get3A_409, %get3A_410] {strides = array<i32>} : memref<64x64xf32, #tpu.memory_space<vmem>>, vector<16xf32>,
    %add3A_412 = arith.addf %add3A_407, %get3A_411 : vector<16xf32>
    %get3A_413 = arith.constant 10 : i32
    %get3A_414 = arith.index_cast %get3A_413 : i32 to index
    %get3A_415 = arith.constant 16 : index
    %get3A_416 = tpu.vector_load %arg8[%get3A_414, %get3A_415] {strides = array<i32>} : memref<64x64xf32, #tpu.memory_space<vmem>>, vector<16xf32>,
    %add3A_417 = arith.addf %add3A_412, %get3A_416 : vector<16xf32>
    %get3A_418 = arith.constant 11 : i32
    %get3A_419 = arith.index_cast %get3A_418 : i32 to index
    %get3A_420 = arith.constant 16 : index
    %get3A_421 = tpu.vector_load %arg8[%get3A_419, %get3A_420] {strides = array<i32>} : memref<64x64xf32, #tpu.memory_space<vmem>>, vector<16xf32>,
    %add3A_422 = arith.addf %add3A_417, %get3A_421 : vector<16xf32>
    %get3A_423 = arith.constant 12 : i32
    %get3A_424 = arith.index_cast %get3A_423 : i32 to index
    %get3A_425 = arith.constant 16 : index
    %get3A_426 = tpu.vector_load %arg8[%get3A_424, %get3A_425] {strides = array<i32>} : memref<64x64xf32, #tpu.memory_space<vmem>>, vector<16xf32>,
    %add3A_427 = arith.addf %add3A_422, %get3A_426 : vector<16xf32>
    %get3A_428 = arith.constant 13 : i32
    %get3A_429 = arith.index_cast %get3A_428 : i32 to index
    %get3A_430 = arith.constant 16 : index
    %get3A_431 = tpu.vector_load %arg8[%get3A_429, %get3A_430] {strides = array<i32>} : memref<64x64xf32, #tpu.memory_space<vmem>>, vector<16xf32>,
    %add3A_432 = arith.addf %add3A_427, %get3A_431 : vector<16xf32>
    %get3A_433 = arith.constant 14 : i32
    %get3A_434 = arith.index_cast %get3A_433 : i32 to index
    %get3A_435 = arith.constant 16 : index
    %get3A_436 = tpu.vector_load %arg8[%get3A_434, %get3A_435] {strides = array<i32>} : memref<64x64xf32, #tpu.memory_space<vmem>>, vector<16xf32>,
    %add3A_437 = arith.addf %add3A_432, %get3A_436 : vector<16xf32>
    %get3A_438 = arith.constant 15 : i32
    %get3A_439 = arith.index_cast %get3A_438 : i32 to index
    %get3A_440 = arith.constant 16 : index
    %get3A_441 = tpu.vector_load %arg8[%get3A_439, %get3A_440] {strides = array<i32>} : memref<64x64xf32, #tpu.memory_space<vmem>>, vector<16xf32>,
    %add3A_442 = arith.addf %add3A_437, %get3A_441 : vector<16xf32>
    %get3A_443 = arith.constant 16 : i32
    %get3A_444 = arith.index_cast %get3A_443 : i32 to index
    %get3A_445 = arith.constant 16 : index
    %get3A_446 = tpu.vector_load %arg8[%get3A_444, %get3A_445] {strides = array<i32>} : memref<64x64xf32, #tpu.memory_space<vmem>>, vector<16xf32>,
    %add3A_447 = arith.addf %add3A_442, %get3A_446 : vector<16xf32>
    %get3A_448 = arith.constant 17 : i32
    %get3A_449 = arith.index_cast %get3A_448 : i32 to index
    %get3A_450 = arith.constant 16 : index
    %get3A_451 = tpu.vector_load %arg8[%get3A_449, %get3A_450] {strides = array<i32>} : memref<64x64xf32, #tpu.memory_space<vmem>>, vector<16xf32>,
    %add3A_452 = arith.addf %add3A_447, %get3A_451 : vector<16xf32>
    %get3A_453 = arith.constant 18 : i32
    %get3A_454 = arith.index_cast %get3A_453 : i32 to index
    %get3A_455 = arith.constant 16 : index
    %get3A_456 = tpu.vector_load %arg8[%get3A_454, %get3A_455] {strides = array<i32>} : memref<64x64xf32, #tpu.memory_space<vmem>>, vector<16xf32>,
    %add3A_457 = arith.addf %add3A_452, %get3A_456 : vector<16xf32>
    %get3A_458 = arith.constant 19 : i32
    %get3A_459 = arith.index_cast %get3A_458 : i32 to index
    %get3A_460 = arith.constant 16 : index
    %get3A_461 = tpu.vector_load %arg8[%get3A_459, %get3A_460] {strides = array<i32>} : memref<64x64xf32, #tpu.memory_space<vmem>>, vector<16xf32>,
    %add3A_462 = arith.addf %add3A_457, %get3A_461 : vector<16xf32>
    %get3A_463 = arith.constant 20 : i32
    %get3A_464 = arith.index_cast %get3A_463 : i32 to index
    %get3A_465 = arith.constant 16 : index
    %get3A_466 = tpu.vector_load %arg8[%get3A_464, %get3A_465] {strides = array<i32>} : memref<64x64xf32, #tpu.memory_space<vmem>>, vector<16xf32>,
    %add3A_467 = arith.addf %add3A_462, %get3A_466 : vector<16xf32>
    %get3A_468 = arith.constant 21 : i32
    %get3A_469 = arith.index_cast %get3A_468 : i32 to index
    %get3A_470 = arith.constant 16 : index
    %get3A_471 = tpu.vector_load %arg8[%get3A_469, %get3A_470] {strides = array<i32>} : memref<64x64xf32, #tpu.memory_space<vmem>>, vector<16xf32>,
    %add3A_472 = arith.addf %add3A_467, %get3A_471 : vector<16xf32>
    %get3A_473 = arith.constant 22 : i32
    %get3A_474 = arith.index_cast %get3A_473 : i32 to index
    %get3A_475 = arith.constant 16 : index
    %get3A_476 = tpu.vector_load %arg8[%get3A_474, %get3A_475] {strides = array<i32>} : memref<64x64xf32, #tpu.memory_space<vmem>>, vector<16xf32>,
    %add3A_477 = arith.addf %add3A_472, %get3A_476 : vector<16xf32>
    %get3A_478 = arith.constant 23 : i32
    %get3A_479 = arith.index_cast %get3A_478 : i32 to index
    %get3A_480 = arith.constant 16 : index
    %get3A_481 = tpu.vector_load %arg8[%get3A_479, %get3A_480] {strides = array<i32>} : memref<64x64xf32, #tpu.memory_space<vmem>>, vector<16xf32>,
    %add3A_482 = arith.addf %add3A_477, %get3A_481 : vector<16xf32>
    %get3A_483 = arith.constant 24 : i32
    %get3A_484 = arith.index_cast %get3A_483 : i32 to index
    %get3A_485 = arith.constant 16 : index
    %get3A_486 = tpu.vector_load %arg8[%get3A_484, %get3A_485] {strides = array<i32>} : memref<64x64xf32, #tpu.memory_space<vmem>>, vector<16xf32>,
    %add3A_487 = arith.addf %add3A_482, %get3A_486 : vector<16xf32>
    %get3A_488 = arith.constant 25 : i32
    %get3A_489 = arith.index_cast %get3A_488 : i32 to index
    %get3A_490 = arith.constant 16 : index
    %get3A_491 = tpu.vector_load %arg8[%get3A_489, %get3A_490] {strides = array<i32>} : memref<64x64xf32, #tpu.memory_space<vmem>>, vector<16xf32>,
    %add3A_492 = arith.addf %add3A_487, %get3A_491 : vector<16xf32>
    %get3A_493 = arith.constant 26 : i32
    %get3A_494 = arith.index_cast %get3A_493 : i32 to index
    %get3A_495 = arith.constant 16 : index
    %get3A_496 = tpu.vector_load %arg8[%get3A_494, %get3A_495] {strides = array<i32>} : memref<64x64xf32, #tpu.memory_space<vmem>>, vector<16xf32>,
    %add3A_497 = arith.addf %add3A_492, %get3A_496 : vector<16xf32>
    %get3A_498 = arith.constant 27 : i32
    %get3A_499 = arith.index_cast %get3A_498 : i32 to index
    %get3A_500 = arith.constant 16 : index
    %get3A_501 = tpu.vector_load %arg8[%get3A_499, %get3A_500] {strides = array<i32>} : memref<64x64xf32, #tpu.memory_space<vmem>>, vector<16xf32>,
    %add3A_502 = arith.addf %add3A_497, %get3A_501 : vector<16xf32>
    %get3A_503 = arith.constant 28 : i32
    %get3A_504 = arith.index_cast %get3A_503 : i32 to index
    %get3A_505 = arith.constant 16 : index
    %get3A_506 = tpu.vector_load %arg8[%get3A_504, %get3A_505] {strides = array<i32>} : memref<64x64xf32, #tpu.memory_space<vmem>>, vector<16xf32>,
    %add3A_507 = arith.addf %add3A_502, %get3A_506 : vector<16xf32>
    %get3A_508 = arith.constant 29 : i32
    %get3A_509 = arith.index_cast %get3A_508 : i32 to index
    %get3A_510 = arith.constant 16 : index
    %get3A_511 = tpu.vector_load %arg8[%get3A_509, %get3A_510] {strides = array<i32>} : memref<64x64xf32, #tpu.memory_space<vmem>>, vector<16xf32>,
    %add3A_512 = arith.addf %add3A_507, %get3A_511 : vector<16xf32>
    %get3A_513 = arith.constant 30 : i32
    %get3A_514 = arith.index_cast %get3A_513 : i32 to index
    %get3A_515 = arith.constant 16 : index
    %get3A_516 = tpu.vector_load %arg8[%get3A_514, %get3A_515] {strides = array<i32>} : memref<64x64xf32, #tpu.memory_space<vmem>>, vector<16xf32>,
    %add3A_517 = arith.addf %add3A_512, %get3A_516 : vector<16xf32>
    %get3A_518 = arith.constant 31 : i32
    %get3A_519 = arith.index_cast %get3A_518 : i32 to index
    %get3A_520 = arith.constant 16 : index
    %get3A_521 = tpu.vector_load %arg8[%get3A_519, %get3A_520] {strides = array<i32>} : memref<64x64xf32, #tpu.memory_space<vmem>>, vector<16xf32>,
    %add3A_522 = arith.addf %add3A_517, %get3A_521 : vector<16xf32>
    %get3A_523 = arith.constant 32 : i32
    %get3A_524 = arith.index_cast %get3A_523 : i32 to index
    %get3A_525 = arith.constant 16 : index
    %get3A_526 = tpu.vector_load %arg8[%get3A_524, %get3A_525] {strides = array<i32>} : memref<64x64xf32, #tpu.memory_space<vmem>>, vector<16xf32>,
    %add3A_527 = arith.addf %add3A_522, %get3A_526 : vector<16xf32>
    %get3A_528 = arith.constant 33 : i32
    %get3A_529 = arith.index_cast %get3A_528 : i32 to index
    %get3A_530 = arith.constant 16 : index
    %get3A_531 = tpu.vector_load %arg8[%get3A_529, %get3A_530] {strides = array<i32>} : memref<64x64xf32, #tpu.memory_space<vmem>>, vector<16xf32>,
    %add3A_532 = arith.addf %add3A_527, %get3A_531 : vector<16xf32>
    %get3A_533 = arith.constant 34 : i32
    %get3A_534 = arith.index_cast %get3A_533 : i32 to index
    %get3A_535 = arith.constant 16 : index
    %get3A_536 = tpu.vector_load %arg8[%get3A_534, %get3A_535] {strides = array<i32>} : memref<64x64xf32, #tpu.memory_space<vmem>>, vector<16xf32>,
    %add3A_537 = arith.addf %add3A_532, %get3A_536 : vector<16xf32>
    %get3A_538 = arith.constant 35 : i32
    %get3A_539 = arith.index_cast %get3A_538 : i32 to index
    %get3A_540 = arith.constant 16 : index
    %get3A_541 = tpu.vector_load %arg8[%get3A_539, %get3A_540] {strides = array<i32>} : memref<64x64xf32, #tpu.memory_space<vmem>>, vector<16xf32>,
    %add3A_542 = arith.addf %add3A_537, %get3A_541 : vector<16xf32>
    %get3A_543 = arith.constant 36 : i32
    %get3A_544 = arith.index_cast %get3A_543 : i32 to index
    %get3A_545 = arith.constant 16 : index
    %get3A_546 = tpu.vector_load %arg8[%get3A_544, %get3A_545] {strides = array<i32>} : memref<64x64xf32, #tpu.memory_space<vmem>>, vector<16xf32>,
    %add3A_547 = arith.addf %add3A_542, %get3A_546 : vector<16xf32>
    %get3A_548 = arith.constant 37 : i32
    %get3A_549 = arith.index_cast %get3A_548 : i32 to index
    %get3A_550 = arith.constant 16 : index
    %get3A_551 = tpu.vector_load %arg8[%get3A_549, %get3A_550] {strides = array<i32>} : memref<64x64xf32, #tpu.memory_space<vmem>>, vector<16xf32>,
    %add3A_552 = arith.addf %add3A_547, %get3A_551 : vector<16xf32>
    %get3A_553 = arith.constant 38 : i32
    %get3A_554 = arith.index_cast %get3A_553 : i32 to index
    %get3A_555 = arith.constant 16 : index
    %get3A_556 = tpu.vector_load %arg8[%get3A_554, %get3A_555] {strides = array<i32>} : memref<64x64xf32, #tpu.memory_space<vmem>>, vector<16xf32>,
    %add3A_557 = arith.addf %add3A_552, %get3A_556 : vector<16xf32>
    %get3A_558 = arith.constant 39 : i32
    %get3A_559 = arith.index_cast %get3A_558 : i32 to index
    %get3A_560 = arith.constant 16 : index
    %get3A_561 = tpu.vector_load %arg8[%get3A_559, %get3A_560] {strides = array<i32>} : memref<64x64xf32, #tpu.memory_space<vmem>>, vector<16xf32>,
    %add3A_562 = arith.addf %add3A_557, %get3A_561 : vector<16xf32>
    %get3A_563 = arith.constant 40 : i32
    %get3A_564 = arith.index_cast %get3A_563 : i32 to index
    %get3A_565 = arith.constant 16 : index
    %get3A_566 = tpu.vector_load %arg8[%get3A_564, %get3A_565] {strides = array<i32>} : memref<64x64xf32, #tpu.memory_space<vmem>>, vector<16xf32>,
    %add3A_567 = arith.addf %add3A_562, %get3A_566 : vector<16xf32>
    %get3A_568 = arith.constant 41 : i32
    %get3A_569 = arith.index_cast %get3A_568 : i32 to index
    %get3A_570 = arith.constant 16 : index
    %get3A_571 = tpu.vector_load %arg8[%get3A_569, %get3A_570] {strides = array<i32>} : memref<64x64xf32, #tpu.memory_space<vmem>>, vector<16xf32>,
    %add3A_572 = arith.addf %add3A_567, %get3A_571 : vector<16xf32>
    %get3A_573 = arith.constant 42 : i32
    %get3A_574 = arith.index_cast %get3A_573 : i32 to index
    %get3A_575 = arith.constant 16 : index
    %get3A_576 = tpu.vector_load %arg8[%get3A_574, %get3A_575] {strides = array<i32>} : memref<64x64xf32, #tpu.memory_space<vmem>>, vector<16xf32>,
    %add3A_577 = arith.addf %add3A_572, %get3A_576 : vector<16xf32>
    %get3A_578 = arith.constant 43 : i32
    %get3A_579 = arith.index_cast %get3A_578 : i32 to index
    %get3A_580 = arith.constant 16 : index
    %get3A_581 = tpu.vector_load %arg8[%get3A_579, %get3A_580] {strides = array<i32>} : memref<64x64xf32, #tpu.memory_space<vmem>>, vector<16xf32>,
    %add3A_582 = arith.addf %add3A_577, %get3A_581 : vector<16xf32>
    %get3A_583 = arith.constant 44 : i32
    %get3A_584 = arith.index_cast %get3A_583 : i32 to index
    %get3A_585 = arith.constant 16 : index
    %get3A_586 = tpu.vector_load %arg8[%get3A_584, %get3A_585] {strides = array<i32>} : memref<64x64xf32, #tpu.memory_space<vmem>>, vector<16xf32>,
    %add3A_587 = arith.addf %add3A_582, %get3A_586 : vector<16xf32>
    %get3A_588 = arith.constant 45 : i32
    %get3A_589 = arith.index_cast %get3A_588 : i32 to index
    %get3A_590 = arith.constant 16 : index
    %get3A_591 = tpu.vector_load %arg8[%get3A_589, %get3A_590] {strides = array<i32>} : memref<64x64xf32, #tpu.memory_space<vmem>>, vector<16xf32>,
    %add3A_592 = arith.addf %add3A_587, %get3A_591 : vector<16xf32>
    %get3A_593 = arith.constant 46 : i32
    %get3A_594 = arith.index_cast %get3A_593 : i32 to index
    %get3A_595 = arith.constant 16 : index
    %get3A_596 = tpu.vector_load %arg8[%get3A_594, %get3A_595] {strides = array<i32>} : memref<64x64xf32, #tpu.memory_space<vmem>>, vector<16xf32>,
    %add3A_597 = arith.addf %add3A_592, %get3A_596 : vector<16xf32>
    %get3A_598 = arith.constant 47 : i32
    %get3A_599 = arith.index_cast %get3A_598 : i32 to index
    %get3A_600 = arith.constant 16 : index
    %get3A_601 = tpu.vector_load %arg8[%get3A_599, %get3A_600] {strides = array<i32>} : memref<64x64xf32, #tpu.memory_space<vmem>>, vector<16xf32>,
    %add3A_602 = arith.addf %add3A_597, %get3A_601 : vector<16xf32>
    %get3A_603 = arith.constant 48 : i32
    %get3A_604 = arith.index_cast %get3A_603 : i32 to index
    %get3A_605 = arith.constant 16 : index
    %get3A_606 = tpu.vector_load %arg8[%get3A_604, %get3A_605] {strides = array<i32>} : memref<64x64xf32, #tpu.memory_space<vmem>>, vector<16xf32>,
    %add3A_607 = arith.addf %add3A_602, %get3A_606 : vector<16xf32>
    %get3A_608 = arith.constant 49 : i32
    %get3A_609 = arith.index_cast %get3A_608 : i32 to index
    %get3A_610 = arith.constant 16 : index
    %get3A_611 = tpu.vector_load %arg8[%get3A_609, %get3A_610] {strides = array<i32>} : memref<64x64xf32, #tpu.memory_space<vmem>>, vector<16xf32>,
    %add3A_612 = arith.addf %add3A_607, %get3A_611 : vector<16xf32>
    %get3A_613 = arith.constant 50 : i32
    %get3A_614 = arith.index_cast %get3A_613 : i32 to index
    %get3A_615 = arith.constant 16 : index
    %get3A_616 = tpu.vector_load %arg8[%get3A_614, %get3A_615] {strides = array<i32>} : memref<64x64xf32, #tpu.memory_space<vmem>>, vector<16xf32>,
    %add3A_617 = arith.addf %add3A_612, %get3A_616 : vector<16xf32>
    %get3A_618 = arith.constant 51 : i32
    %get3A_619 = arith.index_cast %get3A_618 : i32 to index
    %get3A_620 = arith.constant 16 : index
    %get3A_621 = tpu.vector_load %arg8[%get3A_619, %get3A_620] {strides = array<i32>} : memref<64x64xf32, #tpu.memory_space<vmem>>, vector<16xf32>,
    %add3A_622 = arith.addf %add3A_617, %get3A_621 : vector<16xf32>
    %get3A_623 = arith.constant 52 : i32
    %get3A_624 = arith.index_cast %get3A_623 : i32 to index
    %get3A_625 = arith.constant 16 : index
    %get3A_626 = tpu.vector_load %arg8[%get3A_624, %get3A_625] {strides = array<i32>} : memref<64x64xf32, #tpu.memory_space<vmem>>, vector<16xf32>,
    %add3A_627 = arith.addf %add3A_622, %get3A_626 : vector<16xf32>
    %get3A_628 = arith.constant 53 : i32
    %get3A_629 = arith.index_cast %get3A_628 : i32 to index
    %get3A_630 = arith.constant 16 : index
    %get3A_631 = tpu.vector_load %arg8[%get3A_629, %get3A_630] {strides = array<i32>} : memref<64x64xf32, #tpu.memory_space<vmem>>, vector<16xf32>,
    %add3A_632 = arith.addf %add3A_627, %get3A_631 : vector<16xf32>
    %get3A_633 = arith.constant 54 : i32
    %get3A_634 = arith.index_cast %get3A_633 : i32 to index
    %get3A_635 = arith.constant 16 : index
    %get3A_636 = tpu.vector_load %arg8[%get3A_634, %get3A_635] {strides = array<i32>} : memref<64x64xf32, #tpu.memory_space<vmem>>, vector<16xf32>,
    %add3A_637 = arith.addf %add3A_632, %get3A_636 : vector<16xf32>
    %get3A_638 = arith.constant 55 : i32
    %get3A_639 = arith.index_cast %get3A_638 : i32 to index
    %get3A_640 = arith.constant 16 : index
    %get3A_641 = tpu.vector_load %arg8[%get3A_639, %get3A_640] {strides = array<i32>} : memref<64x64xf32, #tpu.memory_space<vmem>>, vector<16xf32>,
    %add3A_642 = arith.addf %add3A_637, %get3A_641 : vector<16xf32>
    %get3A_643 = arith.constant 56 : i32
    %get3A_644 = arith.index_cast %get3A_643 : i32 to index
    %get3A_645 = arith.constant 16 : index
    %get3A_646 = tpu.vector_load %arg8[%get3A_644, %get3A_645] {strides = array<i32>} : memref<64x64xf32, #tpu.memory_space<vmem>>, vector<16xf32>,
    %add3A_647 = arith.addf %add3A_642, %get3A_646 : vector<16xf32>
    %get3A_648 = arith.constant 57 : i32
    %get3A_649 = arith.index_cast %get3A_648 : i32 to index
    %get3A_650 = arith.constant 16 : index
    %get3A_651 = tpu.vector_load %arg8[%get3A_649, %get3A_650] {strides = array<i32>} : memref<64x64xf32, #tpu.memory_space<vmem>>, vector<16xf32>,
    %add3A_652 = arith.addf %add3A_647, %get3A_651 : vector<16xf32>
    %get3A_653 = arith.constant 58 : i32
    %get3A_654 = arith.index_cast %get3A_653 : i32 to index
    %get3A_655 = arith.constant 16 : index
    %get3A_656 = tpu.vector_load %arg8[%get3A_654, %get3A_655] {strides = array<i32>} : memref<64x64xf32, #tpu.memory_space<vmem>>, vector<16xf32>,
    %add3A_657 = arith.addf %add3A_652, %get3A_656 : vector<16xf32>
    %get3A_658 = arith.constant 59 : i32
    %get3A_659 = arith.index_cast %get3A_658 : i32 to index
    %get3A_660 = arith.constant 16 : index
    %get3A_661 = tpu.vector_load %arg8[%get3A_659, %get3A_660] {strides = array<i32>} : memref<64x64xf32, #tpu.memory_space<vmem>>, vector<16xf32>,
    %add3A_662 = arith.addf %add3A_657, %get3A_661 : vector<16xf32>
    %get3A_663 = arith.constant 60 : i32
    %get3A_664 = arith.index_cast %get3A_663 : i32 to index
    %get3A_665 = arith.constant 16 : index
    %get3A_666 = tpu.vector_load %arg8[%get3A_664, %get3A_665] {strides = array<i32>} : memref<64x64xf32, #tpu.memory_space<vmem>>, vector<16xf32>,
    %add3A_667 = arith.addf %add3A_662, %get3A_666 : vector<16xf32>
    %get3A_668 = arith.constant 61 : i32
    %get3A_669 = arith.index_cast %get3A_668 : i32 to index
    %get3A_670 = arith.constant 16 : index
    %get3A_671 = tpu.vector_load %arg8[%get3A_669, %get3A_670] {strides = array<i32>} : memref<64x64xf32, #tpu.memory_space<vmem>>, vector<16xf32>,
    %add3A_672 = arith.addf %add3A_667, %get3A_671 : vector<16xf32>
    %get3A_673 = arith.constant 62 : i32
    %get3A_674 = arith.index_cast %get3A_673 : i32 to index
    %get3A_675 = arith.constant 16 : index
    %get3A_676 = tpu.vector_load %arg8[%get3A_674, %get3A_675] {strides = array<i32>} : memref<64x64xf32, #tpu.memory_space<vmem>>, vector<16xf32>,
    %add3A_677 = arith.addf %add3A_672, %get3A_676 : vector<16xf32>
    %get3A_678 = arith.constant 63 : i32
    %get3A_679 = arith.index_cast %get3A_678 : i32 to index
    %get3A_680 = arith.constant 16 : index
    %get3A_681 = tpu.vector_load %arg8[%get3A_679, %get3A_680] {strides = array<i32>} : memref<64x64xf32, #tpu.memory_space<vmem>>, vector<16xf32>,
    %add3A_682 = arith.addf %add3A_677, %get3A_681 : vector<16xf32>
    %mul3A_683 = arith.constant 1.562500e-02 : f32
    %mul3A_684 = vector.broadcast %mul3A_683 : f32 to vector<16xf32>
    %mul3A_685 = arith.mulf %add3A_682, %mul3A_684 : vector<16xf32>
    %bitcast_convert_type3A_686 = tpu.bitcast %mul3A_685 : vector<16xf32> -> vector<16xi32>
    %shift_right_logical3A_687 = arith.constant 16 : i32
    %shift_right_logical3A_688 = vector.broadcast %shift_right_logical3A_687 : i32 to vector<16xi32>
    %shift_right_logical3A_689 = arith.shrui %bitcast_convert_type3A_686, %shift_right_logical3A_688 : vector<16xi32>
    %and3A_690 = arith.constant 1 : i32
    %and3A_691 = vector.broadcast %and3A_690 : i32 to vector<16xi32>
    %and3A_692 = arith.andi %shift_right_logical3A_689, %and3A_691 : vector<16xi32>
    %add3A_693 = arith.constant 32767 : i32
    %add3A_694 = vector.broadcast %add3A_693 : i32 to vector<16xi32>
    %add3A_695 = arith.addi %bitcast_convert_type3A_686, %add3A_694 : vector<16xi32>
    %add3A_696 = arith.addi %add3A_695, %and3A_692 : vector<16xi32>
    %and3A_697 = arith.constant -65536 : i32
    %and3A_698 = vector.broadcast %and3A_697 : i32 to vector<16xi32>
    %and3A_699 = arith.andi %add3A_696, %and3A_698 : vector<16xi32>
    %bitcast_convert_type3A_700 = tpu.bitcast %and3A_699 : vector<16xi32> -> vector<16xf32>
    %get3A_701 = arith.constant 16 : index
    %get3A_702 = tpu.vector_load %arg9[%get3A_701] {strides = array<i32>} : memref<64xf32, #tpu.memory_space<vmem>>, vector<16xf32>,
    %bitcast_convert_type3A_703 = tpu.bitcast %get3A_702 : vector<16xf32> -> vector<16xi32>
    %shift_right_logical3A_704 = arith.constant 16 : i32
    %shift_right_logical3A_705 = vector.broadcast %shift_right_logical3A_704 : i32 to vector<16xi32>
    %shift_right_logical3A_706 = arith.shrui %bitcast_convert_type3A_703, %shift_right_logical3A_705 : vector<16xi32>
    %and3A_707 = arith.constant 1 : i32
    %and3A_708 = vector.broadcast %and3A_707 : i32 to vector<16xi32>
    %and3A_709 = arith.andi %shift_right_logical3A_706, %and3A_708 : vector<16xi32>
    %add3A_710 = arith.constant 32767 : i32
    %add3A_711 = vector.broadcast %add3A_710 : i32 to vector<16xi32>
    %add3A_712 = arith.addi %bitcast_convert_type3A_703, %add3A_711 : vector<16xi32>
    %add3A_713 = arith.addi %add3A_712, %and3A_709 : vector<16xi32>
    %and3A_714 = arith.constant -65536 : i32
    %and3A_715 = vector.broadcast %and3A_714 : i32 to vector<16xi32>
    %and3A_716 = arith.andi %add3A_713, %and3A_715 : vector<16xi32>
    %bitcast_convert_type3A_717 = tpu.bitcast %and3A_716 : vector<16xi32> -> vector<16xf32>
    %mul3A_718 = arith.mulf %bitcast_convert_type3A_700, %bitcast_convert_type3A_717 : vector<16xf32>
    %add3A_719 = arith.addf %add3A_360, %mul3A_718 : vector<16xf32>
    %broadcast_in_dim3A_720 = arith.constant 0.000000e+00 : f32
    %broadcast_in_dim3A_721 = vector.broadcast %broadcast_in_dim3A_720 : f32 to vector<16xf32>
    %get3A_722 = arith.constant 0 : i32
    %get3A_723 = arith.index_cast %get3A_722 : i32 to index
    %get3A_724 = arith.constant 32 : index
    %get3A_725 = tpu.vector_load %arg8[%get3A_723, %get3A_724] {strides = array<i32>} : memref<64x64xf32, #tpu.memory_space<vmem>>, vector<16xf32>,
    %add3A_726 = arith.addf %broadcast_in_dim3A_721, %get3A_725 : vector<16xf32>
    %get3A_727 = arith.constant 1 : i32
    %get3A_728 = arith.index_cast %get3A_727 : i32 to index
    %get3A_729 = arith.constant 32 : index
    %get3A_730 = tpu.vector_load %arg8[%get3A_728, %get3A_729] {strides = array<i32>} : memref<64x64xf32, #tpu.memory_space<vmem>>, vector<16xf32>,
    %add3A_731 = arith.addf %add3A_726, %get3A_730 : vector<16xf32>
    %get3A_732 = arith.constant 2 : i32
    %get3A_733 = arith.index_cast %get3A_732 : i32 to index
    %get3A_734 = arith.constant 32 : index
    %get3A_735 = tpu.vector_load %arg8[%get3A_733, %get3A_734] {strides = array<i32>} : memref<64x64xf32, #tpu.memory_space<vmem>>, vector<16xf32>,
    %add3A_736 = arith.addf %add3A_731, %get3A_735 : vector<16xf32>
    %get3A_737 = arith.constant 3 : i32
    %get3A_738 = arith.index_cast %get3A_737 : i32 to index
    %get3A_739 = arith.constant 32 : index
    %get3A_740 = tpu.vector_load %arg8[%get3A_738, %get3A_739] {strides = array<i32>} : memref<64x64xf32, #tpu.memory_space<vmem>>, vector<16xf32>,
    %add3A_741 = arith.addf %add3A_736, %get3A_740 : vector<16xf32>
    %get3A_742 = arith.constant 4 : i32
    %get3A_743 = arith.index_cast %get3A_742 : i32 to index
    %get3A_744 = arith.constant 32 : index
    %get3A_745 = tpu.vector_load %arg8[%get3A_743, %get3A_744] {strides = array<i32>} : memref<64x64xf32, #tpu.memory_space<vmem>>, vector<16xf32>,
    %add3A_746 = arith.addf %add3A_741, %get3A_745 : vector<16xf32>
    %get3A_747 = arith.constant 5 : i32
    %get3A_748 = arith.index_cast %get3A_747 : i32 to index
    %get3A_749 = arith.constant 32 : index
    %get3A_750 = tpu.vector_load %arg8[%get3A_748, %get3A_749] {strides = array<i32>} : memref<64x64xf32, #tpu.memory_space<vmem>>, vector<16xf32>,
    %add3A_751 = arith.addf %add3A_746, %get3A_750 : vector<16xf32>
    %get3A_752 = arith.constant 6 : i32
    %get3A_753 = arith.index_cast %get3A_752 : i32 to index
    %get3A_754 = arith.constant 32 : index
    %get3A_755 = tpu.vector_load %arg8[%get3A_753, %get3A_754] {strides = array<i32>} : memref<64x64xf32, #tpu.memory_space<vmem>>, vector<16xf32>,
    %add3A_756 = arith.addf %add3A_751, %get3A_755 : vector<16xf32>
    %get3A_757 = arith.constant 7 : i32
    %get3A_758 = arith.index_cast %get3A_757 : i32 to index
    %get3A_759 = arith.constant 32 : index
    %get3A_760 = tpu.vector_load %arg8[%get3A_758, %get3A_759] {strides = array<i32>} : memref<64x64xf32, #tpu.memory_space<vmem>>, vector<16xf32>,
    %add3A_761 = arith.addf %add3A_756, %get3A_760 : vector<16xf32>
    %get3A_762 = arith.constant 8 : i32
    %get3A_763 = arith.index_cast %get3A_762 : i32 to index
    %get3A_764 = arith.constant 32 : index
    %get3A_765 = tpu.vector_load %arg8[%get3A_763, %get3A_764] {strides = array<i32>} : memref<64x64xf32, #tpu.memory_space<vmem>>, vector<16xf32>,
    %add3A_766 = arith.addf %add3A_761, %get3A_765 : vector<16xf32>
    %get3A_767 = arith.constant 9 : i32
    %get3A_768 = arith.index_cast %get3A_767 : i32 to index
    %get3A_769 = arith.constant 32 : index
    %get3A_770 = tpu.vector_load %arg8[%get3A_768, %get3A_769] {strides = array<i32>} : memref<64x64xf32, #tpu.memory_space<vmem>>, vector<16xf32>,
    %add3A_771 = arith.addf %add3A_766, %get3A_770 : vector<16xf32>
    %get3A_772 = arith.constant 10 : i32
    %get3A_773 = arith.index_cast %get3A_772 : i32 to index
    %get3A_774 = arith.constant 32 : index
    %get3A_775 = tpu.vector_load %arg8[%get3A_773, %get3A_774] {strides = array<i32>} : memref<64x64xf32, #tpu.memory_space<vmem>>, vector<16xf32>,
    %add3A_776 = arith.addf %add3A_771, %get3A_775 : vector<16xf32>
    %get3A_777 = arith.constant 11 : i32
    %get3A_778 = arith.index_cast %get3A_777 : i32 to index
    %get3A_779 = arith.constant 32 : index
    %get3A_780 = tpu.vector_load %arg8[%get3A_778, %get3A_779] {strides = array<i32>} : memref<64x64xf32, #tpu.memory_space<vmem>>, vector<16xf32>,
    %add3A_781 = arith.addf %add3A_776, %get3A_780 : vector<16xf32>
    %get3A_782 = arith.constant 12 : i32
    %get3A_783 = arith.index_cast %get3A_782 : i32 to index
    %get3A_784 = arith.constant 32 : index
    %get3A_785 = tpu.vector_load %arg8[%get3A_783, %get3A_784] {strides = array<i32>} : memref<64x64xf32, #tpu.memory_space<vmem>>, vector<16xf32>,
    %add3A_786 = arith.addf %add3A_781, %get3A_785 : vector<16xf32>
    %get3A_787 = arith.constant 13 : i32
    %get3A_788 = arith.index_cast %get3A_787 : i32 to index
    %get3A_789 = arith.constant 32 : index
    %get3A_790 = tpu.vector_load %arg8[%get3A_788, %get3A_789] {strides = array<i32>} : memref<64x64xf32, #tpu.memory_space<vmem>>, vector<16xf32>,
    %add3A_791 = arith.addf %add3A_786, %get3A_790 : vector<16xf32>
    %get3A_792 = arith.constant 14 : i32
    %get3A_793 = arith.index_cast %get3A_792 : i32 to index
    %get3A_794 = arith.constant 32 : index
    %get3A_795 = tpu.vector_load %arg8[%get3A_793, %get3A_794] {strides = array<i32>} : memref<64x64xf32, #tpu.memory_space<vmem>>, vector<16xf32>,
    %add3A_796 = arith.addf %add3A_791, %get3A_795 : vector<16xf32>
    %get3A_797 = arith.constant 15 : i32
    %get3A_798 = arith.index_cast %get3A_797 : i32 to index
    %get3A_799 = arith.constant 32 : index
    %get3A_800 = tpu.vector_load %arg8[%get3A_798, %get3A_799] {strides = array<i32>} : memref<64x64xf32, #tpu.memory_space<vmem>>, vector<16xf32>,
    %add3A_801 = arith.addf %add3A_796, %get3A_800 : vector<16xf32>
    %get3A_802 = arith.constant 16 : i32
    %get3A_803 = arith.index_cast %get3A_802 : i32 to index
    %get3A_804 = arith.constant 32 : index
    %get3A_805 = tpu.vector_load %arg8[%get3A_803, %get3A_804] {strides = array<i32>} : memref<64x64xf32, #tpu.memory_space<vmem>>, vector<16xf32>,
    %add3A_806 = arith.addf %add3A_801, %get3A_805 : vector<16xf32>
    %get3A_807 = arith.constant 17 : i32
    %get3A_808 = arith.index_cast %get3A_807 : i32 to index
    %get3A_809 = arith.constant 32 : index
    %get3A_810 = tpu.vector_load %arg8[%get3A_808, %get3A_809] {strides = array<i32>} : memref<64x64xf32, #tpu.memory_space<vmem>>, vector<16xf32>,
    %add3A_811 = arith.addf %add3A_806, %get3A_810 : vector<16xf32>
    %get3A_812 = arith.constant 18 : i32
    %get3A_813 = arith.index_cast %get3A_812 : i32 to index
    %get3A_814 = arith.constant 32 : index
    %get3A_815 = tpu.vector_load %arg8[%get3A_813, %get3A_814] {strides = array<i32>} : memref<64x64xf32, #tpu.memory_space<vmem>>, vector<16xf32>,
    %add3A_816 = arith.addf %add3A_811, %get3A_815 : vector<16xf32>
    %get3A_817 = arith.constant 19 : i32
    %get3A_818 = arith.index_cast %get3A_817 : i32 to index
    %get3A_819 = arith.constant 32 : index
    %get3A_820 = tpu.vector_load %arg8[%get3A_818, %get3A_819] {strides = array<i32>} : memref<64x64xf32, #tpu.memory_space<vmem>>, vector<16xf32>,
    %add3A_821 = arith.addf %add3A_816, %get3A_820 : vector<16xf32>
    %get3A_822 = arith.constant 20 : i32
    %get3A_823 = arith.index_cast %get3A_822 : i32 to index
    %get3A_824 = arith.constant 32 : index
    %get3A_825 = tpu.vector_load %arg8[%get3A_823, %get3A_824] {strides = array<i32>} : memref<64x64xf32, #tpu.memory_space<vmem>>, vector<16xf32>,
    %add3A_826 = arith.addf %add3A_821, %get3A_825 : vector<16xf32>
    %get3A_827 = arith.constant 21 : i32
    %get3A_828 = arith.index_cast %get3A_827 : i32 to index
    %get3A_829 = arith.constant 32 : index
    %get3A_830 = tpu.vector_load %arg8[%get3A_828, %get3A_829] {strides = array<i32>} : memref<64x64xf32, #tpu.memory_space<vmem>>, vector<16xf32>,
    %add3A_831 = arith.addf %add3A_826, %get3A_830 : vector<16xf32>
    %get3A_832 = arith.constant 22 : i32
    %get3A_833 = arith.index_cast %get3A_832 : i32 to index
    %get3A_834 = arith.constant 32 : index
    %get3A_835 = tpu.vector_load %arg8[%get3A_833, %get3A_834] {strides = array<i32>} : memref<64x64xf32, #tpu.memory_space<vmem>>, vector<16xf32>,
    %add3A_836 = arith.addf %add3A_831, %get3A_835 : vector<16xf32>
    %get3A_837 = arith.constant 23 : i32
    %get3A_838 = arith.index_cast %get3A_837 : i32 to index
    %get3A_839 = arith.constant 32 : index
    %get3A_840 = tpu.vector_load %arg8[%get3A_838, %get3A_839] {strides = array<i32>} : memref<64x64xf32, #tpu.memory_space<vmem>>, vector<16xf32>,
    %add3A_841 = arith.addf %add3A_836, %get3A_840 : vector<16xf32>
    %get3A_842 = arith.constant 24 : i32
    %get3A_843 = arith.index_cast %get3A_842 : i32 to index
    %get3A_844 = arith.constant 32 : index
    %get3A_845 = tpu.vector_load %arg8[%get3A_843, %get3A_844] {strides = array<i32>} : memref<64x64xf32, #tpu.memory_space<vmem>>, vector<16xf32>,
    %add3A_846 = arith.addf %add3A_841, %get3A_845 : vector<16xf32>
    %get3A_847 = arith.constant 25 : i32
    %get3A_848 = arith.index_cast %get3A_847 : i32 to index
    %get3A_849 = arith.constant 32 : index
    %get3A_850 = tpu.vector_load %arg8[%get3A_848, %get3A_849] {strides = array<i32>} : memref<64x64xf32, #tpu.memory_space<vmem>>, vector<16xf32>,
    %add3A_851 = arith.addf %add3A_846, %get3A_850 : vector<16xf32>
    %get3A_852 = arith.constant 26 : i32
    %get3A_853 = arith.index_cast %get3A_852 : i32 to index
    %get3A_854 = arith.constant 32 : index
    %get3A_855 = tpu.vector_load %arg8[%get3A_853, %get3A_854] {strides = array<i32>} : memref<64x64xf32, #tpu.memory_space<vmem>>, vector<16xf32>,
    %add3A_856 = arith.addf %add3A_851, %get3A_855 : vector<16xf32>
    %get3A_857 = arith.constant 27 : i32
    %get3A_858 = arith.index_cast %get3A_857 : i32 to index
    %get3A_859 = arith.constant 32 : index
    %get3A_860 = tpu.vector_load %arg8[%get3A_858, %get3A_859] {strides = array<i32>} : memref<64x64xf32, #tpu.memory_space<vmem>>, vector<16xf32>,
    %add3A_861 = arith.addf %add3A_856, %get3A_860 : vector<16xf32>
    %get3A_862 = arith.constant 28 : i32
    %get3A_863 = arith.index_cast %get3A_862 : i32 to index
    %get3A_864 = arith.constant 32 : index
    %get3A_865 = tpu.vector_load %arg8[%get3A_863, %get3A_864] {strides = array<i32>} : memref<64x64xf32, #tpu.memory_space<vmem>>, vector<16xf32>,
    %add3A_866 = arith.addf %add3A_861, %get3A_865 : vector<16xf32>
    %get3A_867 = arith.constant 29 : i32
    %get3A_868 = arith.index_cast %get3A_867 : i32 to index
    %get3A_869 = arith.constant 32 : index
    %get3A_870 = tpu.vector_load %arg8[%get3A_868, %get3A_869] {strides = array<i32>} : memref<64x64xf32, #tpu.memory_space<vmem>>, vector<16xf32>,
    %add3A_871 = arith.addf %add3A_866, %get3A_870 : vector<16xf32>
    %get3A_872 = arith.constant 30 : i32
    %get3A_873 = arith.index_cast %get3A_872 : i32 to index
    %get3A_874 = arith.constant 32 : index
    %get3A_875 = tpu.vector_load %arg8[%get3A_873, %get3A_874] {strides = array<i32>} : memref<64x64xf32, #tpu.memory_space<vmem>>, vector<16xf32>,
    %add3A_876 = arith.addf %add3A_871, %get3A_875 : vector<16xf32>
    %get3A_877 = arith.constant 31 : i32
    %get3A_878 = arith.index_cast %get3A_877 : i32 to index
    %get3A_879 = arith.constant 32 : index
    %get3A_880 = tpu.vector_load %arg8[%get3A_878, %get3A_879] {strides = array<i32>} : memref<64x64xf32, #tpu.memory_space<vmem>>, vector<16xf32>,
    %add3A_881 = arith.addf %add3A_876, %get3A_880 : vector<16xf32>
    %get3A_882 = arith.constant 32 : i32
    %get3A_883 = arith.index_cast %get3A_882 : i32 to index
    %get3A_884 = arith.constant 32 : index
    %get3A_885 = tpu.vector_load %arg8[%get3A_883, %get3A_884] {strides = array<i32>} : memref<64x64xf32, #tpu.memory_space<vmem>>, vector<16xf32>,
    %add3A_886 = arith.addf %add3A_881, %get3A_885 : vector<16xf32>
    %get3A_887 = arith.constant 33 : i32
    %get3A_888 = arith.index_cast %get3A_887 : i32 to index
    %get3A_889 = arith.constant 32 : index
    %get3A_890 = tpu.vector_load %arg8[%get3A_888, %get3A_889] {strides = array<i32>} : memref<64x64xf32, #tpu.memory_space<vmem>>, vector<16xf32>,
    %add3A_891 = arith.addf %add3A_886, %get3A_890 : vector<16xf32>
    %get3A_892 = arith.constant 34 : i32
    %get3A_893 = arith.index_cast %get3A_892 : i32 to index
    %get3A_894 = arith.constant 32 : index
    %get3A_895 = tpu.vector_load %arg8[%get3A_893, %get3A_894] {strides = array<i32>} : memref<64x64xf32, #tpu.memory_space<vmem>>, vector<16xf32>,
    %add3A_896 = arith.addf %add3A_891, %get3A_895 : vector<16xf32>
    %get3A_897 = arith.constant 35 : i32
    %get3A_898 = arith.index_cast %get3A_897 : i32 to index
    %get3A_899 = arith.constant 32 : index
    %get3A_900 = tpu.vector_load %arg8[%get3A_898, %get3A_899] {strides = array<i32>} : memref<64x64xf32, #tpu.memory_space<vmem>>, vector<16xf32>,
    %add3A_901 = arith.addf %add3A_896, %get3A_900 : vector<16xf32>
    %get3A_902 = arith.constant 36 : i32
    %get3A_903 = arith.index_cast %get3A_902 : i32 to index
    %get3A_904 = arith.constant 32 : index
    %get3A_905 = tpu.vector_load %arg8[%get3A_903, %get3A_904] {strides = array<i32>} : memref<64x64xf32, #tpu.memory_space<vmem>>, vector<16xf32>,
    %add3A_906 = arith.addf %add3A_901, %get3A_905 : vector<16xf32>
    %get3A_907 = arith.constant 37 : i32
    %get3A_908 = arith.index_cast %get3A_907 : i32 to index
    %get3A_909 = arith.constant 32 : index
    %get3A_910 = tpu.vector_load %arg8[%get3A_908, %get3A_909] {strides = array<i32>} : memref<64x64xf32, #tpu.memory_space<vmem>>, vector<16xf32>,
    %add3A_911 = arith.addf %add3A_906, %get3A_910 : vector<16xf32>
    %get3A_912 = arith.constant 38 : i32
    %get3A_913 = arith.index_cast %get3A_912 : i32 to index
    %get3A_914 = arith.constant 32 : index
    %get3A_915 = tpu.vector_load %arg8[%get3A_913, %get3A_914] {strides = array<i32>} : memref<64x64xf32, #tpu.memory_space<vmem>>, vector<16xf32>,
    %add3A_916 = arith.addf %add3A_911, %get3A_915 : vector<16xf32>
    %get3A_917 = arith.constant 39 : i32
    %get3A_918 = arith.index_cast %get3A_917 : i32 to index
    %get3A_919 = arith.constant 32 : index
    %get3A_920 = tpu.vector_load %arg8[%get3A_918, %get3A_919] {strides = array<i32>} : memref<64x64xf32, #tpu.memory_space<vmem>>, vector<16xf32>,
    %add3A_921 = arith.addf %add3A_916, %get3A_920 : vector<16xf32>
    %get3A_922 = arith.constant 40 : i32
    %get3A_923 = arith.index_cast %get3A_922 : i32 to index
    %get3A_924 = arith.constant 32 : index
    %get3A_925 = tpu.vector_load %arg8[%get3A_923, %get3A_924] {strides = array<i32>} : memref<64x64xf32, #tpu.memory_space<vmem>>, vector<16xf32>,
    %add3A_926 = arith.addf %add3A_921, %get3A_925 : vector<16xf32>
    %get3A_927 = arith.constant 41 : i32
    %get3A_928 = arith.index_cast %get3A_927 : i32 to index
    %get3A_929 = arith.constant 32 : index
    %get3A_930 = tpu.vector_load %arg8[%get3A_928, %get3A_929] {strides = array<i32>} : memref<64x64xf32, #tpu.memory_space<vmem>>, vector<16xf32>,
    %add3A_931 = arith.addf %add3A_926, %get3A_930 : vector<16xf32>
    %get3A_932 = arith.constant 42 : i32
    %get3A_933 = arith.index_cast %get3A_932 : i32 to index
    %get3A_934 = arith.constant 32 : index
    %get3A_935 = tpu.vector_load %arg8[%get3A_933, %get3A_934] {strides = array<i32>} : memref<64x64xf32, #tpu.memory_space<vmem>>, vector<16xf32>,
    %add3A_936 = arith.addf %add3A_931, %get3A_935 : vector<16xf32>
    %get3A_937 = arith.constant 43 : i32
    %get3A_938 = arith.index_cast %get3A_937 : i32 to index
    %get3A_939 = arith.constant 32 : index
    %get3A_940 = tpu.vector_load %arg8[%get3A_938, %get3A_939] {strides = array<i32>} : memref<64x64xf32, #tpu.memory_space<vmem>>, vector<16xf32>,
    %add3A_941 = arith.addf %add3A_936, %get3A_940 : vector<16xf32>
    %get3A_942 = arith.constant 44 : i32
    %get3A_943 = arith.index_cast %get3A_942 : i32 to index
    %get3A_944 = arith.constant 32 : index
    %get3A_945 = tpu.vector_load %arg8[%get3A_943, %get3A_944] {strides = array<i32>} : memref<64x64xf32, #tpu.memory_space<vmem>>, vector<16xf32>,
    %add3A_946 = arith.addf %add3A_941, %get3A_945 : vector<16xf32>
    %get3A_947 = arith.constant 45 : i32
    %get3A_948 = arith.index_cast %get3A_947 : i32 to index
    %get3A_949 = arith.constant 32 : index
    %get3A_950 = tpu.vector_load %arg8[%get3A_948, %get3A_949] {strides = array<i32>} : memref<64x64xf32, #tpu.memory_space<vmem>>, vector<16xf32>,
    %add3A_951 = arith.addf %add3A_946, %get3A_950 : vector<16xf32>
    %get3A_952 = arith.constant 46 : i32
    %get3A_953 = arith.index_cast %get3A_952 : i32 to index
    %get3A_954 = arith.constant 32 : index
    %get3A_955 = tpu.vector_load %arg8[%get3A_953, %get3A_954] {strides = array<i32>} : memref<64x64xf32, #tpu.memory_space<vmem>>, vector<16xf32>,
    %add3A_956 = arith.addf %add3A_951, %get3A_955 : vector<16xf32>
    %get3A_957 = arith.constant 47 : i32
    %get3A_958 = arith.index_cast %get3A_957 : i32 to index
    %get3A_959 = arith.constant 32 : index
    %get3A_960 = tpu.vector_load %arg8[%get3A_958, %get3A_959] {strides = array<i32>} : memref<64x64xf32, #tpu.memory_space<vmem>>, vector<16xf32>,
    %add3A_961 = arith.addf %add3A_956, %get3A_960 : vector<16xf32>
    %get3A_962 = arith.constant 48 : i32
    %get3A_963 = arith.index_cast %get3A_962 : i32 to index
    %get3A_964 = arith.constant 32 : index
    %get3A_965 = tpu.vector_load %arg8[%get3A_963, %get3A_964] {strides = array<i32>} : memref<64x64xf32, #tpu.memory_space<vmem>>, vector<16xf32>,
    %add3A_966 = arith.addf %add3A_961, %get3A_965 : vector<16xf32>
    %get3A_967 = arith.constant 49 : i32
    %get3A_968 = arith.index_cast %get3A_967 : i32 to index
    %get3A_969 = arith.constant 32 : index
    %get3A_970 = tpu.vector_load %arg8[%get3A_968, %get3A_969] {strides = array<i32>} : memref<64x64xf32, #tpu.memory_space<vmem>>, vector<16xf32>,
    %add3A_971 = arith.addf %add3A_966, %get3A_970 : vector<16xf32>
    %get3A_972 = arith.constant 50 : i32
    %get3A_973 = arith.index_cast %get3A_972 : i32 to index
    %get3A_974 = arith.constant 32 : index
    %get3A_975 = tpu.vector_load %arg8[%get3A_973, %get3A_974] {strides = array<i32>} : memref<64x64xf32, #tpu.memory_space<vmem>>, vector<16xf32>,
    %add3A_976 = arith.addf %add3A_971, %get3A_975 : vector<16xf32>
    %get3A_977 = arith.constant 51 : i32
    %get3A_978 = arith.index_cast %get3A_977 : i32 to index
    %get3A_979 = arith.constant 32 : index
    %get3A_980 = tpu.vector_load %arg8[%get3A_978, %get3A_979] {strides = array<i32>} : memref<64x64xf32, #tpu.memory_space<vmem>>, vector<16xf32>,
    %add3A_981 = arith.addf %add3A_976, %get3A_980 : vector<16xf32>
    %get3A_982 = arith.constant 52 : i32
    %get3A_983 = arith.index_cast %get3A_982 : i32 to index
    %get3A_984 = arith.constant 32 : index
    %get3A_985 = tpu.vector_load %arg8[%get3A_983, %get3A_984] {strides = array<i32>} : memref<64x64xf32, #tpu.memory_space<vmem>>, vector<16xf32>,
    %add3A_986 = arith.addf %add3A_981, %get3A_985 : vector<16xf32>
    %get3A_987 = arith.constant 53 : i32
    %get3A_988 = arith.index_cast %get3A_987 : i32 to index
    %get3A_989 = arith.constant 32 : index
    %get3A_990 = tpu.vector_load %arg8[%get3A_988, %get3A_989] {strides = array<i32>} : memref<64x64xf32, #tpu.memory_space<vmem>>, vector<16xf32>,
    %add3A_991 = arith.addf %add3A_986, %get3A_990 : vector<16xf32>
    %get3A_992 = arith.constant 54 : i32
    %get3A_993 = arith.index_cast %get3A_992 : i32 to index
    %get3A_994 = arith.constant 32 : index
    %get3A_995 = tpu.vector_load %arg8[%get3A_993, %get3A_994] {strides = array<i32>} : memref<64x64xf32, #tpu.memory_space<vmem>>, vector<16xf32>,
    %add3A_996 = arith.addf %add3A_991, %get3A_995 : vector<16xf32>
    %get3A_997 = arith.constant 55 : i32
    %get3A_998 = arith.index_cast %get3A_997 : i32 to index
    %get3A_999 = arith.constant 32 : index
    %get3A_1000 = tpu.vector_load %arg8[%get3A_998, %get3A_999] {strides = array<i32>} : memref<64x64xf32, #tpu.memory_space<vmem>>, vector<16xf32>,
    %add3A_1001 = arith.addf %add3A_996, %get3A_1000 : vector<16xf32>
    %get3A_1002 = arith.constant 56 : i32
    %get3A_1003 = arith.index_cast %get3A_1002 : i32 to index
    %get3A_1004 = arith.constant 32 : index
    %get3A_1005 = tpu.vector_load %arg8[%get3A_1003, %get3A_1004] {strides = array<i32>} : memref<64x64xf32, #tpu.memory_space<vmem>>, vector<16xf32>,
    %add3A_1006 = arith.addf %add3A_1001, %get3A_1005 : vector<16xf32>
    %get3A_1007 = arith.constant 57 : i32
    %get3A_1008 = arith.index_cast %get3A_1007 : i32 to index
    %get3A_1009 = arith.constant 32 : index
    %get3A_1010 = tpu.vector_load %arg8[%get3A_1008, %get3A_1009] {strides = array<i32>} : memref<64x64xf32, #tpu.memory_space<vmem>>, vector<16xf32>,
    %add3A_1011 = arith.addf %add3A_1006, %get3A_1010 : vector<16xf32>
    %get3A_1012 = arith.constant 58 : i32
    %get3A_1013 = arith.index_cast %get3A_1012 : i32 to index
    %get3A_1014 = arith.constant 32 : index
    %get3A_1015 = tpu.vector_load %arg8[%get3A_1013, %get3A_1014] {strides = array<i32>} : memref<64x64xf32, #tpu.memory_space<vmem>>, vector<16xf32>,
    %add3A_1016 = arith.addf %add3A_1011, %get3A_1015 : vector<16xf32>
    %get3A_1017 = arith.constant 59 : i32
    %get3A_1018 = arith.index_cast %get3A_1017 : i32 to index
    %get3A_1019 = arith.constant 32 : index
    %get3A_1020 = tpu.vector_load %arg8[%get3A_1018, %get3A_1019] {strides = array<i32>} : memref<64x64xf32, #tpu.memory_space<vmem>>, vector<16xf32>,
    %add3A_1021 = arith.addf %add3A_1016, %get3A_1020 : vector<16xf32>
    %get3A_1022 = arith.constant 60 : i32
    %get3A_1023 = arith.index_cast %get3A_1022 : i32 to index
    %get3A_1024 = arith.constant 32 : index
    %get3A_1025 = tpu.vector_load %arg8[%get3A_1023, %get3A_1024] {strides = array<i32>} : memref<64x64xf32, #tpu.memory_space<vmem>>, vector<16xf32>,
    %add3A_1026 = arith.addf %add3A_1021, %get3A_1025 : vector<16xf32>
    %get3A_1027 = arith.constant 61 : i32
    %get3A_1028 = arith.index_cast %get3A_1027 : i32 to index
    %get3A_1029 = arith.constant 32 : index
    %get3A_1030 = tpu.vector_load %arg8[%get3A_1028, %get3A_1029] {strides = array<i32>} : memref<64x64xf32, #tpu.memory_space<vmem>>, vector<16xf32>,
    %add3A_1031 = arith.addf %add3A_1026, %get3A_1030 : vector<16xf32>
    %get3A_1032 = arith.constant 62 : i32
    %get3A_1033 = arith.index_cast %get3A_1032 : i32 to index
    %get3A_1034 = arith.constant 32 : index
    %get3A_1035 = tpu.vector_load %arg8[%get3A_1033, %get3A_1034] {strides = array<i32>} : memref<64x64xf32, #tpu.memory_space<vmem>>, vector<16xf32>,
    %add3A_1036 = arith.addf %add3A_1031, %get3A_1035 : vector<16xf32>
    %get3A_1037 = arith.constant 63 : i32
    %get3A_1038 = arith.index_cast %get3A_1037 : i32 to index
    %get3A_1039 = arith.constant 32 : index
    %get3A_1040 = tpu.vector_load %arg8[%get3A_1038, %get3A_1039] {strides = array<i32>} : memref<64x64xf32, #tpu.memory_space<vmem>>, vector<16xf32>,
    %add3A_1041 = arith.addf %add3A_1036, %get3A_1040 : vector<16xf32>
    %mul3A_1042 = arith.constant 1.562500e-02 : f32
    %mul3A_1043 = vector.broadcast %mul3A_1042 : f32 to vector<16xf32>
    %mul3A_1044 = arith.mulf %add3A_1041, %mul3A_1043 : vector<16xf32>
    %bitcast_convert_type3A_1045 = tpu.bitcast %mul3A_1044 : vector<16xf32> -> vector<16xi32>
    %shift_right_logical3A_1046 = arith.constant 16 : i32
    %shift_right_logical3A_1047 = vector.broadcast %shift_right_logical3A_1046 : i32 to vector<16xi32>
    %shift_right_logical3A_1048 = arith.shrui %bitcast_convert_type3A_1045, %shift_right_logical3A_1047 : vector<16xi32>
    %and3A_1049 = arith.constant 1 : i32
    %and3A_1050 = vector.broadcast %and3A_1049 : i32 to vector<16xi32>
    %and3A_1051 = arith.andi %shift_right_logical3A_1048, %and3A_1050 : vector<16xi32>
    %add3A_1052 = arith.constant 32767 : i32
    %add3A_1053 = vector.broadcast %add3A_1052 : i32 to vector<16xi32>
    %add3A_1054 = arith.addi %bitcast_convert_type3A_1045, %add3A_1053 : vector<16xi32>
    %add3A_1055 = arith.addi %add3A_1054, %and3A_1051 : vector<16xi32>
    %and3A_1056 = arith.constant -65536 : i32
    %and3A_1057 = vector.broadcast %and3A_1056 : i32 to vector<16xi32>
    %and3A_1058 = arith.andi %add3A_1055, %and3A_1057 : vector<16xi32>
    %bitcast_convert_type3A_1059 = tpu.bitcast %and3A_1058 : vector<16xi32> -> vector<16xf32>
    %get3A_1060 = arith.constant 32 : index
    %get3A_1061 = tpu.vector_load %arg9[%get3A_1060] {strides = array<i32>} : memref<64xf32, #tpu.memory_space<vmem>>, vector<16xf32>,
    %bitcast_convert_type3A_1062 = tpu.bitcast %get3A_1061 : vector<16xf32> -> vector<16xi32>
    %shift_right_logical3A_1063 = arith.constant 16 : i32
    %shift_right_logical3A_1064 = vector.broadcast %shift_right_logical3A_1063 : i32 to vector<16xi32>
    %shift_right_logical3A_1065 = arith.shrui %bitcast_convert_type3A_1062, %shift_right_logical3A_1064 : vector<16xi32>
    %and3A_1066 = arith.constant 1 : i32
    %and3A_1067 = vector.broadcast %and3A_1066 : i32 to vector<16xi32>
    %and3A_1068 = arith.andi %shift_right_logical3A_1065, %and3A_1067 : vector<16xi32>
    %add3A_1069 = arith.constant 32767 : i32
    %add3A_1070 = vector.broadcast %add3A_1069 : i32 to vector<16xi32>
    %add3A_1071 = arith.addi %bitcast_convert_type3A_1062, %add3A_1070 : vector<16xi32>
    %add3A_1072 = arith.addi %add3A_1071, %and3A_1068 : vector<16xi32>
    %and3A_1073 = arith.constant -65536 : i32
    %and3A_1074 = vector.broadcast %and3A_1073 : i32 to vector<16xi32>
    %and3A_1075 = arith.andi %add3A_1072, %and3A_1074 : vector<16xi32>
    %bitcast_convert_type3A_1076 = tpu.bitcast %and3A_1075 : vector<16xi32> -> vector<16xf32>
    %mul3A_1077 = arith.mulf %bitcast_convert_type3A_1059, %bitcast_convert_type3A_1076 : vector<16xf32>
    %add3A_1078 = arith.addf %add3A_719, %mul3A_1077 : vector<16xf32>
    %broadcast_in_dim3A_1079 = arith.constant 0.000000e+00 : f32
    %broadcast_in_dim3A_1080 = vector.broadcast %broadcast_in_dim3A_1079 : f32 to vector<16xf32>
    %get3A_1081 = arith.constant 0 : i32
    %get3A_1082 = arith.index_cast %get3A_1081 : i32 to index
    %get3A_1083 = arith.constant 48 : index
    %get3A_1084 = tpu.vector_load %arg8[%get3A_1082, %get3A_1083] {strides = array<i32>} : memref<64x64xf32, #tpu.memory_space<vmem>>, vector<16xf32>,
    %add3A_1085 = arith.addf %broadcast_in_dim3A_1080, %get3A_1084 : vector<16xf32>
    %get3A_1086 = arith.constant 1 : i32
    %get3A_1087 = arith.index_cast %get3A_1086 : i32 to index
    %get3A_1088 = arith.constant 48 : index
    %get3A_1089 = tpu.vector_load %arg8[%get3A_1087, %get3A_1088] {strides = array<i32>} : memref<64x64xf32, #tpu.memory_space<vmem>>, vector<16xf32>,
    %add3A_1090 = arith.addf %add3A_1085, %get3A_1089 : vector<16xf32>
    %get3A_1091 = arith.constant 2 : i32
    %get3A_1092 = arith.index_cast %get3A_1091 : i32 to index
    %get3A_1093 = arith.constant 48 : index
    %get3A_1094 = tpu.vector_load %arg8[%get3A_1092, %get3A_1093] {strides = array<i32>} : memref<64x64xf32, #tpu.memory_space<vmem>>, vector<16xf32>,
    %add3A_1095 = arith.addf %add3A_1090, %get3A_1094 : vector<16xf32>
    %get3A_1096 = arith.constant 3 : i32
    %get3A_1097 = arith.index_cast %get3A_1096 : i32 to index
    %get3A_1098 = arith.constant 48 : index
    %get3A_1099 = tpu.vector_load %arg8[%get3A_1097, %get3A_1098] {strides = array<i32>} : memref<64x64xf32, #tpu.memory_space<vmem>>, vector<16xf32>,
    %add3A_1100 = arith.addf %add3A_1095, %get3A_1099 : vector<16xf32>
    %get3A_1101 = arith.constant 4 : i32
    %get3A_1102 = arith.index_cast %get3A_1101 : i32 to index
    %get3A_1103 = arith.constant 48 : index
    %get3A_1104 = tpu.vector_load %arg8[%get3A_1102, %get3A_1103] {strides = array<i32>} : memref<64x64xf32, #tpu.memory_space<vmem>>, vector<16xf32>,
    %add3A_1105 = arith.addf %add3A_1100, %get3A_1104 : vector<16xf32>
    %get3A_1106 = arith.constant 5 : i32
    %get3A_1107 = arith.index_cast %get3A_1106 : i32 to index
    %get3A_1108 = arith.constant 48 : index
    %get3A_1109 = tpu.vector_load %arg8[%get3A_1107, %get3A_1108] {strides = array<i32>} : memref<64x64xf32, #tpu.memory_space<vmem>>, vector<16xf32>,
    %add3A_1110 = arith.addf %add3A_1105, %get3A_1109 : vector<16xf32>
    %get3A_1111 = arith.constant 6 : i32
    %get3A_1112 = arith.index_cast %get3A_1111 : i32 to index
    %get3A_1113 = arith.constant 48 : index
    %get3A_1114 = tpu.vector_load %arg8[%get3A_1112, %get3A_1113] {strides = array<i32>} : memref<64x64xf32, #tpu.memory_space<vmem>>, vector<16xf32>,
    %add3A_1115 = arith.addf %add3A_1110, %get3A_1114 : vector<16xf32>
    %get3A_1116 = arith.constant 7 : i32
    %get3A_1117 = arith.index_cast %get3A_1116 : i32 to index
    %get3A_1118 = arith.constant 48 : index
    %get3A_1119 = tpu.vector_load %arg8[%get3A_1117, %get3A_1118] {strides = array<i32>} : memref<64x64xf32, #tpu.memory_space<vmem>>, vector<16xf32>,
    %add3A_1120 = arith.addf %add3A_1115, %get3A_1119 : vector<16xf32>
    %get3A_1121 = arith.constant 8 : i32
    %get3A_1122 = arith.index_cast %get3A_1121 : i32 to index
    %get3A_1123 = arith.constant 48 : index
    %get3A_1124 = tpu.vector_load %arg8[%get3A_1122, %get3A_1123] {strides = array<i32>} : memref<64x64xf32, #tpu.memory_space<vmem>>, vector<16xf32>,
    %add3A_1125 = arith.addf %add3A_1120, %get3A_1124 : vector<16xf32>
    %get3A_1126 = arith.constant 9 : i32
    %get3A_1127 = arith.index_cast %get3A_1126 : i32 to index
    %get3A_1128 = arith.constant 48 : index
    %get3A_1129 = tpu.vector_load %arg8[%get3A_1127, %get3A_1128] {strides = array<i32>} : memref<64x64xf32, #tpu.memory_space<vmem>>, vector<16xf32>,
    %add3A_1130 = arith.addf %add3A_1125, %get3A_1129 : vector<16xf32>
    %get3A_1131 = arith.constant 10 : i32
    %get3A_1132 = arith.index_cast %get3A_1131 : i32 to index
    %get3A_1133 = arith.constant 48 : index
    %get3A_1134 = tpu.vector_load %arg8[%get3A_1132, %get3A_1133] {strides = array<i32>} : memref<64x64xf32, #tpu.memory_space<vmem>>, vector<16xf32>,
    %add3A_1135 = arith.addf %add3A_1130, %get3A_1134 : vector<16xf32>
    %get3A_1136 = arith.constant 11 : i32
    %get3A_1137 = arith.index_cast %get3A_1136 : i32 to index
    %get3A_1138 = arith.constant 48 : index
    %get3A_1139 = tpu.vector_load %arg8[%get3A_1137, %get3A_1138] {strides = array<i32>} : memref<64x64xf32, #tpu.memory_space<vmem>>, vector<16xf32>,
    %add3A_1140 = arith.addf %add3A_1135, %get3A_1139 : vector<16xf32>
    %get3A_1141 = arith.constant 12 : i32
    %get3A_1142 = arith.index_cast %get3A_1141 : i32 to index
    %get3A_1143 = arith.constant 48 : index
    %get3A_1144 = tpu.vector_load %arg8[%get3A_1142, %get3A_1143] {strides = array<i32>} : memref<64x64xf32, #tpu.memory_space<vmem>>, vector<16xf32>,
    %add3A_1145 = arith.addf %add3A_1140, %get3A_1144 : vector<16xf32>
    %get3A_1146 = arith.constant 13 : i32
    %get3A_1147 = arith.index_cast %get3A_1146 : i32 to index
    %get3A_1148 = arith.constant 48 : index
    %get3A_1149 = tpu.vector_load %arg8[%get3A_1147, %get3A_1148] {strides = array<i32>} : memref<64x64xf32, #tpu.memory_space<vmem>>, vector<16xf32>,
    %add3A_1150 = arith.addf %add3A_1145, %get3A_1149 : vector<16xf32>
    %get3A_1151 = arith.constant 14 : i32
    %get3A_1152 = arith.index_cast %get3A_1151 : i32 to index
    %get3A_1153 = arith.constant 48 : index
    %get3A_1154 = tpu.vector_load %arg8[%get3A_1152, %get3A_1153] {strides = array<i32>} : memref<64x64xf32, #tpu.memory_space<vmem>>, vector<16xf32>,
    %add3A_1155 = arith.addf %add3A_1150, %get3A_1154 : vector<16xf32>
    %get3A_1156 = arith.constant 15 : i32
    %get3A_1157 = arith.index_cast %get3A_1156 : i32 to index
    %get3A_1158 = arith.constant 48 : index
    %get3A_1159 = tpu.vector_load %arg8[%get3A_1157, %get3A_1158] {strides = array<i32>} : memref<64x64xf32, #tpu.memory_space<vmem>>, vector<16xf32>,
    %add3A_1160 = arith.addf %add3A_1155, %get3A_1159 : vector<16xf32>
    %get3A_1161 = arith.constant 16 : i32
    %get3A_1162 = arith.index_cast %get3A_1161 : i32 to index
    %get3A_1163 = arith.constant 48 : index
    %get3A_1164 = tpu.vector_load %arg8[%get3A_1162, %get3A_1163] {strides = array<i32>} : memref<64x64xf32, #tpu.memory_space<vmem>>, vector<16xf32>,
    %add3A_1165 = arith.addf %add3A_1160, %get3A_1164 : vector<16xf32>
    %get3A_1166 = arith.constant 17 : i32
    %get3A_1167 = arith.index_cast %get3A_1166 : i32 to index
    %get3A_1168 = arith.constant 48 : index
    %get3A_1169 = tpu.vector_load %arg8[%get3A_1167, %get3A_1168] {strides = array<i32>} : memref<64x64xf32, #tpu.memory_space<vmem>>, vector<16xf32>,
    %add3A_1170 = arith.addf %add3A_1165, %get3A_1169 : vector<16xf32>
    %get3A_1171 = arith.constant 18 : i32
    %get3A_1172 = arith.index_cast %get3A_1171 : i32 to index
    %get3A_1173 = arith.constant 48 : index
    %get3A_1174 = tpu.vector_load %arg8[%get3A_1172, %get3A_1173] {strides = array<i32>} : memref<64x64xf32, #tpu.memory_space<vmem>>, vector<16xf32>,
    %add3A_1175 = arith.addf %add3A_1170, %get3A_1174 : vector<16xf32>
    %get3A_1176 = arith.constant 19 : i32
    %get3A_1177 = arith.index_cast %get3A_1176 : i32 to index
    %get3A_1178 = arith.constant 48 : index
    %get3A_1179 = tpu.vector_load %arg8[%get3A_1177, %get3A_1178] {strides = array<i32>} : memref<64x64xf32, #tpu.memory_space<vmem>>, vector<16xf32>,
    %add3A_1180 = arith.addf %add3A_1175, %get3A_1179 : vector<16xf32>
    %get3A_1181 = arith.constant 20 : i32
    %get3A_1182 = arith.index_cast %get3A_1181 : i32 to index
    %get3A_1183 = arith.constant 48 : index
    %get3A_1184 = tpu.vector_load %arg8[%get3A_1182, %get3A_1183] {strides = array<i32>} : memref<64x64xf32, #tpu.memory_space<vmem>>, vector<16xf32>,
    %add3A_1185 = arith.addf %add3A_1180, %get3A_1184 : vector<16xf32>
    %get3A_1186 = arith.constant 21 : i32
    %get3A_1187 = arith.index_cast %get3A_1186 : i32 to index
    %get3A_1188 = arith.constant 48 : index
    %get3A_1189 = tpu.vector_load %arg8[%get3A_1187, %get3A_1188] {strides = array<i32>} : memref<64x64xf32, #tpu.memory_space<vmem>>, vector<16xf32>,
    %add3A_1190 = arith.addf %add3A_1185, %get3A_1189 : vector<16xf32>
    %get3A_1191 = arith.constant 22 : i32
    %get3A_1192 = arith.index_cast %get3A_1191 : i32 to index
    %get3A_1193 = arith.constant 48 : index
    %get3A_1194 = tpu.vector_load %arg8[%get3A_1192, %get3A_1193] {strides = array<i32>} : memref<64x64xf32, #tpu.memory_space<vmem>>, vector<16xf32>,
    %add3A_1195 = arith.addf %add3A_1190, %get3A_1194 : vector<16xf32>
    %get3A_1196 = arith.constant 23 : i32
    %get3A_1197 = arith.index_cast %get3A_1196 : i32 to index
    %get3A_1198 = arith.constant 48 : index
    %get3A_1199 = tpu.vector_load %arg8[%get3A_1197, %get3A_1198] {strides = array<i32>} : memref<64x64xf32, #tpu.memory_space<vmem>>, vector<16xf32>,
    %add3A_1200 = arith.addf %add3A_1195, %get3A_1199 : vector<16xf32>
    %get3A_1201 = arith.constant 24 : i32
    %get3A_1202 = arith.index_cast %get3A_1201 : i32 to index
    %get3A_1203 = arith.constant 48 : index
    %get3A_1204 = tpu.vector_load %arg8[%get3A_1202, %get3A_1203] {strides = array<i32>} : memref<64x64xf32, #tpu.memory_space<vmem>>, vector<16xf32>,
    %add3A_1205 = arith.addf %add3A_1200, %get3A_1204 : vector<16xf32>
    %get3A_1206 = arith.constant 25 : i32
    %get3A_1207 = arith.index_cast %get3A_1206 : i32 to index
    %get3A_1208 = arith.constant 48 : index
    %get3A_1209 = tpu.vector_load %arg8[%get3A_1207, %get3A_1208] {strides = array<i32>} : memref<64x64xf32, #tpu.memory_space<vmem>>, vector<16xf32>,
    %add3A_1210 = arith.addf %add3A_1205, %get3A_1209 : vector<16xf32>
    %get3A_1211 = arith.constant 26 : i32
    %get3A_1212 = arith.index_cast %get3A_1211 : i32 to index
    %get3A_1213 = arith.constant 48 : index
    %get3A_1214 = tpu.vector_load %arg8[%get3A_1212, %get3A_1213] {strides = array<i32>} : memref<64x64xf32, #tpu.memory_space<vmem>>, vector<16xf32>,
    %add3A_1215 = arith.addf %add3A_1210, %get3A_1214 : vector<16xf32>
    %get3A_1216 = arith.constant 27 : i32
    %get3A_1217 = arith.index_cast %get3A_1216 : i32 to index
    %get3A_1218 = arith.constant 48 : index
    %get3A_1219 = tpu.vector_load %arg8[%get3A_1217, %get3A_1218] {strides = array<i32>} : memref<64x64xf32, #tpu.memory_space<vmem>>, vector<16xf32>,
    %add3A_1220 = arith.addf %add3A_1215, %get3A_1219 : vector<16xf32>
    %get3A_1221 = arith.constant 28 : i32
    %get3A_1222 = arith.index_cast %get3A_1221 : i32 to index
    %get3A_1223 = arith.constant 48 : index
    %get3A_1224 = tpu.vector_load %arg8[%get3A_1222, %get3A_1223] {strides = array<i32>} : memref<64x64xf32, #tpu.memory_space<vmem>>, vector<16xf32>,
    %add3A_1225 = arith.addf %add3A_1220, %get3A_1224 : vector<16xf32>
    %get3A_1226 = arith.constant 29 : i32
    %get3A_1227 = arith.index_cast %get3A_1226 : i32 to index
    %get3A_1228 = arith.constant 48 : index
    %get3A_1229 = tpu.vector_load %arg8[%get3A_1227, %get3A_1228] {strides = array<i32>} : memref<64x64xf32, #tpu.memory_space<vmem>>, vector<16xf32>,
    %add3A_1230 = arith.addf %add3A_1225, %get3A_1229 : vector<16xf32>
    %get3A_1231 = arith.constant 30 : i32
    %get3A_1232 = arith.index_cast %get3A_1231 : i32 to index
    %get3A_1233 = arith.constant 48 : index
    %get3A_1234 = tpu.vector_load %arg8[%get3A_1232, %get3A_1233] {strides = array<i32>} : memref<64x64xf32, #tpu.memory_space<vmem>>, vector<16xf32>,
    %add3A_1235 = arith.addf %add3A_1230, %get3A_1234 : vector<16xf32>
    %get3A_1236 = arith.constant 31 : i32
    %get3A_1237 = arith.index_cast %get3A_1236 : i32 to index
    %get3A_1238 = arith.constant 48 : index
    %get3A_1239 = tpu.vector_load %arg8[%get3A_1237, %get3A_1238] {strides = array<i32>} : memref<64x64xf32, #tpu.memory_space<vmem>>, vector<16xf32>,
    %add3A_1240 = arith.addf %add3A_1235, %get3A_1239 : vector<16xf32>
    %get3A_1241 = arith.constant 32 : i32
    %get3A_1242 = arith.index_cast %get3A_1241 : i32 to index
    %get3A_1243 = arith.constant 48 : index
    %get3A_1244 = tpu.vector_load %arg8[%get3A_1242, %get3A_1243] {strides = array<i32>} : memref<64x64xf32, #tpu.memory_space<vmem>>, vector<16xf32>,
    %add3A_1245 = arith.addf %add3A_1240, %get3A_1244 : vector<16xf32>
    %get3A_1246 = arith.constant 33 : i32
    %get3A_1247 = arith.index_cast %get3A_1246 : i32 to index
    %get3A_1248 = arith.constant 48 : index
    %get3A_1249 = tpu.vector_load %arg8[%get3A_1247, %get3A_1248] {strides = array<i32>} : memref<64x64xf32, #tpu.memory_space<vmem>>, vector<16xf32>,
    %add3A_1250 = arith.addf %add3A_1245, %get3A_1249 : vector<16xf32>
    %get3A_1251 = arith.constant 34 : i32
    %get3A_1252 = arith.index_cast %get3A_1251 : i32 to index
    %get3A_1253 = arith.constant 48 : index
    %get3A_1254 = tpu.vector_load %arg8[%get3A_1252, %get3A_1253] {strides = array<i32>} : memref<64x64xf32, #tpu.memory_space<vmem>>, vector<16xf32>,
    %add3A_1255 = arith.addf %add3A_1250, %get3A_1254 : vector<16xf32>
    %get3A_1256 = arith.constant 35 : i32
    %get3A_1257 = arith.index_cast %get3A_1256 : i32 to index
    %get3A_1258 = arith.constant 48 : index
    %get3A_1259 = tpu.vector_load %arg8[%get3A_1257, %get3A_1258] {strides = array<i32>} : memref<64x64xf32, #tpu.memory_space<vmem>>, vector<16xf32>,
    %add3A_1260 = arith.addf %add3A_1255, %get3A_1259 : vector<16xf32>
    %get3A_1261 = arith.constant 36 : i32
    %get3A_1262 = arith.index_cast %get3A_1261 : i32 to index
    %get3A_1263 = arith.constant 48 : index
    %get3A_1264 = tpu.vector_load %arg8[%get3A_1262, %get3A_1263] {strides = array<i32>} : memref<64x64xf32, #tpu.memory_space<vmem>>, vector<16xf32>,
    %add3A_1265 = arith.addf %add3A_1260, %get3A_1264 : vector<16xf32>
    %get3A_1266 = arith.constant 37 : i32
    %get3A_1267 = arith.index_cast %get3A_1266 : i32 to index
    %get3A_1268 = arith.constant 48 : index
    %get3A_1269 = tpu.vector_load %arg8[%get3A_1267, %get3A_1268] {strides = array<i32>} : memref<64x64xf32, #tpu.memory_space<vmem>>, vector<16xf32>,
    %add3A_1270 = arith.addf %add3A_1265, %get3A_1269 : vector<16xf32>
    %get3A_1271 = arith.constant 38 : i32
    %get3A_1272 = arith.index_cast %get3A_1271 : i32 to index
    %get3A_1273 = arith.constant 48 : index
    %get3A_1274 = tpu.vector_load %arg8[%get3A_1272, %get3A_1273] {strides = array<i32>} : memref<64x64xf32, #tpu.memory_space<vmem>>, vector<16xf32>,
    %add3A_1275 = arith.addf %add3A_1270, %get3A_1274 : vector<16xf32>
    %get3A_1276 = arith.constant 39 : i32
    %get3A_1277 = arith.index_cast %get3A_1276 : i32 to index
    %get3A_1278 = arith.constant 48 : index
    %get3A_1279 = tpu.vector_load %arg8[%get3A_1277, %get3A_1278] {strides = array<i32>} : memref<64x64xf32, #tpu.memory_space<vmem>>, vector<16xf32>,
    %add3A_1280 = arith.addf %add3A_1275, %get3A_1279 : vector<16xf32>
    %get3A_1281 = arith.constant 40 : i32
    %get3A_1282 = arith.index_cast %get3A_1281 : i32 to index
    %get3A_1283 = arith.constant 48 : index
    %get3A_1284 = tpu.vector_load %arg8[%get3A_1282, %get3A_1283] {strides = array<i32>} : memref<64x64xf32, #tpu.memory_space<vmem>>, vector<16xf32>,
    %add3A_1285 = arith.addf %add3A_1280, %get3A_1284 : vector<16xf32>
    %get3A_1286 = arith.constant 41 : i32
    %get3A_1287 = arith.index_cast %get3A_1286 : i32 to index
    %get3A_1288 = arith.constant 48 : index
    %get3A_1289 = tpu.vector_load %arg8[%get3A_1287, %get3A_1288] {strides = array<i32>} : memref<64x64xf32, #tpu.memory_space<vmem>>, vector<16xf32>,
    %add3A_1290 = arith.addf %add3A_1285, %get3A_1289 : vector<16xf32>
    %get3A_1291 = arith.constant 42 : i32
    %get3A_1292 = arith.index_cast %get3A_1291 : i32 to index
    %get3A_1293 = arith.constant 48 : index
    %get3A_1294 = tpu.vector_load %arg8[%get3A_1292, %get3A_1293] {strides = array<i32>} : memref<64x64xf32, #tpu.memory_space<vmem>>, vector<16xf32>,
    %add3A_1295 = arith.addf %add3A_1290, %get3A_1294 : vector<16xf32>
    %get3A_1296 = arith.constant 43 : i32
    %get3A_1297 = arith.index_cast %get3A_1296 : i32 to index
    %get3A_1298 = arith.constant 48 : index
    %get3A_1299 = tpu.vector_load %arg8[%get3A_1297, %get3A_1298] {strides = array<i32>} : memref<64x64xf32, #tpu.memory_space<vmem>>, vector<16xf32>,
    %add3A_1300 = arith.addf %add3A_1295, %get3A_1299 : vector<16xf32>
    %get3A_1301 = arith.constant 44 : i32
    %get3A_1302 = arith.index_cast %get3A_1301 : i32 to index
    %get3A_1303 = arith.constant 48 : index
    %get3A_1304 = tpu.vector_load %arg8[%get3A_1302, %get3A_1303] {strides = array<i32>} : memref<64x64xf32, #tpu.memory_space<vmem>>, vector<16xf32>,
    %add3A_1305 = arith.addf %add3A_1300, %get3A_1304 : vector<16xf32>
    %get3A_1306 = arith.constant 45 : i32
    %get3A_1307 = arith.index_cast %get3A_1306 : i32 to index
    %get3A_1308 = arith.constant 48 : index
    %get3A_1309 = tpu.vector_load %arg8[%get3A_1307, %get3A_1308] {strides = array<i32>} : memref<64x64xf32, #tpu.memory_space<vmem>>, vector<16xf32>,
    %add3A_1310 = arith.addf %add3A_1305, %get3A_1309 : vector<16xf32>
    %get3A_1311 = arith.constant 46 : i32
    %get3A_1312 = arith.index_cast %get3A_1311 : i32 to index
    %get3A_1313 = arith.constant 48 : index
    %get3A_1314 = tpu.vector_load %arg8[%get3A_1312, %get3A_1313] {strides = array<i32>} : memref<64x64xf32, #tpu.memory_space<vmem>>, vector<16xf32>,
    %add3A_1315 = arith.addf %add3A_1310, %get3A_1314 : vector<16xf32>
    %get3A_1316 = arith.constant 47 : i32
    %get3A_1317 = arith.index_cast %get3A_1316 : i32 to index
    %get3A_1318 = arith.constant 48 : index
    %get3A_1319 = tpu.vector_load %arg8[%get3A_1317, %get3A_1318] {strides = array<i32>} : memref<64x64xf32, #tpu.memory_space<vmem>>, vector<16xf32>,
    %add3A_1320 = arith.addf %add3A_1315, %get3A_1319 : vector<16xf32>
    %get3A_1321 = arith.constant 48 : i32
    %get3A_1322 = arith.index_cast %get3A_1321 : i32 to index
    %get3A_1323 = arith.constant 48 : index
    %get3A_1324 = tpu.vector_load %arg8[%get3A_1322, %get3A_1323] {strides = array<i32>} : memref<64x64xf32, #tpu.memory_space<vmem>>, vector<16xf32>,
    %add3A_1325 = arith.addf %add3A_1320, %get3A_1324 : vector<16xf32>
    %get3A_1326 = arith.constant 49 : i32
    %get3A_1327 = arith.index_cast %get3A_1326 : i32 to index
    %get3A_1328 = arith.constant 48 : index
    %get3A_1329 = tpu.vector_load %arg8[%get3A_1327, %get3A_1328] {strides = array<i32>} : memref<64x64xf32, #tpu.memory_space<vmem>>, vector<16xf32>,
    %add3A_1330 = arith.addf %add3A_1325, %get3A_1329 : vector<16xf32>
    %get3A_1331 = arith.constant 50 : i32
    %get3A_1332 = arith.index_cast %get3A_1331 : i32 to index
    %get3A_1333 = arith.constant 48 : index
    %get3A_1334 = tpu.vector_load %arg8[%get3A_1332, %get3A_1333] {strides = array<i32>} : memref<64x64xf32, #tpu.memory_space<vmem>>, vector<16xf32>,
    %add3A_1335 = arith.addf %add3A_1330, %get3A_1334 : vector<16xf32>
    %get3A_1336 = arith.constant 51 : i32
    %get3A_1337 = arith.index_cast %get3A_1336 : i32 to index
    %get3A_1338 = arith.constant 48 : index
    %get3A_1339 = tpu.vector_load %arg8[%get3A_1337, %get3A_1338] {strides = array<i32>} : memref<64x64xf32, #tpu.memory_space<vmem>>, vector<16xf32>,
    %add3A_1340 = arith.addf %add3A_1335, %get3A_1339 : vector<16xf32>
    %get3A_1341 = arith.constant 52 : i32
    %get3A_1342 = arith.index_cast %get3A_1341 : i32 to index
    %get3A_1343 = arith.constant 48 : index
    %get3A_1344 = tpu.vector_load %arg8[%get3A_1342, %get3A_1343] {strides = array<i32>} : memref<64x64xf32, #tpu.memory_space<vmem>>, vector<16xf32>,
    %add3A_1345 = arith.addf %add3A_1340, %get3A_1344 : vector<16xf32>
    %get3A_1346 = arith.constant 53 : i32
    %get3A_1347 = arith.index_cast %get3A_1346 : i32 to index
    %get3A_1348 = arith.constant 48 : index
    %get3A_1349 = tpu.vector_load %arg8[%get3A_1347, %get3A_1348] {strides = array<i32>} : memref<64x64xf32, #tpu.memory_space<vmem>>, vector<16xf32>,
    %add3A_1350 = arith.addf %add3A_1345, %get3A_1349 : vector<16xf32>
    %get3A_1351 = arith.constant 54 : i32
    %get3A_1352 = arith.index_cast %get3A_1351 : i32 to index
    %get3A_1353 = arith.constant 48 : index
    %get3A_1354 = tpu.vector_load %arg8[%get3A_1352, %get3A_1353] {strides = array<i32>} : memref<64x64xf32, #tpu.memory_space<vmem>>, vector<16xf32>,
    %add3A_1355 = arith.addf %add3A_1350, %get3A_1354 : vector<16xf32>
    %get3A_1356 = arith.constant 55 : i32
    %get3A_1357 = arith.index_cast %get3A_1356 : i32 to index
    %get3A_1358 = arith.constant 48 : index
    %get3A_1359 = tpu.vector_load %arg8[%get3A_1357, %get3A_1358] {strides = array<i32>} : memref<64x64xf32, #tpu.memory_space<vmem>>, vector<16xf32>,
    %add3A_1360 = arith.addf %add3A_1355, %get3A_1359 : vector<16xf32>
    %get3A_1361 = arith.constant 56 : i32
    %get3A_1362 = arith.index_cast %get3A_1361 : i32 to index
    %get3A_1363 = arith.constant 48 : index
    %get3A_1364 = tpu.vector_load %arg8[%get3A_1362, %get3A_1363] {strides = array<i32>} : memref<64x64xf32, #tpu.memory_space<vmem>>, vector<16xf32>,
    %add3A_1365 = arith.addf %add3A_1360, %get3A_1364 : vector<16xf32>
    %get3A_1366 = arith.constant 57 : i32
    %get3A_1367 = arith.index_cast %get3A_1366 : i32 to index
    %get3A_1368 = arith.constant 48 : index
    %get3A_1369 = tpu.vector_load %arg8[%get3A_1367, %get3A_1368] {strides = array<i32>} : memref<64x64xf32, #tpu.memory_space<vmem>>, vector<16xf32>,
    %add3A_1370 = arith.addf %add3A_1365, %get3A_1369 : vector<16xf32>
    %get3A_1371 = arith.constant 58 : i32
    %get3A_1372 = arith.index_cast %get3A_1371 : i32 to index
    %get3A_1373 = arith.constant 48 : index
    %get3A_1374 = tpu.vector_load %arg8[%get3A_1372, %get3A_1373] {strides = array<i32>} : memref<64x64xf32, #tpu.memory_space<vmem>>, vector<16xf32>,
    %add3A_1375 = arith.addf %add3A_1370, %get3A_1374 : vector<16xf32>
    %get3A_1376 = arith.constant 59 : i32
    %get3A_1377 = arith.index_cast %get3A_1376 : i32 to index
    %get3A_1378 = arith.constant 48 : index
    %get3A_1379 = tpu.vector_load %arg8[%get3A_1377, %get3A_1378] {strides = array<i32>} : memref<64x64xf32, #tpu.memory_space<vmem>>, vector<16xf32>,
    %add3A_1380 = arith.addf %add3A_1375, %get3A_1379 : vector<16xf32>
    %get3A_1381 = arith.constant 60 : i32
    %get3A_1382 = arith.index_cast %get3A_1381 : i32 to index
    %get3A_1383 = arith.constant 48 : index
    %get3A_1384 = tpu.vector_load %arg8[%get3A_1382, %get3A_1383] {strides = array<i32>} : memref<64x64xf32, #tpu.memory_space<vmem>>, vector<16xf32>,
    %add3A_1385 = arith.addf %add3A_1380, %get3A_1384 : vector<16xf32>
    %get3A_1386 = arith.constant 61 : i32
    %get3A_1387 = arith.index_cast %get3A_1386 : i32 to index
    %get3A_1388 = arith.constant 48 : index
    %get3A_1389 = tpu.vector_load %arg8[%get3A_1387, %get3A_1388] {strides = array<i32>} : memref<64x64xf32, #tpu.memory_space<vmem>>, vector<16xf32>,
    %add3A_1390 = arith.addf %add3A_1385, %get3A_1389 : vector<16xf32>
    %get3A_1391 = arith.constant 62 : i32
    %get3A_1392 = arith.index_cast %get3A_1391 : i32 to index
    %get3A_1393 = arith.constant 48 : index
    %get3A_1394 = tpu.vector_load %arg8[%get3A_1392, %get3A_1393] {strides = array<i32>} : memref<64x64xf32, #tpu.memory_space<vmem>>, vector<16xf32>,
    %add3A_1395 = arith.addf %add3A_1390, %get3A_1394 : vector<16xf32>
    %get3A_1396 = arith.constant 63 : i32
    %get3A_1397 = arith.index_cast %get3A_1396 : i32 to index
    %get3A_1398 = arith.constant 48 : index
    %get3A_1399 = tpu.vector_load %arg8[%get3A_1397, %get3A_1398] {strides = array<i32>} : memref<64x64xf32, #tpu.memory_space<vmem>>, vector<16xf32>,
    %add3A_1400 = arith.addf %add3A_1395, %get3A_1399 : vector<16xf32>
    %mul3A_1401 = arith.constant 1.562500e-02 : f32
    %mul3A_1402 = vector.broadcast %mul3A_1401 : f32 to vector<16xf32>
    %mul3A_1403 = arith.mulf %add3A_1400, %mul3A_1402 : vector<16xf32>
    %bitcast_convert_type3A_1404 = tpu.bitcast %mul3A_1403 : vector<16xf32> -> vector<16xi32>
    %shift_right_logical3A_1405 = arith.constant 16 : i32
    %shift_right_logical3A_1406 = vector.broadcast %shift_right_logical3A_1405 : i32 to vector<16xi32>
    %shift_right_logical3A_1407 = arith.shrui %bitcast_convert_type3A_1404, %shift_right_logical3A_1406 : vector<16xi32>
    %and3A_1408 = arith.constant 1 : i32
    %and3A_1409 = vector.broadcast %and3A_1408 : i32 to vector<16xi32>
    %and3A_1410 = arith.andi %shift_right_logical3A_1407, %and3A_1409 : vector<16xi32>
    %add3A_1411 = arith.constant 32767 : i32
    %add3A_1412 = vector.broadcast %add3A_1411 : i32 to vector<16xi32>
    %add3A_1413 = arith.addi %bitcast_convert_type3A_1404, %add3A_1412 : vector<16xi32>
    %add3A_1414 = arith.addi %add3A_1413, %and3A_1410 : vector<16xi32>
    %and3A_1415 = arith.constant -65536 : i32
    %and3A_1416 = vector.broadcast %and3A_1415 : i32 to vector<16xi32>
    %and3A_1417 = arith.andi %add3A_1414, %and3A_1416 : vector<16xi32>
    %bitcast_convert_type3A_1418 = tpu.bitcast %and3A_1417 : vector<16xi32> -> vector<16xf32>
    %get3A_1419 = arith.constant 48 : index
    %get3A_1420 = tpu.vector_load %arg9[%get3A_1419] {strides = array<i32>} : memref<64xf32, #tpu.memory_space<vmem>>, vector<16xf32>,
    %bitcast_convert_type3A_1421 = tpu.bitcast %get3A_1420 : vector<16xf32> -> vector<16xi32>
    %shift_right_logical3A_1422 = arith.constant 16 : i32
    %shift_right_logical3A_1423 = vector.broadcast %shift_right_logical3A_1422 : i32 to vector<16xi32>
    %shift_right_logical3A_1424 = arith.shrui %bitcast_convert_type3A_1421, %shift_right_logical3A_1423 : vector<16xi32>
    %and3A_1425 = arith.constant 1 : i32
    %and3A_1426 = vector.broadcast %and3A_1425 : i32 to vector<16xi32>
    %and3A_1427 = arith.andi %shift_right_logical3A_1424, %and3A_1426 : vector<16xi32>
    %add3A_1428 = arith.constant 32767 : i32
    %add3A_1429 = vector.broadcast %add3A_1428 : i32 to vector<16xi32>
    %add3A_1430 = arith.addi %bitcast_convert_type3A_1421, %add3A_1429 : vector<16xi32>
    %add3A_1431 = arith.addi %add3A_1430, %and3A_1427 : vector<16xi32>
    %and3A_1432 = arith.constant -65536 : i32
    %and3A_1433 = vector.broadcast %and3A_1432 : i32 to vector<16xi32>
    %and3A_1434 = arith.andi %add3A_1431, %and3A_1433 : vector<16xi32>
    %bitcast_convert_type3A_1435 = tpu.bitcast %and3A_1434 : vector<16xi32> -> vector<16xf32>
    %mul3A_1436 = arith.mulf %bitcast_convert_type3A_1418, %bitcast_convert_type3A_1435 : vector<16xf32>
    %add3A_1437 = arith.addf %add3A_1078, %mul3A_1436 : vector<16xf32>
    %reduce_sum3A = arith.constant true
    %reduce_sum3A_1438 = vector.broadcast %reduce_sum3A : i1 to vector<16xi1>
    %reduce_sum3A_1439 = tpu.scan <sum>, %add3A_1437 masked %reduce_sum3A_1438 : vector<16xf32>, vector<16xi1> -> vector<16xf32>
    %reduce_sum3A_1440 = vector.extract %reduce_sum3A_1439[15] : f32 from vector<16xf32>
    %broadcast_in_dim3A_1441 = vector.broadcast %reduce_sum3A_1440 : f32 to vector<16xf32>
    %get3A_1442 = arith.constant 0 : index
    %get3A_1443 = tpu.vector_load %arg10[%get3A_1442] {strides = array<i32>} : memref<16xf32, #tpu.memory_space<vmem>>, vector<16xf32>,
    %add3A_1444 = arith.addf %broadcast_in_dim3A_1441, %get3A_1443 : vector<16xf32>
    %swap3A = arith.constant 0 : index
    %swap3A_1445 = tpu.vector_load %arg11[%swap3A] {strides = array<i32>} : memref<16xf32, #tpu.memory_space<vmem>>, vector<16xf32>,
    tpu.vector_store %arg11[%swap3A], %add3A_1444 {strides = array<i32>} : memref<16xf32, #tpu.memory_space<vmem>>, vector<16xf32>,
    "tpu.region"() ({
      %run_scoped3A = tpu.sem_alloc : memref<!tpu.dma_semaphore, #tpu.memory_space<semaphore_mem>>
      %dma_start3A_1446 = arith.constant 0 : i32
      %dma_start3A_1447 = tpu.memref_slice %arg6[%add3A, %dma_start3A_1446] : memref<32x16xf32, #tpu.memory_space<hbm>> -> memref<1x16xf32, #tpu.memory_space<hbm>>
      %dma_start3A_1448 = tpu.memref_squeeze %dma_start3A_1447 : memref<1x16xf32, #tpu.memory_space<hbm>> -> memref<16xf32, #tpu.memory_space<hbm>>
      %dma_start3A_1449 = arith.constant 0 : i32
      %dma_start3A_1450 = tpu.memref_slice %arg6[%add3A, %dma_start3A_1449] : memref<32x16xf32, #tpu.memory_space<hbm>> -> memref<1x16xf32, #tpu.memory_space<hbm>>
      %dma_start3A_1451 = tpu.memref_squeeze %dma_start3A_1450 : memref<1x16xf32, #tpu.memory_space<hbm>> -> memref<16xf32, #tpu.memory_space<hbm>>
      tpu.enqueue_dma source(%arg11 : memref<16xf32, #tpu.memory_space<vmem>>) target(%dma_start3A_1451 : memref<16xf32, #tpu.memory_space<hbm>>) target_semaphore(%run_scoped3A : memref<!tpu.dma_semaphore, #tpu.memory_space<semaphore_mem>>)
      %dma_wait3A_1452 = arith.constant 0 : i32
      %dma_wait3A_1453 = tpu.memref_slice %arg6[%add3A, %dma_wait3A_1452] : memref<32x16xf32, #tpu.memory_space<hbm>> -> memref<1x16xf32, #tpu.memory_space<hbm>>
      %dma_wait3A_1454 = tpu.memref_squeeze %dma_wait3A_1453 : memref<1x16xf32, #tpu.memory_space<hbm>> -> memref<16xf32, #tpu.memory_space<hbm>>
      %dma_wait3A_1455 = arith.constant 0 : i32
      %dma_wait3A_1456 = tpu.memref_slice %arg6[%add3A, %dma_wait3A_1455] : memref<32x16xf32, #tpu.memory_space<hbm>> -> memref<1x16xf32, #tpu.memory_space<hbm>>
      %dma_wait3A_1457 = tpu.memref_squeeze %dma_wait3A_1456 : memref<1x16xf32, #tpu.memory_space<hbm>> -> memref<16xf32, #tpu.memory_space<hbm>>
      tpu.wait_dma2 semaphore(%run_scoped3A : memref<!tpu.dma_semaphore, #tpu.memory_space<semaphore_mem>>) src(%arg11 : memref<16xf32, #tpu.memory_space<vmem>>) dst(%dma_wait3A_1457 : memref<16xf32, #tpu.memory_space<hbm>>)
      tpu.yield
    }) : () -> ()
    return
  }
}

module attributes {stable_mosaic.version = 14 : i64} {
  func.func @_mega_body(%arg0: memref<4096x128xf32, #tpu.memory_space<vmem>>, %arg1: memref<77x768xf32, #tpu.memory_space<vmem>>, %arg2: memref<128x64xf32, #tpu.memory_space<vmem>>, %arg3: memref<64x64xf32, #tpu.memory_space<vmem>>, %arg4: memref<768x192xf32, #tpu.memory_space<vmem>>, %arg5: memref<64x192xf32, #tpu.memory_space<vmem>>, %arg6: memref<1x192xf32, #tpu.memory_space<vmem>>, %arg7: memref<1x192xf32, #tpu.memory_space<vmem>>, %arg8: memref<64x64xf32, #tpu.memory_space<vmem>>, %arg9: memref<64x64xf32, #tpu.memory_space<vmem>>, %arg10: memref<64x64xf32, #tpu.memory_space<vmem>>, %arg11: memref<64x64xf32, #tpu.memory_space<vmem>>, %arg12: memref<64x64xf32, #tpu.memory_space<vmem>>, %arg13: memref<64x64xf32, #tpu.memory_space<vmem>>, %arg14: memref<64x64xf32, #tpu.memory_space<vmem>>, %arg15: memref<64x64xf32, #tpu.memory_space<vmem>>, %arg16: memref<64x64xf32, #tpu.memory_space<vmem>>, %arg17: memref<4096x64xf32, #tpu.memory_space<vmem>>, %arg18: memref<4096x64xf32, #tpu.memory_space<vmem>>, %arg19: memref<4096x64xf32, #tpu.memory_space<vmem>>, %arg20: memref<4096x64xf32, #tpu.memory_space<vmem>>, %arg21: memref<4096x1xf32, #tpu.memory_space<vmem>>, %arg22: memref<1x4096xf32, #tpu.memory_space<vmem>>, %arg23: memref<77x192xf32, #tpu.memory_space<vmem>>) attributes {dimension_semantics = [], scalar_prefetch = 0 : i64, scratch_operands = 6 : i64, tpu.core_type = #tpu.core_type<tc>} {
    %get3A = arith.constant 0 : index
    %get3A_0 = arith.constant 0 : index
    %get3A_1 = vector.load %arg0[%get3A, %get3A_0] : memref<4096x128xf32, #tpu.memory_space<vmem>>, vector<4096x128xf32>
    %get3A_2 = arith.constant 0 : index
    %get3A_3 = arith.constant 0 : index
    %get3A_4 = vector.load %arg2[%get3A_2, %get3A_3] : memref<128x64xf32, #tpu.memory_space<vmem>>, vector<128x64xf32>
    %dot_general3A = arith.constant dense<0.000000e+00> : vector<4096x64xf32>
    %dot_general3A_5 = tpu.matmul %get3A_1, %get3A_4, %dot_general3A {dimension_numbers = #tpu.dot_dimension_numbers<[1], [0], [0], [1], [0, 0, 1, 1], [], []>, transpose_lhs_hint = false} : vector<4096x128xf32>, vector<128x64xf32>, vector<4096x64xf32> -> vector<4096x64xf32>
    %iota3A = tpu.iota {dimensions = array<i32: 0>} : vector<4096x1xi32>
    %eq3A = arith.constant 0 : i32
    %eq3A_6 = vector.broadcast %eq3A : i32 to vector<4096x1xi32>
    %eq3A_7 = arith.cmpi eq, %iota3A, %eq3A_6 : vector<4096x1xi32>
    %eq3A_8 = arith.constant 4095 : i32
    %eq3A_9 = vector.broadcast %eq3A_8 : i32 to vector<4096x1xi32>
    %eq3A_10 = arith.cmpi eq, %iota3A, %eq3A_9 : vector<4096x1xi32>
    %or3A = arith.ori %eq3A_7, %eq3A_10 : vector<4096x1xi1>
    %jit3A = arith.constant 2.000000e+00 : f32
    %jit3A_11 = arith.constant 3.000000e+00 : f32
    %broadcast_in_dim3A = vector.broadcast %jit3A : f32 to vector<4096x1xf32>
    %broadcast_in_dim3A_12 = vector.broadcast %jit3A_11 : f32 to vector<4096x1xf32>
    %select_n3A = arith.select %or3A, %broadcast_in_dim3A, %broadcast_in_dim3A_12 : vector<4096x1xi1>, vector<4096x1xf32>
    %sqrt3A = math.sqrt %select_n3A : vector<4096x1xf32>
    %div3A = arith.constant 1.000000e+00 : f32
    %div3A_13 = vector.broadcast %div3A : f32 to vector<4096x1xf32>
    %div3A_14 = arith.divf %div3A_13, %sqrt3A : vector<4096x1xf32>
    %broadcast_in_dim3A_15 = arith.constant 0.000000e+00 : f32
    %broadcast_in_dim3A_16 = vector.broadcast %broadcast_in_dim3A_15 : f32 to vector<1x1xf32>
    %slice3A = vector.extract_strided_slice %div3A_14 {offsets = [0, 0], sizes = [4095, 1], strides = [1, 1]} : vector<4096x1xf32> to vector<4095x1xf32>
    %concatenate3A = tpu.concatenate %broadcast_in_dim3A_16, %slice3A in 0 : vector<1x1xf32>, vector<4095x1xf32> -> vector<4096x1xf32>
    %slice3A_17 = vector.extract_strided_slice %div3A_14 {offsets = [1, 0], sizes = [4095, 1], strides = [1, 1]} : vector<4096x1xf32> to vector<4095x1xf32>
    %concatenate3A_18 = tpu.concatenate %slice3A_17, %broadcast_in_dim3A_16 in 0 : vector<4095x1xf32>, vector<1x1xf32> -> vector<4096x1xf32>
    %mul3A = arith.mulf %div3A_14, %concatenate3A : vector<4096x1xf32>
    %convert_element_type3A = arith.truncf %mul3A : vector<4096x1xf32> to vector<4096x1xbf16>
    %convert_element_type3A_19 = arith.extf %convert_element_type3A : vector<4096x1xbf16> to vector<4096x1xf32>
    %mul3A_20 = arith.mulf %div3A_14, %div3A_14 : vector<4096x1xf32>
    %convert_element_type3A_21 = arith.truncf %mul3A_20 : vector<4096x1xf32> to vector<4096x1xbf16>
    %convert_element_type3A_22 = arith.extf %convert_element_type3A_21 : vector<4096x1xbf16> to vector<4096x1xf32>
    %mul3A_23 = arith.mulf %div3A_14, %concatenate3A_18 : vector<4096x1xf32>
    %convert_element_type3A_24 = arith.truncf %mul3A_23 : vector<4096x1xf32> to vector<4096x1xbf16>
    %convert_element_type3A_25 = arith.extf %convert_element_type3A_24 : vector<4096x1xbf16> to vector<4096x1xf32>
    %convert_element_type3A_26 = arith.truncf %dot_general3A_5 : vector<4096x64xf32> to vector<4096x64xbf16>
    %convert_element_type3A_27 = arith.extf %convert_element_type3A_26 : vector<4096x64xbf16> to vector<4096x64xf32>
    %broadcast_in_dim3A_28 = arith.constant 0.000000e+00 : f32
    %broadcast_in_dim3A_29 = vector.broadcast %broadcast_in_dim3A_28 : f32 to vector<1x64xf32>
    %slice3A_30 = vector.extract_strided_slice %convert_element_type3A_27 {offsets = [0, 0], sizes = [4095, 64], strides = [1, 1]} : vector<4096x64xf32> to vector<4095x64xf32>
    %concatenate3A_31 = tpu.concatenate %broadcast_in_dim3A_29, %slice3A_30 in 0 : vector<1x64xf32>, vector<4095x64xf32> -> vector<4096x64xf32>
    %slice3A_32 = vector.extract_strided_slice %convert_element_type3A_27 {offsets = [1, 0], sizes = [4095, 64], strides = [1, 1]} : vector<4096x64xf32> to vector<4095x64xf32>
    %concatenate3A_33 = tpu.concatenate %slice3A_32, %broadcast_in_dim3A_29 in 0 : vector<4095x64xf32>, vector<1x64xf32> -> vector<4096x64xf32>
    %mul3A_34 = vector.broadcast %convert_element_type3A_19 : vector<4096x1xf32> to vector<4096x64xf32>
    %mul3A_35 = arith.mulf %mul3A_34, %concatenate3A_31 : vector<4096x64xf32>
    %mul3A_36 = vector.broadcast %convert_element_type3A_22 : vector<4096x1xf32> to vector<4096x64xf32>
    %mul3A_37 = arith.mulf %mul3A_36, %convert_element_type3A_27 : vector<4096x64xf32>
    %add3A = arith.addf %mul3A_35, %mul3A_37 : vector<4096x64xf32>
    %mul3A_38 = vector.broadcast %convert_element_type3A_25 : vector<4096x1xf32> to vector<4096x64xf32>
    %mul3A_39 = arith.mulf %mul3A_38, %concatenate3A_33 : vector<4096x64xf32>
    %add3A_40 = arith.addf %add3A, %mul3A_39 : vector<4096x64xf32>
    %max3A = arith.constant 0.000000e+00 : f32
    %max3A_41 = vector.broadcast %max3A : f32 to vector<4096x64xf32>
    %max3A_42 = arith.maximumf %add3A_40, %max3A_41 : vector<4096x64xf32>
    %swap3A = arith.constant 0 : index
    %swap3A_43 = arith.constant 0 : index
    %swap3A_44 = vector.load %arg18[%swap3A, %swap3A_43] : memref<4096x64xf32, #tpu.memory_space<vmem>>, vector<4096x64xf32>
    tpu.vector_store %arg18[%swap3A, %swap3A_43], %max3A_42 {strides = array<i32>} : memref<4096x64xf32, #tpu.memory_space<vmem>>, vector<4096x64xf32>,
    %get3A_45 = arith.constant 0 : index
    %get3A_46 = arith.constant 0 : index
    %get3A_47 = vector.load %arg3[%get3A_45, %get3A_46] : memref<64x64xf32, #tpu.memory_space<vmem>>, vector<64x64xf32>
    %dot_general3A_48 = arith.constant dense<0.000000e+00> : vector<4096x64xf32>
    %dot_general3A_49 = tpu.matmul %max3A_42, %get3A_47, %dot_general3A_48 {dimension_numbers = #tpu.dot_dimension_numbers<[1], [0], [0], [1], [0, 0, 1, 1], [], []>, transpose_lhs_hint = false} : vector<4096x64xf32>, vector<64x64xf32>, vector<4096x64xf32> -> vector<4096x64xf32>
    %swap3A_50 = arith.constant 0 : index
    %swap3A_51 = arith.constant 0 : index
    %swap3A_52 = vector.load %arg19[%swap3A_50, %swap3A_51] : memref<4096x64xf32, #tpu.memory_space<vmem>>, vector<4096x64xf32>
    tpu.vector_store %arg19[%swap3A_50, %swap3A_51], %dot_general3A_49 {strides = array<i32>} : memref<4096x64xf32, #tpu.memory_space<vmem>>, vector<4096x64xf32>,
    %mul3A_53 = arith.mulf %max3A_42, %max3A_42 : vector<4096x64xf32>
    %reduce_sum3A = arith.constant dense<0.000000e+00> : vector<4096xf32>
    %reduce_sum3A_54 = vector.multi_reduction <add>, %mul3A_53, %reduce_sum3A [1] : vector<4096x64xf32> to vector<4096xf32>
    %broadcast_in_dim3A_55 = vector.shape_cast %reduce_sum3A_54 : vector<4096xf32> to vector<4096x1xf32>
    %swap3A_56 = arith.constant 0 : index
    %swap3A_57 = arith.constant 0 : index
    %swap3A_58 = vector.load %arg21[%swap3A_56, %swap3A_57] : memref<4096x1xf32, #tpu.memory_space<vmem>>, vector<4096x1xf32>
    tpu.vector_store %arg21[%swap3A_56, %swap3A_57], %broadcast_in_dim3A_55 {strides = array<i32>} : memref<4096x1xf32, #tpu.memory_space<vmem>>, vector<4096x1xf32>,
    %broadcast_in_dim3A_59 = vector.shape_cast %reduce_sum3A_54 : vector<4096xf32> to vector<1x4096xf32>
    %swap3A_60 = arith.constant 0 : index
    %swap3A_61 = arith.constant 0 : index
    %swap3A_62 = vector.load %arg22[%swap3A_60, %swap3A_61] : memref<1x4096xf32, #tpu.memory_space<vmem>>, vector<1x4096xf32>
    tpu.vector_store %arg22[%swap3A_60, %swap3A_61], %broadcast_in_dim3A_59 {strides = array<i32>} : memref<1x4096xf32, #tpu.memory_space<vmem>>, vector<1x4096xf32>,
    %get3A_63 = arith.constant 0 : index
    %get3A_64 = arith.constant 0 : index
    %get3A_65 = vector.load %arg18[%get3A_63, %get3A_64] : memref<4096x64xf32, #tpu.memory_space<vmem>>, vector<512x64xf32>
    %get3A_66 = arith.constant 0 : index
    %get3A_67 = arith.constant 0 : index
    %get3A_68 = vector.load %arg21[%get3A_66, %get3A_67] : memref<4096x1xf32, #tpu.memory_space<vmem>>, vector<512x1xf32>
    %get3A_69 = arith.constant 0 : index
    %get3A_70 = arith.constant 0 : index
    %get3A_71 = vector.load %arg18[%get3A_69, %get3A_70] : memref<4096x64xf32, #tpu.memory_space<vmem>>, vector<512x64xf32>
    %get3A_72 = arith.constant 0 : index
    %get3A_73 = arith.constant 0 : index
    %get3A_74 = vector.load %arg22[%get3A_72, %get3A_73] : memref<1x4096xf32, #tpu.memory_space<vmem>>, vector<1x512xf32>
    %dot_general3A_75 = arith.constant dense<0.000000e+00> : vector<512x512xf32>
    %dot_general3A_76 = tpu.matmul %get3A_65, %get3A_71, %dot_general3A_75 {dimension_numbers = #tpu.dot_dimension_numbers<[1], [1], [0], [0], [0, 0, 1, 0], [], []>, transpose_lhs_hint = false} : vector<512x64xf32>, vector<512x64xf32>, vector<512x512xf32> -> vector<512x512xf32>
    %add3A_77 = vector.broadcast %get3A_68 : vector<512x1xf32> to vector<512x512xf32>
    %add3A_78 = vector.broadcast %get3A_74 : vector<1x512xf32> to vector<512x512xf32>
    %add3A_79 = arith.addf %add3A_77, %add3A_78 : vector<512x512xf32>
    %mul3A_80 = arith.constant 2.000000e+00 : f32
    %mul3A_81 = vector.broadcast %mul3A_80 : f32 to vector<512x512xf32>
    %mul3A_82 = arith.mulf %mul3A_81, %dot_general3A_76 : vector<512x512xf32>
    %sub3A = arith.subf %add3A_79, %mul3A_82 : vector<512x512xf32>
    %max3A_83 = arith.constant 0.000000e+00 : f32
    %max3A_84 = vector.broadcast %max3A_83 : f32 to vector<512x512xf32>
    %max3A_85 = arith.maximumf %sub3A, %max3A_84 : vector<512x512xf32>
    %sqrt3A_86 = math.sqrt %max3A_85 : vector<512x512xf32>
    %reduce_sum3A_87 = vector.shape_cast %sqrt3A_86 : vector<512x512xf32> to vector<1x512x512xf32>
    %reduce_sum3A_88 = arith.constant dense<0.000000e+00> : vector<1xf32>
    %reduce_sum3A_89 = vector.multi_reduction <add>, %reduce_sum3A_87, %reduce_sum3A_88 [1, 2] : vector<1x512x512xf32> to vector<1xf32>
    %reduce_sum3A_90 = vector.shape_cast %reduce_sum3A_89 : vector<1xf32> to vector<1x1x1xf32>
    %reduce_sum3A_91 = vector.extract %reduce_sum3A_90[0, 0, 0] : f32 from vector<1x1x1xf32>
    %add3A_92 = arith.constant 0.000000e+00 : f32
    %add3A_93 = arith.addf %add3A_92, %reduce_sum3A_91 : f32
    %get3A_94 = arith.constant 512 : index
    %get3A_95 = arith.constant 0 : index
    %get3A_96 = vector.load %arg18[%get3A_94, %get3A_95] : memref<4096x64xf32, #tpu.memory_space<vmem>>, vector<512x64xf32>
    %get3A_97 = arith.constant 0 : index
    %get3A_98 = arith.constant 512 : index
    %get3A_99 = vector.load %arg22[%get3A_97, %get3A_98] : memref<1x4096xf32, #tpu.memory_space<vmem>>, vector<1x512xf32>
    %dot_general3A_100 = arith.constant dense<0.000000e+00> : vector<512x512xf32>
    %dot_general3A_101 = tpu.matmul %get3A_65, %get3A_96, %dot_general3A_100 {dimension_numbers = #tpu.dot_dimension_numbers<[1], [1], [0], [0], [0, 0, 1, 0], [], []>, transpose_lhs_hint = false} : vector<512x64xf32>, vector<512x64xf32>, vector<512x512xf32> -> vector<512x512xf32>
    %add3A_102 = vector.broadcast %get3A_68 : vector<512x1xf32> to vector<512x512xf32>
    %add3A_103 = vector.broadcast %get3A_99 : vector<1x512xf32> to vector<512x512xf32>
    %add3A_104 = arith.addf %add3A_102, %add3A_103 : vector<512x512xf32>
    %mul3A_105 = arith.constant 2.000000e+00 : f32
    %mul3A_106 = vector.broadcast %mul3A_105 : f32 to vector<512x512xf32>
    %mul3A_107 = arith.mulf %mul3A_106, %dot_general3A_101 : vector<512x512xf32>
    %sub3A_108 = arith.subf %add3A_104, %mul3A_107 : vector<512x512xf32>
    %max3A_109 = arith.constant 0.000000e+00 : f32
    %max3A_110 = vector.broadcast %max3A_109 : f32 to vector<512x512xf32>
    %max3A_111 = arith.maximumf %sub3A_108, %max3A_110 : vector<512x512xf32>
    %sqrt3A_112 = math.sqrt %max3A_111 : vector<512x512xf32>
    %reduce_sum3A_113 = vector.shape_cast %sqrt3A_112 : vector<512x512xf32> to vector<1x512x512xf32>
    %reduce_sum3A_114 = arith.constant dense<0.000000e+00> : vector<1xf32>
    %reduce_sum3A_115 = vector.multi_reduction <add>, %reduce_sum3A_113, %reduce_sum3A_114 [1, 2] : vector<1x512x512xf32> to vector<1xf32>
    %reduce_sum3A_116 = vector.shape_cast %reduce_sum3A_115 : vector<1xf32> to vector<1x1x1xf32>
    %reduce_sum3A_117 = vector.extract %reduce_sum3A_116[0, 0, 0] : f32 from vector<1x1x1xf32>
    %mul3A_118 = arith.constant 2.000000e+00 : f32
    %mul3A_119 = arith.mulf %mul3A_118, %reduce_sum3A_117 : f32
    %add3A_120 = arith.addf %add3A_93, %mul3A_119 : f32
    %get3A_121 = arith.constant 1024 : index
    %get3A_122 = arith.constant 0 : index
    %get3A_123 = vector.load %arg18[%get3A_121, %get3A_122] : memref<4096x64xf32, #tpu.memory_space<vmem>>, vector<512x64xf32>
    %get3A_124 = arith.constant 0 : index
    %get3A_125 = arith.constant 1024 : index
    %get3A_126 = vector.load %arg22[%get3A_124, %get3A_125] : memref<1x4096xf32, #tpu.memory_space<vmem>>, vector<1x512xf32>
    %dot_general3A_127 = arith.constant dense<0.000000e+00> : vector<512x512xf32>
    %dot_general3A_128 = tpu.matmul %get3A_65, %get3A_123, %dot_general3A_127 {dimension_numbers = #tpu.dot_dimension_numbers<[1], [1], [0], [0], [0, 0, 1, 0], [], []>, transpose_lhs_hint = false} : vector<512x64xf32>, vector<512x64xf32>, vector<512x512xf32> -> vector<512x512xf32>
    %add3A_129 = vector.broadcast %get3A_68 : vector<512x1xf32> to vector<512x512xf32>
    %add3A_130 = vector.broadcast %get3A_126 : vector<1x512xf32> to vector<512x512xf32>
    %add3A_131 = arith.addf %add3A_129, %add3A_130 : vector<512x512xf32>
    %mul3A_132 = arith.constant 2.000000e+00 : f32
    %mul3A_133 = vector.broadcast %mul3A_132 : f32 to vector<512x512xf32>
    %mul3A_134 = arith.mulf %mul3A_133, %dot_general3A_128 : vector<512x512xf32>
    %sub3A_135 = arith.subf %add3A_131, %mul3A_134 : vector<512x512xf32>
    %max3A_136 = arith.constant 0.000000e+00 : f32
    %max3A_137 = vector.broadcast %max3A_136 : f32 to vector<512x512xf32>
    %max3A_138 = arith.maximumf %sub3A_135, %max3A_137 : vector<512x512xf32>
    %sqrt3A_139 = math.sqrt %max3A_138 : vector<512x512xf32>
    %reduce_sum3A_140 = vector.shape_cast %sqrt3A_139 : vector<512x512xf32> to vector<1x512x512xf32>
    %reduce_sum3A_141 = arith.constant dense<0.000000e+00> : vector<1xf32>
    %reduce_sum3A_142 = vector.multi_reduction <add>, %reduce_sum3A_140, %reduce_sum3A_141 [1, 2] : vector<1x512x512xf32> to vector<1xf32>
    %reduce_sum3A_143 = vector.shape_cast %reduce_sum3A_142 : vector<1xf32> to vector<1x1x1xf32>
    %reduce_sum3A_144 = vector.extract %reduce_sum3A_143[0, 0, 0] : f32 from vector<1x1x1xf32>
    %mul3A_145 = arith.constant 2.000000e+00 : f32
    %mul3A_146 = arith.mulf %mul3A_145, %reduce_sum3A_144 : f32
    %add3A_147 = arith.addf %add3A_120, %mul3A_146 : f32
    %get3A_148 = arith.constant 1536 : index
    %get3A_149 = arith.constant 0 : index
    %get3A_150 = vector.load %arg18[%get3A_148, %get3A_149] : memref<4096x64xf32, #tpu.memory_space<vmem>>, vector<512x64xf32>
    %get3A_151 = arith.constant 0 : index
    %get3A_152 = arith.constant 1536 : index
    %get3A_153 = vector.load %arg22[%get3A_151, %get3A_152] : memref<1x4096xf32, #tpu.memory_space<vmem>>, vector<1x512xf32>
    %dot_general3A_154 = arith.constant dense<0.000000e+00> : vector<512x512xf32>
    %dot_general3A_155 = tpu.matmul %get3A_65, %get3A_150, %dot_general3A_154 {dimension_numbers = #tpu.dot_dimension_numbers<[1], [1], [0], [0], [0, 0, 1, 0], [], []>, transpose_lhs_hint = false} : vector<512x64xf32>, vector<512x64xf32>, vector<512x512xf32> -> vector<512x512xf32>
    %add3A_156 = vector.broadcast %get3A_68 : vector<512x1xf32> to vector<512x512xf32>
    %add3A_157 = vector.broadcast %get3A_153 : vector<1x512xf32> to vector<512x512xf32>
    %add3A_158 = arith.addf %add3A_156, %add3A_157 : vector<512x512xf32>
    %mul3A_159 = arith.constant 2.000000e+00 : f32
    %mul3A_160 = vector.broadcast %mul3A_159 : f32 to vector<512x512xf32>
    %mul3A_161 = arith.mulf %mul3A_160, %dot_general3A_155 : vector<512x512xf32>
    %sub3A_162 = arith.subf %add3A_158, %mul3A_161 : vector<512x512xf32>
    %max3A_163 = arith.constant 0.000000e+00 : f32
    %max3A_164 = vector.broadcast %max3A_163 : f32 to vector<512x512xf32>
    %max3A_165 = arith.maximumf %sub3A_162, %max3A_164 : vector<512x512xf32>
    %sqrt3A_166 = math.sqrt %max3A_165 : vector<512x512xf32>
    %reduce_sum3A_167 = vector.shape_cast %sqrt3A_166 : vector<512x512xf32> to vector<1x512x512xf32>
    %reduce_sum3A_168 = arith.constant dense<0.000000e+00> : vector<1xf32>
    %reduce_sum3A_169 = vector.multi_reduction <add>, %reduce_sum3A_167, %reduce_sum3A_168 [1, 2] : vector<1x512x512xf32> to vector<1xf32>
    %reduce_sum3A_170 = vector.shape_cast %reduce_sum3A_169 : vector<1xf32> to vector<1x1x1xf32>
    %reduce_sum3A_171 = vector.extract %reduce_sum3A_170[0, 0, 0] : f32 from vector<1x1x1xf32>
    %mul3A_172 = arith.constant 2.000000e+00 : f32
    %mul3A_173 = arith.mulf %mul3A_172, %reduce_sum3A_171 : f32
    %add3A_174 = arith.addf %add3A_147, %mul3A_173 : f32
    %get3A_175 = arith.constant 2048 : index
    %get3A_176 = arith.constant 0 : index
    %get3A_177 = vector.load %arg18[%get3A_175, %get3A_176] : memref<4096x64xf32, #tpu.memory_space<vmem>>, vector<512x64xf32>
    %get3A_178 = arith.constant 0 : index
    %get3A_179 = arith.constant 2048 : index
    %get3A_180 = vector.load %arg22[%get3A_178, %get3A_179] : memref<1x4096xf32, #tpu.memory_space<vmem>>, vector<1x512xf32>
    %dot_general3A_181 = arith.constant dense<0.000000e+00> : vector<512x512xf32>
    %dot_general3A_182 = tpu.matmul %get3A_65, %get3A_177, %dot_general3A_181 {dimension_numbers = #tpu.dot_dimension_numbers<[1], [1], [0], [0], [0, 0, 1, 0], [], []>, transpose_lhs_hint = false} : vector<512x64xf32>, vector<512x64xf32>, vector<512x512xf32> -> vector<512x512xf32>
    %add3A_183 = vector.broadcast %get3A_68 : vector<512x1xf32> to vector<512x512xf32>
    %add3A_184 = vector.broadcast %get3A_180 : vector<1x512xf32> to vector<512x512xf32>
    %add3A_185 = arith.addf %add3A_183, %add3A_184 : vector<512x512xf32>
    %mul3A_186 = arith.constant 2.000000e+00 : f32
    %mul3A_187 = vector.broadcast %mul3A_186 : f32 to vector<512x512xf32>
    %mul3A_188 = arith.mulf %mul3A_187, %dot_general3A_182 : vector<512x512xf32>
    %sub3A_189 = arith.subf %add3A_185, %mul3A_188 : vector<512x512xf32>
    %max3A_190 = arith.constant 0.000000e+00 : f32
    %max3A_191 = vector.broadcast %max3A_190 : f32 to vector<512x512xf32>
    %max3A_192 = arith.maximumf %sub3A_189, %max3A_191 : vector<512x512xf32>
    %sqrt3A_193 = math.sqrt %max3A_192 : vector<512x512xf32>
    %reduce_sum3A_194 = vector.shape_cast %sqrt3A_193 : vector<512x512xf32> to vector<1x512x512xf32>
    %reduce_sum3A_195 = arith.constant dense<0.000000e+00> : vector<1xf32>
    %reduce_sum3A_196 = vector.multi_reduction <add>, %reduce_sum3A_194, %reduce_sum3A_195 [1, 2] : vector<1x512x512xf32> to vector<1xf32>
    %reduce_sum3A_197 = vector.shape_cast %reduce_sum3A_196 : vector<1xf32> to vector<1x1x1xf32>
    %reduce_sum3A_198 = vector.extract %reduce_sum3A_197[0, 0, 0] : f32 from vector<1x1x1xf32>
    %mul3A_199 = arith.constant 2.000000e+00 : f32
    %mul3A_200 = arith.mulf %mul3A_199, %reduce_sum3A_198 : f32
    %add3A_201 = arith.addf %add3A_174, %mul3A_200 : f32
    %get3A_202 = arith.constant 2560 : index
    %get3A_203 = arith.constant 0 : index
    %get3A_204 = vector.load %arg18[%get3A_202, %get3A_203] : memref<4096x64xf32, #tpu.memory_space<vmem>>, vector<512x64xf32>
    %get3A_205 = arith.constant 0 : index
    %get3A_206 = arith.constant 2560 : index
    %get3A_207 = vector.load %arg22[%get3A_205, %get3A_206] : memref<1x4096xf32, #tpu.memory_space<vmem>>, vector<1x512xf32>
    %dot_general3A_208 = arith.constant dense<0.000000e+00> : vector<512x512xf32>
    %dot_general3A_209 = tpu.matmul %get3A_65, %get3A_204, %dot_general3A_208 {dimension_numbers = #tpu.dot_dimension_numbers<[1], [1], [0], [0], [0, 0, 1, 0], [], []>, transpose_lhs_hint = false} : vector<512x64xf32>, vector<512x64xf32>, vector<512x512xf32> -> vector<512x512xf32>
    %add3A_210 = vector.broadcast %get3A_68 : vector<512x1xf32> to vector<512x512xf32>
    %add3A_211 = vector.broadcast %get3A_207 : vector<1x512xf32> to vector<512x512xf32>
    %add3A_212 = arith.addf %add3A_210, %add3A_211 : vector<512x512xf32>
    %mul3A_213 = arith.constant 2.000000e+00 : f32
    %mul3A_214 = vector.broadcast %mul3A_213 : f32 to vector<512x512xf32>
    %mul3A_215 = arith.mulf %mul3A_214, %dot_general3A_209 : vector<512x512xf32>
    %sub3A_216 = arith.subf %add3A_212, %mul3A_215 : vector<512x512xf32>
    %max3A_217 = arith.constant 0.000000e+00 : f32
    %max3A_218 = vector.broadcast %max3A_217 : f32 to vector<512x512xf32>
    %max3A_219 = arith.maximumf %sub3A_216, %max3A_218 : vector<512x512xf32>
    %sqrt3A_220 = math.sqrt %max3A_219 : vector<512x512xf32>
    %reduce_sum3A_221 = vector.shape_cast %sqrt3A_220 : vector<512x512xf32> to vector<1x512x512xf32>
    %reduce_sum3A_222 = arith.constant dense<0.000000e+00> : vector<1xf32>
    %reduce_sum3A_223 = vector.multi_reduction <add>, %reduce_sum3A_221, %reduce_sum3A_222 [1, 2] : vector<1x512x512xf32> to vector<1xf32>
    %reduce_sum3A_224 = vector.shape_cast %reduce_sum3A_223 : vector<1xf32> to vector<1x1x1xf32>
    %reduce_sum3A_225 = vector.extract %reduce_sum3A_224[0, 0, 0] : f32 from vector<1x1x1xf32>
    %mul3A_226 = arith.constant 2.000000e+00 : f32
    %mul3A_227 = arith.mulf %mul3A_226, %reduce_sum3A_225 : f32
    %add3A_228 = arith.addf %add3A_201, %mul3A_227 : f32
    %get3A_229 = arith.constant 3072 : index
    %get3A_230 = arith.constant 0 : index
    %get3A_231 = vector.load %arg18[%get3A_229, %get3A_230] : memref<4096x64xf32, #tpu.memory_space<vmem>>, vector<512x64xf32>
    %get3A_232 = arith.constant 0 : index
    %get3A_233 = arith.constant 3072 : index
    %get3A_234 = vector.load %arg22[%get3A_232, %get3A_233] : memref<1x4096xf32, #tpu.memory_space<vmem>>, vector<1x512xf32>
    %dot_general3A_235 = arith.constant dense<0.000000e+00> : vector<512x512xf32>
    %dot_general3A_236 = tpu.matmul %get3A_65, %get3A_231, %dot_general3A_235 {dimension_numbers = #tpu.dot_dimension_numbers<[1], [1], [0], [0], [0, 0, 1, 0], [], []>, transpose_lhs_hint = false} : vector<512x64xf32>, vector<512x64xf32>, vector<512x512xf32> -> vector<512x512xf32>
    %add3A_237 = vector.broadcast %get3A_68 : vector<512x1xf32> to vector<512x512xf32>
    %add3A_238 = vector.broadcast %get3A_234 : vector<1x512xf32> to vector<512x512xf32>
    %add3A_239 = arith.addf %add3A_237, %add3A_238 : vector<512x512xf32>
    %mul3A_240 = arith.constant 2.000000e+00 : f32
    %mul3A_241 = vector.broadcast %mul3A_240 : f32 to vector<512x512xf32>
    %mul3A_242 = arith.mulf %mul3A_241, %dot_general3A_236 : vector<512x512xf32>
    %sub3A_243 = arith.subf %add3A_239, %mul3A_242 : vector<512x512xf32>
    %max3A_244 = arith.constant 0.000000e+00 : f32
    %max3A_245 = vector.broadcast %max3A_244 : f32 to vector<512x512xf32>
    %max3A_246 = arith.maximumf %sub3A_243, %max3A_245 : vector<512x512xf32>
    %sqrt3A_247 = math.sqrt %max3A_246 : vector<512x512xf32>
    %reduce_sum3A_248 = vector.shape_cast %sqrt3A_247 : vector<512x512xf32> to vector<1x512x512xf32>
    %reduce_sum3A_249 = arith.constant dense<0.000000e+00> : vector<1xf32>
    %reduce_sum3A_250 = vector.multi_reduction <add>, %reduce_sum3A_248, %reduce_sum3A_249 [1, 2] : vector<1x512x512xf32> to vector<1xf32>
    %reduce_sum3A_251 = vector.shape_cast %reduce_sum3A_250 : vector<1xf32> to vector<1x1x1xf32>
    %reduce_sum3A_252 = vector.extract %reduce_sum3A_251[0, 0, 0] : f32 from vector<1x1x1xf32>
    %mul3A_253 = arith.constant 2.000000e+00 : f32
    %mul3A_254 = arith.mulf %mul3A_253, %reduce_sum3A_252 : f32
    %add3A_255 = arith.addf %add3A_228, %mul3A_254 : f32
    %get3A_256 = arith.constant 3584 : index
    %get3A_257 = arith.constant 0 : index
    %get3A_258 = vector.load %arg18[%get3A_256, %get3A_257] : memref<4096x64xf32, #tpu.memory_space<vmem>>, vector<512x64xf32>
    %get3A_259 = arith.constant 0 : index
    %get3A_260 = arith.constant 3584 : index
    %get3A_261 = vector.load %arg22[%get3A_259, %get3A_260] : memref<1x4096xf32, #tpu.memory_space<vmem>>, vector<1x512xf32>
    %dot_general3A_262 = arith.constant dense<0.000000e+00> : vector<512x512xf32>
    %dot_general3A_263 = tpu.matmul %get3A_65, %get3A_258, %dot_general3A_262 {dimension_numbers = #tpu.dot_dimension_numbers<[1], [1], [0], [0], [0, 0, 1, 0], [], []>, transpose_lhs_hint = false} : vector<512x64xf32>, vector<512x64xf32>, vector<512x512xf32> -> vector<512x512xf32>
    %add3A_264 = vector.broadcast %get3A_68 : vector<512x1xf32> to vector<512x512xf32>
    %add3A_265 = vector.broadcast %get3A_261 : vector<1x512xf32> to vector<512x512xf32>
    %add3A_266 = arith.addf %add3A_264, %add3A_265 : vector<512x512xf32>
    %mul3A_267 = arith.constant 2.000000e+00 : f32
    %mul3A_268 = vector.broadcast %mul3A_267 : f32 to vector<512x512xf32>
    %mul3A_269 = arith.mulf %mul3A_268, %dot_general3A_263 : vector<512x512xf32>
    %sub3A_270 = arith.subf %add3A_266, %mul3A_269 : vector<512x512xf32>
    %max3A_271 = arith.constant 0.000000e+00 : f32
    %max3A_272 = vector.broadcast %max3A_271 : f32 to vector<512x512xf32>
    %max3A_273 = arith.maximumf %sub3A_270, %max3A_272 : vector<512x512xf32>
    %sqrt3A_274 = math.sqrt %max3A_273 : vector<512x512xf32>
    %reduce_sum3A_275 = vector.shape_cast %sqrt3A_274 : vector<512x512xf32> to vector<1x512x512xf32>
    %reduce_sum3A_276 = arith.constant dense<0.000000e+00> : vector<1xf32>
    %reduce_sum3A_277 = vector.multi_reduction <add>, %reduce_sum3A_275, %reduce_sum3A_276 [1, 2] : vector<1x512x512xf32> to vector<1xf32>
    %reduce_sum3A_278 = vector.shape_cast %reduce_sum3A_277 : vector<1xf32> to vector<1x1x1xf32>
    %reduce_sum3A_279 = vector.extract %reduce_sum3A_278[0, 0, 0] : f32 from vector<1x1x1xf32>
    %mul3A_280 = arith.constant 2.000000e+00 : f32
    %mul3A_281 = arith.mulf %mul3A_280, %reduce_sum3A_279 : f32
    %add3A_282 = arith.addf %add3A_255, %mul3A_281 : f32
    %get3A_283 = arith.constant 512 : index
    %get3A_284 = arith.constant 0 : index
    %get3A_285 = vector.load %arg18[%get3A_283, %get3A_284] : memref<4096x64xf32, #tpu.memory_space<vmem>>, vector<512x64xf32>
    %get3A_286 = arith.constant 512 : index
    %get3A_287 = arith.constant 0 : index
    %get3A_288 = vector.load %arg21[%get3A_286, %get3A_287] : memref<4096x1xf32, #tpu.memory_space<vmem>>, vector<512x1xf32>
    %get3A_289 = arith.constant 512 : index
    %get3A_290 = arith.constant 0 : index
    %get3A_291 = vector.load %arg18[%get3A_289, %get3A_290] : memref<4096x64xf32, #tpu.memory_space<vmem>>, vector<512x64xf32>
    %get3A_292 = arith.constant 0 : index
    %get3A_293 = arith.constant 512 : index
    %get3A_294 = vector.load %arg22[%get3A_292, %get3A_293] : memref<1x4096xf32, #tpu.memory_space<vmem>>, vector<1x512xf32>
    %dot_general3A_295 = arith.constant dense<0.000000e+00> : vector<512x512xf32>
    %dot_general3A_296 = tpu.matmul %get3A_285, %get3A_291, %dot_general3A_295 {dimension_numbers = #tpu.dot_dimension_numbers<[1], [1], [0], [0], [0, 0, 1, 0], [], []>, transpose_lhs_hint = false} : vector<512x64xf32>, vector<512x64xf32>, vector<512x512xf32> -> vector<512x512xf32>
    %add3A_297 = vector.broadcast %get3A_288 : vector<512x1xf32> to vector<512x512xf32>
    %add3A_298 = vector.broadcast %get3A_294 : vector<1x512xf32> to vector<512x512xf32>
    %add3A_299 = arith.addf %add3A_297, %add3A_298 : vector<512x512xf32>
    %mul3A_300 = arith.constant 2.000000e+00 : f32
    %mul3A_301 = vector.broadcast %mul3A_300 : f32 to vector<512x512xf32>
    %mul3A_302 = arith.mulf %mul3A_301, %dot_general3A_296 : vector<512x512xf32>
    %sub3A_303 = arith.subf %add3A_299, %mul3A_302 : vector<512x512xf32>
    %max3A_304 = arith.constant 0.000000e+00 : f32
    %max3A_305 = vector.broadcast %max3A_304 : f32 to vector<512x512xf32>
    %max3A_306 = arith.maximumf %sub3A_303, %max3A_305 : vector<512x512xf32>
    %sqrt3A_307 = math.sqrt %max3A_306 : vector<512x512xf32>
    %reduce_sum3A_308 = vector.shape_cast %sqrt3A_307 : vector<512x512xf32> to vector<1x512x512xf32>
    %reduce_sum3A_309 = arith.constant dense<0.000000e+00> : vector<1xf32>
    %reduce_sum3A_310 = vector.multi_reduction <add>, %reduce_sum3A_308, %reduce_sum3A_309 [1, 2] : vector<1x512x512xf32> to vector<1xf32>
    %reduce_sum3A_311 = vector.shape_cast %reduce_sum3A_310 : vector<1xf32> to vector<1x1x1xf32>
    %reduce_sum3A_312 = vector.extract %reduce_sum3A_311[0, 0, 0] : f32 from vector<1x1x1xf32>
    %add3A_313 = arith.addf %add3A_282, %reduce_sum3A_312 : f32
    %get3A_314 = arith.constant 1024 : index
    %get3A_315 = arith.constant 0 : index
    %get3A_316 = vector.load %arg18[%get3A_314, %get3A_315] : memref<4096x64xf32, #tpu.memory_space<vmem>>, vector<512x64xf32>
    %get3A_317 = arith.constant 0 : index
    %get3A_318 = arith.constant 1024 : index
    %get3A_319 = vector.load %arg22[%get3A_317, %get3A_318] : memref<1x4096xf32, #tpu.memory_space<vmem>>, vector<1x512xf32>
    %dot_general3A_320 = arith.constant dense<0.000000e+00> : vector<512x512xf32>
    %dot_general3A_321 = tpu.matmul %get3A_285, %get3A_316, %dot_general3A_320 {dimension_numbers = #tpu.dot_dimension_numbers<[1], [1], [0], [0], [0, 0, 1, 0], [], []>, transpose_lhs_hint = false} : vector<512x64xf32>, vector<512x64xf32>, vector<512x512xf32> -> vector<512x512xf32>
    %add3A_322 = vector.broadcast %get3A_288 : vector<512x1xf32> to vector<512x512xf32>
    %add3A_323 = vector.broadcast %get3A_319 : vector<1x512xf32> to vector<512x512xf32>
    %add3A_324 = arith.addf %add3A_322, %add3A_323 : vector<512x512xf32>
    %mul3A_325 = arith.constant 2.000000e+00 : f32
    %mul3A_326 = vector.broadcast %mul3A_325 : f32 to vector<512x512xf32>
    %mul3A_327 = arith.mulf %mul3A_326, %dot_general3A_321 : vector<512x512xf32>
    %sub3A_328 = arith.subf %add3A_324, %mul3A_327 : vector<512x512xf32>
    %max3A_329 = arith.constant 0.000000e+00 : f32
    %max3A_330 = vector.broadcast %max3A_329 : f32 to vector<512x512xf32>
    %max3A_331 = arith.maximumf %sub3A_328, %max3A_330 : vector<512x512xf32>
    %sqrt3A_332 = math.sqrt %max3A_331 : vector<512x512xf32>
    %reduce_sum3A_333 = vector.shape_cast %sqrt3A_332 : vector<512x512xf32> to vector<1x512x512xf32>
    %reduce_sum3A_334 = arith.constant dense<0.000000e+00> : vector<1xf32>
    %reduce_sum3A_335 = vector.multi_reduction <add>, %reduce_sum3A_333, %reduce_sum3A_334 [1, 2] : vector<1x512x512xf32> to vector<1xf32>
    %reduce_sum3A_336 = vector.shape_cast %reduce_sum3A_335 : vector<1xf32> to vector<1x1x1xf32>
    %reduce_sum3A_337 = vector.extract %reduce_sum3A_336[0, 0, 0] : f32 from vector<1x1x1xf32>
    %mul3A_338 = arith.constant 2.000000e+00 : f32
    %mul3A_339 = arith.mulf %mul3A_338, %reduce_sum3A_337 : f32
    %add3A_340 = arith.addf %add3A_313, %mul3A_339 : f32
    %get3A_341 = arith.constant 1536 : index
    %get3A_342 = arith.constant 0 : index
    %get3A_343 = vector.load %arg18[%get3A_341, %get3A_342] : memref<4096x64xf32, #tpu.memory_space<vmem>>, vector<512x64xf32>
    %get3A_344 = arith.constant 0 : index
    %get3A_345 = arith.constant 1536 : index
    %get3A_346 = vector.load %arg22[%get3A_344, %get3A_345] : memref<1x4096xf32, #tpu.memory_space<vmem>>, vector<1x512xf32>
    %dot_general3A_347 = arith.constant dense<0.000000e+00> : vector<512x512xf32>
    %dot_general3A_348 = tpu.matmul %get3A_285, %get3A_343, %dot_general3A_347 {dimension_numbers = #tpu.dot_dimension_numbers<[1], [1], [0], [0], [0, 0, 1, 0], [], []>, transpose_lhs_hint = false} : vector<512x64xf32>, vector<512x64xf32>, vector<512x512xf32> -> vector<512x512xf32>
    %add3A_349 = vector.broadcast %get3A_288 : vector<512x1xf32> to vector<512x512xf32>
    %add3A_350 = vector.broadcast %get3A_346 : vector<1x512xf32> to vector<512x512xf32>
    %add3A_351 = arith.addf %add3A_349, %add3A_350 : vector<512x512xf32>
    %mul3A_352 = arith.constant 2.000000e+00 : f32
    %mul3A_353 = vector.broadcast %mul3A_352 : f32 to vector<512x512xf32>
    %mul3A_354 = arith.mulf %mul3A_353, %dot_general3A_348 : vector<512x512xf32>
    %sub3A_355 = arith.subf %add3A_351, %mul3A_354 : vector<512x512xf32>
    %max3A_356 = arith.constant 0.000000e+00 : f32
    %max3A_357 = vector.broadcast %max3A_356 : f32 to vector<512x512xf32>
    %max3A_358 = arith.maximumf %sub3A_355, %max3A_357 : vector<512x512xf32>
    %sqrt3A_359 = math.sqrt %max3A_358 : vector<512x512xf32>
    %reduce_sum3A_360 = vector.shape_cast %sqrt3A_359 : vector<512x512xf32> to vector<1x512x512xf32>
    %reduce_sum3A_361 = arith.constant dense<0.000000e+00> : vector<1xf32>
    %reduce_sum3A_362 = vector.multi_reduction <add>, %reduce_sum3A_360, %reduce_sum3A_361 [1, 2] : vector<1x512x512xf32> to vector<1xf32>
    %reduce_sum3A_363 = vector.shape_cast %reduce_sum3A_362 : vector<1xf32> to vector<1x1x1xf32>
    %reduce_sum3A_364 = vector.extract %reduce_sum3A_363[0, 0, 0] : f32 from vector<1x1x1xf32>
    %mul3A_365 = arith.constant 2.000000e+00 : f32
    %mul3A_366 = arith.mulf %mul3A_365, %reduce_sum3A_364 : f32
    %add3A_367 = arith.addf %add3A_340, %mul3A_366 : f32
    %get3A_368 = arith.constant 2048 : index
    %get3A_369 = arith.constant 0 : index
    %get3A_370 = vector.load %arg18[%get3A_368, %get3A_369] : memref<4096x64xf32, #tpu.memory_space<vmem>>, vector<512x64xf32>
    %get3A_371 = arith.constant 0 : index
    %get3A_372 = arith.constant 2048 : index
    %get3A_373 = vector.load %arg22[%get3A_371, %get3A_372] : memref<1x4096xf32, #tpu.memory_space<vmem>>, vector<1x512xf32>
    %dot_general3A_374 = arith.constant dense<0.000000e+00> : vector<512x512xf32>
    %dot_general3A_375 = tpu.matmul %get3A_285, %get3A_370, %dot_general3A_374 {dimension_numbers = #tpu.dot_dimension_numbers<[1], [1], [0], [0], [0, 0, 1, 0], [], []>, transpose_lhs_hint = false} : vector<512x64xf32>, vector<512x64xf32>, vector<512x512xf32> -> vector<512x512xf32>
    %add3A_376 = vector.broadcast %get3A_288 : vector<512x1xf32> to vector<512x512xf32>
    %add3A_377 = vector.broadcast %get3A_373 : vector<1x512xf32> to vector<512x512xf32>
    %add3A_378 = arith.addf %add3A_376, %add3A_377 : vector<512x512xf32>
    %mul3A_379 = arith.constant 2.000000e+00 : f32
    %mul3A_380 = vector.broadcast %mul3A_379 : f32 to vector<512x512xf32>
    %mul3A_381 = arith.mulf %mul3A_380, %dot_general3A_375 : vector<512x512xf32>
    %sub3A_382 = arith.subf %add3A_378, %mul3A_381 : vector<512x512xf32>
    %max3A_383 = arith.constant 0.000000e+00 : f32
    %max3A_384 = vector.broadcast %max3A_383 : f32 to vector<512x512xf32>
    %max3A_385 = arith.maximumf %sub3A_382, %max3A_384 : vector<512x512xf32>
    %sqrt3A_386 = math.sqrt %max3A_385 : vector<512x512xf32>
    %reduce_sum3A_387 = vector.shape_cast %sqrt3A_386 : vector<512x512xf32> to vector<1x512x512xf32>
    %reduce_sum3A_388 = arith.constant dense<0.000000e+00> : vector<1xf32>
    %reduce_sum3A_389 = vector.multi_reduction <add>, %reduce_sum3A_387, %reduce_sum3A_388 [1, 2] : vector<1x512x512xf32> to vector<1xf32>
    %reduce_sum3A_390 = vector.shape_cast %reduce_sum3A_389 : vector<1xf32> to vector<1x1x1xf32>
    %reduce_sum3A_391 = vector.extract %reduce_sum3A_390[0, 0, 0] : f32 from vector<1x1x1xf32>
    %mul3A_392 = arith.constant 2.000000e+00 : f32
    %mul3A_393 = arith.mulf %mul3A_392, %reduce_sum3A_391 : f32
    %add3A_394 = arith.addf %add3A_367, %mul3A_393 : f32
    %get3A_395 = arith.constant 2560 : index
    %get3A_396 = arith.constant 0 : index
    %get3A_397 = vector.load %arg18[%get3A_395, %get3A_396] : memref<4096x64xf32, #tpu.memory_space<vmem>>, vector<512x64xf32>
    %get3A_398 = arith.constant 0 : index
    %get3A_399 = arith.constant 2560 : index
    %get3A_400 = vector.load %arg22[%get3A_398, %get3A_399] : memref<1x4096xf32, #tpu.memory_space<vmem>>, vector<1x512xf32>
    %dot_general3A_401 = arith.constant dense<0.000000e+00> : vector<512x512xf32>
    %dot_general3A_402 = tpu.matmul %get3A_285, %get3A_397, %dot_general3A_401 {dimension_numbers = #tpu.dot_dimension_numbers<[1], [1], [0], [0], [0, 0, 1, 0], [], []>, transpose_lhs_hint = false} : vector<512x64xf32>, vector<512x64xf32>, vector<512x512xf32> -> vector<512x512xf32>
    %add3A_403 = vector.broadcast %get3A_288 : vector<512x1xf32> to vector<512x512xf32>
    %add3A_404 = vector.broadcast %get3A_400 : vector<1x512xf32> to vector<512x512xf32>
    %add3A_405 = arith.addf %add3A_403, %add3A_404 : vector<512x512xf32>
    %mul3A_406 = arith.constant 2.000000e+00 : f32
    %mul3A_407 = vector.broadcast %mul3A_406 : f32 to vector<512x512xf32>
    %mul3A_408 = arith.mulf %mul3A_407, %dot_general3A_402 : vector<512x512xf32>
    %sub3A_409 = arith.subf %add3A_405, %mul3A_408 : vector<512x512xf32>
    %max3A_410 = arith.constant 0.000000e+00 : f32
    %max3A_411 = vector.broadcast %max3A_410 : f32 to vector<512x512xf32>
    %max3A_412 = arith.maximumf %sub3A_409, %max3A_411 : vector<512x512xf32>
    %sqrt3A_413 = math.sqrt %max3A_412 : vector<512x512xf32>
    %reduce_sum3A_414 = vector.shape_cast %sqrt3A_413 : vector<512x512xf32> to vector<1x512x512xf32>
    %reduce_sum3A_415 = arith.constant dense<0.000000e+00> : vector<1xf32>
    %reduce_sum3A_416 = vector.multi_reduction <add>, %reduce_sum3A_414, %reduce_sum3A_415 [1, 2] : vector<1x512x512xf32> to vector<1xf32>
    %reduce_sum3A_417 = vector.shape_cast %reduce_sum3A_416 : vector<1xf32> to vector<1x1x1xf32>
    %reduce_sum3A_418 = vector.extract %reduce_sum3A_417[0, 0, 0] : f32 from vector<1x1x1xf32>
    %mul3A_419 = arith.constant 2.000000e+00 : f32
    %mul3A_420 = arith.mulf %mul3A_419, %reduce_sum3A_418 : f32
    %add3A_421 = arith.addf %add3A_394, %mul3A_420 : f32
    %get3A_422 = arith.constant 3072 : index
    %get3A_423 = arith.constant 0 : index
    %get3A_424 = vector.load %arg18[%get3A_422, %get3A_423] : memref<4096x64xf32, #tpu.memory_space<vmem>>, vector<512x64xf32>
    %get3A_425 = arith.constant 0 : index
    %get3A_426 = arith.constant 3072 : index
    %get3A_427 = vector.load %arg22[%get3A_425, %get3A_426] : memref<1x4096xf32, #tpu.memory_space<vmem>>, vector<1x512xf32>
    %dot_general3A_428 = arith.constant dense<0.000000e+00> : vector<512x512xf32>
    %dot_general3A_429 = tpu.matmul %get3A_285, %get3A_424, %dot_general3A_428 {dimension_numbers = #tpu.dot_dimension_numbers<[1], [1], [0], [0], [0, 0, 1, 0], [], []>, transpose_lhs_hint = false} : vector<512x64xf32>, vector<512x64xf32>, vector<512x512xf32> -> vector<512x512xf32>
    %add3A_430 = vector.broadcast %get3A_288 : vector<512x1xf32> to vector<512x512xf32>
    %add3A_431 = vector.broadcast %get3A_427 : vector<1x512xf32> to vector<512x512xf32>
    %add3A_432 = arith.addf %add3A_430, %add3A_431 : vector<512x512xf32>
    %mul3A_433 = arith.constant 2.000000e+00 : f32
    %mul3A_434 = vector.broadcast %mul3A_433 : f32 to vector<512x512xf32>
    %mul3A_435 = arith.mulf %mul3A_434, %dot_general3A_429 : vector<512x512xf32>
    %sub3A_436 = arith.subf %add3A_432, %mul3A_435 : vector<512x512xf32>
    %max3A_437 = arith.constant 0.000000e+00 : f32
    %max3A_438 = vector.broadcast %max3A_437 : f32 to vector<512x512xf32>
    %max3A_439 = arith.maximumf %sub3A_436, %max3A_438 : vector<512x512xf32>
    %sqrt3A_440 = math.sqrt %max3A_439 : vector<512x512xf32>
    %reduce_sum3A_441 = vector.shape_cast %sqrt3A_440 : vector<512x512xf32> to vector<1x512x512xf32>
    %reduce_sum3A_442 = arith.constant dense<0.000000e+00> : vector<1xf32>
    %reduce_sum3A_443 = vector.multi_reduction <add>, %reduce_sum3A_441, %reduce_sum3A_442 [1, 2] : vector<1x512x512xf32> to vector<1xf32>
    %reduce_sum3A_444 = vector.shape_cast %reduce_sum3A_443 : vector<1xf32> to vector<1x1x1xf32>
    %reduce_sum3A_445 = vector.extract %reduce_sum3A_444[0, 0, 0] : f32 from vector<1x1x1xf32>
    %mul3A_446 = arith.constant 2.000000e+00 : f32
    %mul3A_447 = arith.mulf %mul3A_446, %reduce_sum3A_445 : f32
    %add3A_448 = arith.addf %add3A_421, %mul3A_447 : f32
    %get3A_449 = arith.constant 3584 : index
    %get3A_450 = arith.constant 0 : index
    %get3A_451 = vector.load %arg18[%get3A_449, %get3A_450] : memref<4096x64xf32, #tpu.memory_space<vmem>>, vector<512x64xf32>
    %get3A_452 = arith.constant 0 : index
    %get3A_453 = arith.constant 3584 : index
    %get3A_454 = vector.load %arg22[%get3A_452, %get3A_453] : memref<1x4096xf32, #tpu.memory_space<vmem>>, vector<1x512xf32>
    %dot_general3A_455 = arith.constant dense<0.000000e+00> : vector<512x512xf32>
    %dot_general3A_456 = tpu.matmul %get3A_285, %get3A_451, %dot_general3A_455 {dimension_numbers = #tpu.dot_dimension_numbers<[1], [1], [0], [0], [0, 0, 1, 0], [], []>, transpose_lhs_hint = false} : vector<512x64xf32>, vector<512x64xf32>, vector<512x512xf32> -> vector<512x512xf32>
    %add3A_457 = vector.broadcast %get3A_288 : vector<512x1xf32> to vector<512x512xf32>
    %add3A_458 = vector.broadcast %get3A_454 : vector<1x512xf32> to vector<512x512xf32>
    %add3A_459 = arith.addf %add3A_457, %add3A_458 : vector<512x512xf32>
    %mul3A_460 = arith.constant 2.000000e+00 : f32
    %mul3A_461 = vector.broadcast %mul3A_460 : f32 to vector<512x512xf32>
    %mul3A_462 = arith.mulf %mul3A_461, %dot_general3A_456 : vector<512x512xf32>
    %sub3A_463 = arith.subf %add3A_459, %mul3A_462 : vector<512x512xf32>
    %max3A_464 = arith.constant 0.000000e+00 : f32
    %max3A_465 = vector.broadcast %max3A_464 : f32 to vector<512x512xf32>
    %max3A_466 = arith.maximumf %sub3A_463, %max3A_465 : vector<512x512xf32>
    %sqrt3A_467 = math.sqrt %max3A_466 : vector<512x512xf32>
    %reduce_sum3A_468 = vector.shape_cast %sqrt3A_467 : vector<512x512xf32> to vector<1x512x512xf32>
    %reduce_sum3A_469 = arith.constant dense<0.000000e+00> : vector<1xf32>
    %reduce_sum3A_470 = vector.multi_reduction <add>, %reduce_sum3A_468, %reduce_sum3A_469 [1, 2] : vector<1x512x512xf32> to vector<1xf32>
    %reduce_sum3A_471 = vector.shape_cast %reduce_sum3A_470 : vector<1xf32> to vector<1x1x1xf32>
    %reduce_sum3A_472 = vector.extract %reduce_sum3A_471[0, 0, 0] : f32 from vector<1x1x1xf32>
    %mul3A_473 = arith.constant 2.000000e+00 : f32
    %mul3A_474 = arith.mulf %mul3A_473, %reduce_sum3A_472 : f32
    %add3A_475 = arith.addf %add3A_448, %mul3A_474 : f32
    %get3A_476 = arith.constant 1024 : index
    %get3A_477 = arith.constant 0 : index
    %get3A_478 = vector.load %arg18[%get3A_476, %get3A_477] : memref<4096x64xf32, #tpu.memory_space<vmem>>, vector<512x64xf32>
    %get3A_479 = arith.constant 1024 : index
    %get3A_480 = arith.constant 0 : index
    %get3A_481 = vector.load %arg21[%get3A_479, %get3A_480] : memref<4096x1xf32, #tpu.memory_space<vmem>>, vector<512x1xf32>
    %get3A_482 = arith.constant 1024 : index
    %get3A_483 = arith.constant 0 : index
    %get3A_484 = vector.load %arg18[%get3A_482, %get3A_483] : memref<4096x64xf32, #tpu.memory_space<vmem>>, vector<512x64xf32>
    %get3A_485 = arith.constant 0 : index
    %get3A_486 = arith.constant 1024 : index
    %get3A_487 = vector.load %arg22[%get3A_485, %get3A_486] : memref<1x4096xf32, #tpu.memory_space<vmem>>, vector<1x512xf32>
    %dot_general3A_488 = arith.constant dense<0.000000e+00> : vector<512x512xf32>
    %dot_general3A_489 = tpu.matmul %get3A_478, %get3A_484, %dot_general3A_488 {dimension_numbers = #tpu.dot_dimension_numbers<[1], [1], [0], [0], [0, 0, 1, 0], [], []>, transpose_lhs_hint = false} : vector<512x64xf32>, vector<512x64xf32>, vector<512x512xf32> -> vector<512x512xf32>
    %add3A_490 = vector.broadcast %get3A_481 : vector<512x1xf32> to vector<512x512xf32>
    %add3A_491 = vector.broadcast %get3A_487 : vector<1x512xf32> to vector<512x512xf32>
    %add3A_492 = arith.addf %add3A_490, %add3A_491 : vector<512x512xf32>
    %mul3A_493 = arith.constant 2.000000e+00 : f32
    %mul3A_494 = vector.broadcast %mul3A_493 : f32 to vector<512x512xf32>
    %mul3A_495 = arith.mulf %mul3A_494, %dot_general3A_489 : vector<512x512xf32>
    %sub3A_496 = arith.subf %add3A_492, %mul3A_495 : vector<512x512xf32>
    %max3A_497 = arith.constant 0.000000e+00 : f32
    %max3A_498 = vector.broadcast %max3A_497 : f32 to vector<512x512xf32>
    %max3A_499 = arith.maximumf %sub3A_496, %max3A_498 : vector<512x512xf32>
    %sqrt3A_500 = math.sqrt %max3A_499 : vector<512x512xf32>
    %reduce_sum3A_501 = vector.shape_cast %sqrt3A_500 : vector<512x512xf32> to vector<1x512x512xf32>
    %reduce_sum3A_502 = arith.constant dense<0.000000e+00> : vector<1xf32>
    %reduce_sum3A_503 = vector.multi_reduction <add>, %reduce_sum3A_501, %reduce_sum3A_502 [1, 2] : vector<1x512x512xf32> to vector<1xf32>
    %reduce_sum3A_504 = vector.shape_cast %reduce_sum3A_503 : vector<1xf32> to vector<1x1x1xf32>
    %reduce_sum3A_505 = vector.extract %reduce_sum3A_504[0, 0, 0] : f32 from vector<1x1x1xf32>
    %add3A_506 = arith.addf %add3A_475, %reduce_sum3A_505 : f32
    %get3A_507 = arith.constant 1536 : index
    %get3A_508 = arith.constant 0 : index
    %get3A_509 = vector.load %arg18[%get3A_507, %get3A_508] : memref<4096x64xf32, #tpu.memory_space<vmem>>, vector<512x64xf32>
    %get3A_510 = arith.constant 0 : index
    %get3A_511 = arith.constant 1536 : index
    %get3A_512 = vector.load %arg22[%get3A_510, %get3A_511] : memref<1x4096xf32, #tpu.memory_space<vmem>>, vector<1x512xf32>
    %dot_general3A_513 = arith.constant dense<0.000000e+00> : vector<512x512xf32>
    %dot_general3A_514 = tpu.matmul %get3A_478, %get3A_509, %dot_general3A_513 {dimension_numbers = #tpu.dot_dimension_numbers<[1], [1], [0], [0], [0, 0, 1, 0], [], []>, transpose_lhs_hint = false} : vector<512x64xf32>, vector<512x64xf32>, vector<512x512xf32> -> vector<512x512xf32>
    %add3A_515 = vector.broadcast %get3A_481 : vector<512x1xf32> to vector<512x512xf32>
    %add3A_516 = vector.broadcast %get3A_512 : vector<1x512xf32> to vector<512x512xf32>
    %add3A_517 = arith.addf %add3A_515, %add3A_516 : vector<512x512xf32>
    %mul3A_518 = arith.constant 2.000000e+00 : f32
    %mul3A_519 = vector.broadcast %mul3A_518 : f32 to vector<512x512xf32>
    %mul3A_520 = arith.mulf %mul3A_519, %dot_general3A_514 : vector<512x512xf32>
    %sub3A_521 = arith.subf %add3A_517, %mul3A_520 : vector<512x512xf32>
    %max3A_522 = arith.constant 0.000000e+00 : f32
    %max3A_523 = vector.broadcast %max3A_522 : f32 to vector<512x512xf32>
    %max3A_524 = arith.maximumf %sub3A_521, %max3A_523 : vector<512x512xf32>
    %sqrt3A_525 = math.sqrt %max3A_524 : vector<512x512xf32>
    %reduce_sum3A_526 = vector.shape_cast %sqrt3A_525 : vector<512x512xf32> to vector<1x512x512xf32>
    %reduce_sum3A_527 = arith.constant dense<0.000000e+00> : vector<1xf32>
    %reduce_sum3A_528 = vector.multi_reduction <add>, %reduce_sum3A_526, %reduce_sum3A_527 [1, 2] : vector<1x512x512xf32> to vector<1xf32>
    %reduce_sum3A_529 = vector.shape_cast %reduce_sum3A_528 : vector<1xf32> to vector<1x1x1xf32>
    %reduce_sum3A_530 = vector.extract %reduce_sum3A_529[0, 0, 0] : f32 from vector<1x1x1xf32>
    %mul3A_531 = arith.constant 2.000000e+00 : f32
    %mul3A_532 = arith.mulf %mul3A_531, %reduce_sum3A_530 : f32
    %add3A_533 = arith.addf %add3A_506, %mul3A_532 : f32
    %get3A_534 = arith.constant 2048 : index
    %get3A_535 = arith.constant 0 : index
    %get3A_536 = vector.load %arg18[%get3A_534, %get3A_535] : memref<4096x64xf32, #tpu.memory_space<vmem>>, vector<512x64xf32>
    %get3A_537 = arith.constant 0 : index
    %get3A_538 = arith.constant 2048 : index
    %get3A_539 = vector.load %arg22[%get3A_537, %get3A_538] : memref<1x4096xf32, #tpu.memory_space<vmem>>, vector<1x512xf32>
    %dot_general3A_540 = arith.constant dense<0.000000e+00> : vector<512x512xf32>
    %dot_general3A_541 = tpu.matmul %get3A_478, %get3A_536, %dot_general3A_540 {dimension_numbers = #tpu.dot_dimension_numbers<[1], [1], [0], [0], [0, 0, 1, 0], [], []>, transpose_lhs_hint = false} : vector<512x64xf32>, vector<512x64xf32>, vector<512x512xf32> -> vector<512x512xf32>
    %add3A_542 = vector.broadcast %get3A_481 : vector<512x1xf32> to vector<512x512xf32>
    %add3A_543 = vector.broadcast %get3A_539 : vector<1x512xf32> to vector<512x512xf32>
    %add3A_544 = arith.addf %add3A_542, %add3A_543 : vector<512x512xf32>
    %mul3A_545 = arith.constant 2.000000e+00 : f32
    %mul3A_546 = vector.broadcast %mul3A_545 : f32 to vector<512x512xf32>
    %mul3A_547 = arith.mulf %mul3A_546, %dot_general3A_541 : vector<512x512xf32>
    %sub3A_548 = arith.subf %add3A_544, %mul3A_547 : vector<512x512xf32>
    %max3A_549 = arith.constant 0.000000e+00 : f32
    %max3A_550 = vector.broadcast %max3A_549 : f32 to vector<512x512xf32>
    %max3A_551 = arith.maximumf %sub3A_548, %max3A_550 : vector<512x512xf32>
    %sqrt3A_552 = math.sqrt %max3A_551 : vector<512x512xf32>
    %reduce_sum3A_553 = vector.shape_cast %sqrt3A_552 : vector<512x512xf32> to vector<1x512x512xf32>
    %reduce_sum3A_554 = arith.constant dense<0.000000e+00> : vector<1xf32>
    %reduce_sum3A_555 = vector.multi_reduction <add>, %reduce_sum3A_553, %reduce_sum3A_554 [1, 2] : vector<1x512x512xf32> to vector<1xf32>
    %reduce_sum3A_556 = vector.shape_cast %reduce_sum3A_555 : vector<1xf32> to vector<1x1x1xf32>
    %reduce_sum3A_557 = vector.extract %reduce_sum3A_556[0, 0, 0] : f32 from vector<1x1x1xf32>
    %mul3A_558 = arith.constant 2.000000e+00 : f32
    %mul3A_559 = arith.mulf %mul3A_558, %reduce_sum3A_557 : f32
    %add3A_560 = arith.addf %add3A_533, %mul3A_559 : f32
    %get3A_561 = arith.constant 2560 : index
    %get3A_562 = arith.constant 0 : index
    %get3A_563 = vector.load %arg18[%get3A_561, %get3A_562] : memref<4096x64xf32, #tpu.memory_space<vmem>>, vector<512x64xf32>
    %get3A_564 = arith.constant 0 : index
    %get3A_565 = arith.constant 2560 : index
    %get3A_566 = vector.load %arg22[%get3A_564, %get3A_565] : memref<1x4096xf32, #tpu.memory_space<vmem>>, vector<1x512xf32>
    %dot_general3A_567 = arith.constant dense<0.000000e+00> : vector<512x512xf32>
    %dot_general3A_568 = tpu.matmul %get3A_478, %get3A_563, %dot_general3A_567 {dimension_numbers = #tpu.dot_dimension_numbers<[1], [1], [0], [0], [0, 0, 1, 0], [], []>, transpose_lhs_hint = false} : vector<512x64xf32>, vector<512x64xf32>, vector<512x512xf32> -> vector<512x512xf32>
    %add3A_569 = vector.broadcast %get3A_481 : vector<512x1xf32> to vector<512x512xf32>
    %add3A_570 = vector.broadcast %get3A_566 : vector<1x512xf32> to vector<512x512xf32>
    %add3A_571 = arith.addf %add3A_569, %add3A_570 : vector<512x512xf32>
    %mul3A_572 = arith.constant 2.000000e+00 : f32
    %mul3A_573 = vector.broadcast %mul3A_572 : f32 to vector<512x512xf32>
    %mul3A_574 = arith.mulf %mul3A_573, %dot_general3A_568 : vector<512x512xf32>
    %sub3A_575 = arith.subf %add3A_571, %mul3A_574 : vector<512x512xf32>
    %max3A_576 = arith.constant 0.000000e+00 : f32
    %max3A_577 = vector.broadcast %max3A_576 : f32 to vector<512x512xf32>
    %max3A_578 = arith.maximumf %sub3A_575, %max3A_577 : vector<512x512xf32>
    %sqrt3A_579 = math.sqrt %max3A_578 : vector<512x512xf32>
    %reduce_sum3A_580 = vector.shape_cast %sqrt3A_579 : vector<512x512xf32> to vector<1x512x512xf32>
    %reduce_sum3A_581 = arith.constant dense<0.000000e+00> : vector<1xf32>
    %reduce_sum3A_582 = vector.multi_reduction <add>, %reduce_sum3A_580, %reduce_sum3A_581 [1, 2] : vector<1x512x512xf32> to vector<1xf32>
    %reduce_sum3A_583 = vector.shape_cast %reduce_sum3A_582 : vector<1xf32> to vector<1x1x1xf32>
    %reduce_sum3A_584 = vector.extract %reduce_sum3A_583[0, 0, 0] : f32 from vector<1x1x1xf32>
    %mul3A_585 = arith.constant 2.000000e+00 : f32
    %mul3A_586 = arith.mulf %mul3A_585, %reduce_sum3A_584 : f32
    %add3A_587 = arith.addf %add3A_560, %mul3A_586 : f32
    %get3A_588 = arith.constant 3072 : index
    %get3A_589 = arith.constant 0 : index
    %get3A_590 = vector.load %arg18[%get3A_588, %get3A_589] : memref<4096x64xf32, #tpu.memory_space<vmem>>, vector<512x64xf32>
    %get3A_591 = arith.constant 0 : index
    %get3A_592 = arith.constant 3072 : index
    %get3A_593 = vector.load %arg22[%get3A_591, %get3A_592] : memref<1x4096xf32, #tpu.memory_space<vmem>>, vector<1x512xf32>
    %dot_general3A_594 = arith.constant dense<0.000000e+00> : vector<512x512xf32>
    %dot_general3A_595 = tpu.matmul %get3A_478, %get3A_590, %dot_general3A_594 {dimension_numbers = #tpu.dot_dimension_numbers<[1], [1], [0], [0], [0, 0, 1, 0], [], []>, transpose_lhs_hint = false} : vector<512x64xf32>, vector<512x64xf32>, vector<512x512xf32> -> vector<512x512xf32>
    %add3A_596 = vector.broadcast %get3A_481 : vector<512x1xf32> to vector<512x512xf32>
    %add3A_597 = vector.broadcast %get3A_593 : vector<1x512xf32> to vector<512x512xf32>
    %add3A_598 = arith.addf %add3A_596, %add3A_597 : vector<512x512xf32>
    %mul3A_599 = arith.constant 2.000000e+00 : f32
    %mul3A_600 = vector.broadcast %mul3A_599 : f32 to vector<512x512xf32>
    %mul3A_601 = arith.mulf %mul3A_600, %dot_general3A_595 : vector<512x512xf32>
    %sub3A_602 = arith.subf %add3A_598, %mul3A_601 : vector<512x512xf32>
    %max3A_603 = arith.constant 0.000000e+00 : f32
    %max3A_604 = vector.broadcast %max3A_603 : f32 to vector<512x512xf32>
    %max3A_605 = arith.maximumf %sub3A_602, %max3A_604 : vector<512x512xf32>
    %sqrt3A_606 = math.sqrt %max3A_605 : vector<512x512xf32>
    %reduce_sum3A_607 = vector.shape_cast %sqrt3A_606 : vector<512x512xf32> to vector<1x512x512xf32>
    %reduce_sum3A_608 = arith.constant dense<0.000000e+00> : vector<1xf32>
    %reduce_sum3A_609 = vector.multi_reduction <add>, %reduce_sum3A_607, %reduce_sum3A_608 [1, 2] : vector<1x512x512xf32> to vector<1xf32>
    %reduce_sum3A_610 = vector.shape_cast %reduce_sum3A_609 : vector<1xf32> to vector<1x1x1xf32>
    %reduce_sum3A_611 = vector.extract %reduce_sum3A_610[0, 0, 0] : f32 from vector<1x1x1xf32>
    %mul3A_612 = arith.constant 2.000000e+00 : f32
    %mul3A_613 = arith.mulf %mul3A_612, %reduce_sum3A_611 : f32
    %add3A_614 = arith.addf %add3A_587, %mul3A_613 : f32
    %get3A_615 = arith.constant 3584 : index
    %get3A_616 = arith.constant 0 : index
    %get3A_617 = vector.load %arg18[%get3A_615, %get3A_616] : memref<4096x64xf32, #tpu.memory_space<vmem>>, vector<512x64xf32>
    %get3A_618 = arith.constant 0 : index
    %get3A_619 = arith.constant 3584 : index
    %get3A_620 = vector.load %arg22[%get3A_618, %get3A_619] : memref<1x4096xf32, #tpu.memory_space<vmem>>, vector<1x512xf32>
    %dot_general3A_621 = arith.constant dense<0.000000e+00> : vector<512x512xf32>
    %dot_general3A_622 = tpu.matmul %get3A_478, %get3A_617, %dot_general3A_621 {dimension_numbers = #tpu.dot_dimension_numbers<[1], [1], [0], [0], [0, 0, 1, 0], [], []>, transpose_lhs_hint = false} : vector<512x64xf32>, vector<512x64xf32>, vector<512x512xf32> -> vector<512x512xf32>
    %add3A_623 = vector.broadcast %get3A_481 : vector<512x1xf32> to vector<512x512xf32>
    %add3A_624 = vector.broadcast %get3A_620 : vector<1x512xf32> to vector<512x512xf32>
    %add3A_625 = arith.addf %add3A_623, %add3A_624 : vector<512x512xf32>
    %mul3A_626 = arith.constant 2.000000e+00 : f32
    %mul3A_627 = vector.broadcast %mul3A_626 : f32 to vector<512x512xf32>
    %mul3A_628 = arith.mulf %mul3A_627, %dot_general3A_622 : vector<512x512xf32>
    %sub3A_629 = arith.subf %add3A_625, %mul3A_628 : vector<512x512xf32>
    %max3A_630 = arith.constant 0.000000e+00 : f32
    %max3A_631 = vector.broadcast %max3A_630 : f32 to vector<512x512xf32>
    %max3A_632 = arith.maximumf %sub3A_629, %max3A_631 : vector<512x512xf32>
    %sqrt3A_633 = math.sqrt %max3A_632 : vector<512x512xf32>
    %reduce_sum3A_634 = vector.shape_cast %sqrt3A_633 : vector<512x512xf32> to vector<1x512x512xf32>
    %reduce_sum3A_635 = arith.constant dense<0.000000e+00> : vector<1xf32>
    %reduce_sum3A_636 = vector.multi_reduction <add>, %reduce_sum3A_634, %reduce_sum3A_635 [1, 2] : vector<1x512x512xf32> to vector<1xf32>
    %reduce_sum3A_637 = vector.shape_cast %reduce_sum3A_636 : vector<1xf32> to vector<1x1x1xf32>
    %reduce_sum3A_638 = vector.extract %reduce_sum3A_637[0, 0, 0] : f32 from vector<1x1x1xf32>
    %mul3A_639 = arith.constant 2.000000e+00 : f32
    %mul3A_640 = arith.mulf %mul3A_639, %reduce_sum3A_638 : f32
    %add3A_641 = arith.addf %add3A_614, %mul3A_640 : f32
    %get3A_642 = arith.constant 1536 : index
    %get3A_643 = arith.constant 0 : index
    %get3A_644 = vector.load %arg18[%get3A_642, %get3A_643] : memref<4096x64xf32, #tpu.memory_space<vmem>>, vector<512x64xf32>
    %get3A_645 = arith.constant 1536 : index
    %get3A_646 = arith.constant 0 : index
    %get3A_647 = vector.load %arg21[%get3A_645, %get3A_646] : memref<4096x1xf32, #tpu.memory_space<vmem>>, vector<512x1xf32>
    %get3A_648 = arith.constant 1536 : index
    %get3A_649 = arith.constant 0 : index
    %get3A_650 = vector.load %arg18[%get3A_648, %get3A_649] : memref<4096x64xf32, #tpu.memory_space<vmem>>, vector<512x64xf32>
    %get3A_651 = arith.constant 0 : index
    %get3A_652 = arith.constant 1536 : index
    %get3A_653 = vector.load %arg22[%get3A_651, %get3A_652] : memref<1x4096xf32, #tpu.memory_space<vmem>>, vector<1x512xf32>
    %dot_general3A_654 = arith.constant dense<0.000000e+00> : vector<512x512xf32>
    %dot_general3A_655 = tpu.matmul %get3A_644, %get3A_650, %dot_general3A_654 {dimension_numbers = #tpu.dot_dimension_numbers<[1], [1], [0], [0], [0, 0, 1, 0], [], []>, transpose_lhs_hint = false} : vector<512x64xf32>, vector<512x64xf32>, vector<512x512xf32> -> vector<512x512xf32>
    %add3A_656 = vector.broadcast %get3A_647 : vector<512x1xf32> to vector<512x512xf32>
    %add3A_657 = vector.broadcast %get3A_653 : vector<1x512xf32> to vector<512x512xf32>
    %add3A_658 = arith.addf %add3A_656, %add3A_657 : vector<512x512xf32>
    %mul3A_659 = arith.constant 2.000000e+00 : f32
    %mul3A_660 = vector.broadcast %mul3A_659 : f32 to vector<512x512xf32>
    %mul3A_661 = arith.mulf %mul3A_660, %dot_general3A_655 : vector<512x512xf32>
    %sub3A_662 = arith.subf %add3A_658, %mul3A_661 : vector<512x512xf32>
    %max3A_663 = arith.constant 0.000000e+00 : f32
    %max3A_664 = vector.broadcast %max3A_663 : f32 to vector<512x512xf32>
    %max3A_665 = arith.maximumf %sub3A_662, %max3A_664 : vector<512x512xf32>
    %sqrt3A_666 = math.sqrt %max3A_665 : vector<512x512xf32>
    %reduce_sum3A_667 = vector.shape_cast %sqrt3A_666 : vector<512x512xf32> to vector<1x512x512xf32>
    %reduce_sum3A_668 = arith.constant dense<0.000000e+00> : vector<1xf32>
    %reduce_sum3A_669 = vector.multi_reduction <add>, %reduce_sum3A_667, %reduce_sum3A_668 [1, 2] : vector<1x512x512xf32> to vector<1xf32>
    %reduce_sum3A_670 = vector.shape_cast %reduce_sum3A_669 : vector<1xf32> to vector<1x1x1xf32>
    %reduce_sum3A_671 = vector.extract %reduce_sum3A_670[0, 0, 0] : f32 from vector<1x1x1xf32>
    %add3A_672 = arith.addf %add3A_641, %reduce_sum3A_671 : f32
    %get3A_673 = arith.constant 2048 : index
    %get3A_674 = arith.constant 0 : index
    %get3A_675 = vector.load %arg18[%get3A_673, %get3A_674] : memref<4096x64xf32, #tpu.memory_space<vmem>>, vector<512x64xf32>
    %get3A_676 = arith.constant 0 : index
    %get3A_677 = arith.constant 2048 : index
    %get3A_678 = vector.load %arg22[%get3A_676, %get3A_677] : memref<1x4096xf32, #tpu.memory_space<vmem>>, vector<1x512xf32>
    %dot_general3A_679 = arith.constant dense<0.000000e+00> : vector<512x512xf32>
    %dot_general3A_680 = tpu.matmul %get3A_644, %get3A_675, %dot_general3A_679 {dimension_numbers = #tpu.dot_dimension_numbers<[1], [1], [0], [0], [0, 0, 1, 0], [], []>, transpose_lhs_hint = false} : vector<512x64xf32>, vector<512x64xf32>, vector<512x512xf32> -> vector<512x512xf32>
    %add3A_681 = vector.broadcast %get3A_647 : vector<512x1xf32> to vector<512x512xf32>
    %add3A_682 = vector.broadcast %get3A_678 : vector<1x512xf32> to vector<512x512xf32>
    %add3A_683 = arith.addf %add3A_681, %add3A_682 : vector<512x512xf32>
    %mul3A_684 = arith.constant 2.000000e+00 : f32
    %mul3A_685 = vector.broadcast %mul3A_684 : f32 to vector<512x512xf32>
    %mul3A_686 = arith.mulf %mul3A_685, %dot_general3A_680 : vector<512x512xf32>
    %sub3A_687 = arith.subf %add3A_683, %mul3A_686 : vector<512x512xf32>
    %max3A_688 = arith.constant 0.000000e+00 : f32
    %max3A_689 = vector.broadcast %max3A_688 : f32 to vector<512x512xf32>
    %max3A_690 = arith.maximumf %sub3A_687, %max3A_689 : vector<512x512xf32>
    %sqrt3A_691 = math.sqrt %max3A_690 : vector<512x512xf32>
    %reduce_sum3A_692 = vector.shape_cast %sqrt3A_691 : vector<512x512xf32> to vector<1x512x512xf32>
    %reduce_sum3A_693 = arith.constant dense<0.000000e+00> : vector<1xf32>
    %reduce_sum3A_694 = vector.multi_reduction <add>, %reduce_sum3A_692, %reduce_sum3A_693 [1, 2] : vector<1x512x512xf32> to vector<1xf32>
    %reduce_sum3A_695 = vector.shape_cast %reduce_sum3A_694 : vector<1xf32> to vector<1x1x1xf32>
    %reduce_sum3A_696 = vector.extract %reduce_sum3A_695[0, 0, 0] : f32 from vector<1x1x1xf32>
    %mul3A_697 = arith.constant 2.000000e+00 : f32
    %mul3A_698 = arith.mulf %mul3A_697, %reduce_sum3A_696 : f32
    %add3A_699 = arith.addf %add3A_672, %mul3A_698 : f32
    %get3A_700 = arith.constant 2560 : index
    %get3A_701 = arith.constant 0 : index
    %get3A_702 = vector.load %arg18[%get3A_700, %get3A_701] : memref<4096x64xf32, #tpu.memory_space<vmem>>, vector<512x64xf32>
    %get3A_703 = arith.constant 0 : index
    %get3A_704 = arith.constant 2560 : index
    %get3A_705 = vector.load %arg22[%get3A_703, %get3A_704] : memref<1x4096xf32, #tpu.memory_space<vmem>>, vector<1x512xf32>
    %dot_general3A_706 = arith.constant dense<0.000000e+00> : vector<512x512xf32>
    %dot_general3A_707 = tpu.matmul %get3A_644, %get3A_702, %dot_general3A_706 {dimension_numbers = #tpu.dot_dimension_numbers<[1], [1], [0], [0], [0, 0, 1, 0], [], []>, transpose_lhs_hint = false} : vector<512x64xf32>, vector<512x64xf32>, vector<512x512xf32> -> vector<512x512xf32>
    %add3A_708 = vector.broadcast %get3A_647 : vector<512x1xf32> to vector<512x512xf32>
    %add3A_709 = vector.broadcast %get3A_705 : vector<1x512xf32> to vector<512x512xf32>
    %add3A_710 = arith.addf %add3A_708, %add3A_709 : vector<512x512xf32>
    %mul3A_711 = arith.constant 2.000000e+00 : f32
    %mul3A_712 = vector.broadcast %mul3A_711 : f32 to vector<512x512xf32>
    %mul3A_713 = arith.mulf %mul3A_712, %dot_general3A_707 : vector<512x512xf32>
    %sub3A_714 = arith.subf %add3A_710, %mul3A_713 : vector<512x512xf32>
    %max3A_715 = arith.constant 0.000000e+00 : f32
    %max3A_716 = vector.broadcast %max3A_715 : f32 to vector<512x512xf32>
    %max3A_717 = arith.maximumf %sub3A_714, %max3A_716 : vector<512x512xf32>
    %sqrt3A_718 = math.sqrt %max3A_717 : vector<512x512xf32>
    %reduce_sum3A_719 = vector.shape_cast %sqrt3A_718 : vector<512x512xf32> to vector<1x512x512xf32>
    %reduce_sum3A_720 = arith.constant dense<0.000000e+00> : vector<1xf32>
    %reduce_sum3A_721 = vector.multi_reduction <add>, %reduce_sum3A_719, %reduce_sum3A_720 [1, 2] : vector<1x512x512xf32> to vector<1xf32>
    %reduce_sum3A_722 = vector.shape_cast %reduce_sum3A_721 : vector<1xf32> to vector<1x1x1xf32>
    %reduce_sum3A_723 = vector.extract %reduce_sum3A_722[0, 0, 0] : f32 from vector<1x1x1xf32>
    %mul3A_724 = arith.constant 2.000000e+00 : f32
    %mul3A_725 = arith.mulf %mul3A_724, %reduce_sum3A_723 : f32
    %add3A_726 = arith.addf %add3A_699, %mul3A_725 : f32
    %get3A_727 = arith.constant 3072 : index
    %get3A_728 = arith.constant 0 : index
    %get3A_729 = vector.load %arg18[%get3A_727, %get3A_728] : memref<4096x64xf32, #tpu.memory_space<vmem>>, vector<512x64xf32>
    %get3A_730 = arith.constant 0 : index
    %get3A_731 = arith.constant 3072 : index
    %get3A_732 = vector.load %arg22[%get3A_730, %get3A_731] : memref<1x4096xf32, #tpu.memory_space<vmem>>, vector<1x512xf32>
    %dot_general3A_733 = arith.constant dense<0.000000e+00> : vector<512x512xf32>
    %dot_general3A_734 = tpu.matmul %get3A_644, %get3A_729, %dot_general3A_733 {dimension_numbers = #tpu.dot_dimension_numbers<[1], [1], [0], [0], [0, 0, 1, 0], [], []>, transpose_lhs_hint = false} : vector<512x64xf32>, vector<512x64xf32>, vector<512x512xf32> -> vector<512x512xf32>
    %add3A_735 = vector.broadcast %get3A_647 : vector<512x1xf32> to vector<512x512xf32>
    %add3A_736 = vector.broadcast %get3A_732 : vector<1x512xf32> to vector<512x512xf32>
    %add3A_737 = arith.addf %add3A_735, %add3A_736 : vector<512x512xf32>
    %mul3A_738 = arith.constant 2.000000e+00 : f32
    %mul3A_739 = vector.broadcast %mul3A_738 : f32 to vector<512x512xf32>
    %mul3A_740 = arith.mulf %mul3A_739, %dot_general3A_734 : vector<512x512xf32>
    %sub3A_741 = arith.subf %add3A_737, %mul3A_740 : vector<512x512xf32>
    %max3A_742 = arith.constant 0.000000e+00 : f32
    %max3A_743 = vector.broadcast %max3A_742 : f32 to vector<512x512xf32>
    %max3A_744 = arith.maximumf %sub3A_741, %max3A_743 : vector<512x512xf32>
    %sqrt3A_745 = math.sqrt %max3A_744 : vector<512x512xf32>
    %reduce_sum3A_746 = vector.shape_cast %sqrt3A_745 : vector<512x512xf32> to vector<1x512x512xf32>
    %reduce_sum3A_747 = arith.constant dense<0.000000e+00> : vector<1xf32>
    %reduce_sum3A_748 = vector.multi_reduction <add>, %reduce_sum3A_746, %reduce_sum3A_747 [1, 2] : vector<1x512x512xf32> to vector<1xf32>
    %reduce_sum3A_749 = vector.shape_cast %reduce_sum3A_748 : vector<1xf32> to vector<1x1x1xf32>
    %reduce_sum3A_750 = vector.extract %reduce_sum3A_749[0, 0, 0] : f32 from vector<1x1x1xf32>
    %mul3A_751 = arith.constant 2.000000e+00 : f32
    %mul3A_752 = arith.mulf %mul3A_751, %reduce_sum3A_750 : f32
    %add3A_753 = arith.addf %add3A_726, %mul3A_752 : f32
    %get3A_754 = arith.constant 3584 : index
    %get3A_755 = arith.constant 0 : index
    %get3A_756 = vector.load %arg18[%get3A_754, %get3A_755] : memref<4096x64xf32, #tpu.memory_space<vmem>>, vector<512x64xf32>
    %get3A_757 = arith.constant 0 : index
    %get3A_758 = arith.constant 3584 : index
    %get3A_759 = vector.load %arg22[%get3A_757, %get3A_758] : memref<1x4096xf32, #tpu.memory_space<vmem>>, vector<1x512xf32>
    %dot_general3A_760 = arith.constant dense<0.000000e+00> : vector<512x512xf32>
    %dot_general3A_761 = tpu.matmul %get3A_644, %get3A_756, %dot_general3A_760 {dimension_numbers = #tpu.dot_dimension_numbers<[1], [1], [0], [0], [0, 0, 1, 0], [], []>, transpose_lhs_hint = false} : vector<512x64xf32>, vector<512x64xf32>, vector<512x512xf32> -> vector<512x512xf32>
    %add3A_762 = vector.broadcast %get3A_647 : vector<512x1xf32> to vector<512x512xf32>
    %add3A_763 = vector.broadcast %get3A_759 : vector<1x512xf32> to vector<512x512xf32>
    %add3A_764 = arith.addf %add3A_762, %add3A_763 : vector<512x512xf32>
    %mul3A_765 = arith.constant 2.000000e+00 : f32
    %mul3A_766 = vector.broadcast %mul3A_765 : f32 to vector<512x512xf32>
    %mul3A_767 = arith.mulf %mul3A_766, %dot_general3A_761 : vector<512x512xf32>
    %sub3A_768 = arith.subf %add3A_764, %mul3A_767 : vector<512x512xf32>
    %max3A_769 = arith.constant 0.000000e+00 : f32
    %max3A_770 = vector.broadcast %max3A_769 : f32 to vector<512x512xf32>
    %max3A_771 = arith.maximumf %sub3A_768, %max3A_770 : vector<512x512xf32>
    %sqrt3A_772 = math.sqrt %max3A_771 : vector<512x512xf32>
    %reduce_sum3A_773 = vector.shape_cast %sqrt3A_772 : vector<512x512xf32> to vector<1x512x512xf32>
    %reduce_sum3A_774 = arith.constant dense<0.000000e+00> : vector<1xf32>
    %reduce_sum3A_775 = vector.multi_reduction <add>, %reduce_sum3A_773, %reduce_sum3A_774 [1, 2] : vector<1x512x512xf32> to vector<1xf32>
    %reduce_sum3A_776 = vector.shape_cast %reduce_sum3A_775 : vector<1xf32> to vector<1x1x1xf32>
    %reduce_sum3A_777 = vector.extract %reduce_sum3A_776[0, 0, 0] : f32 from vector<1x1x1xf32>
    %mul3A_778 = arith.constant 2.000000e+00 : f32
    %mul3A_779 = arith.mulf %mul3A_778, %reduce_sum3A_777 : f32
    %add3A_780 = arith.addf %add3A_753, %mul3A_779 : f32
    %get3A_781 = arith.constant 2048 : index
    %get3A_782 = arith.constant 0 : index
    %get3A_783 = vector.load %arg18[%get3A_781, %get3A_782] : memref<4096x64xf32, #tpu.memory_space<vmem>>, vector<512x64xf32>
    %get3A_784 = arith.constant 2048 : index
    %get3A_785 = arith.constant 0 : index
    %get3A_786 = vector.load %arg21[%get3A_784, %get3A_785] : memref<4096x1xf32, #tpu.memory_space<vmem>>, vector<512x1xf32>
    %get3A_787 = arith.constant 2048 : index
    %get3A_788 = arith.constant 0 : index
    %get3A_789 = vector.load %arg18[%get3A_787, %get3A_788] : memref<4096x64xf32, #tpu.memory_space<vmem>>, vector<512x64xf32>
    %get3A_790 = arith.constant 0 : index
    %get3A_791 = arith.constant 2048 : index
    %get3A_792 = vector.load %arg22[%get3A_790, %get3A_791] : memref<1x4096xf32, #tpu.memory_space<vmem>>, vector<1x512xf32>
    %dot_general3A_793 = arith.constant dense<0.000000e+00> : vector<512x512xf32>
    %dot_general3A_794 = tpu.matmul %get3A_783, %get3A_789, %dot_general3A_793 {dimension_numbers = #tpu.dot_dimension_numbers<[1], [1], [0], [0], [0, 0, 1, 0], [], []>, transpose_lhs_hint = false} : vector<512x64xf32>, vector<512x64xf32>, vector<512x512xf32> -> vector<512x512xf32>
    %add3A_795 = vector.broadcast %get3A_786 : vector<512x1xf32> to vector<512x512xf32>
    %add3A_796 = vector.broadcast %get3A_792 : vector<1x512xf32> to vector<512x512xf32>
    %add3A_797 = arith.addf %add3A_795, %add3A_796 : vector<512x512xf32>
    %mul3A_798 = arith.constant 2.000000e+00 : f32
    %mul3A_799 = vector.broadcast %mul3A_798 : f32 to vector<512x512xf32>
    %mul3A_800 = arith.mulf %mul3A_799, %dot_general3A_794 : vector<512x512xf32>
    %sub3A_801 = arith.subf %add3A_797, %mul3A_800 : vector<512x512xf32>
    %max3A_802 = arith.constant 0.000000e+00 : f32
    %max3A_803 = vector.broadcast %max3A_802 : f32 to vector<512x512xf32>
    %max3A_804 = arith.maximumf %sub3A_801, %max3A_803 : vector<512x512xf32>
    %sqrt3A_805 = math.sqrt %max3A_804 : vector<512x512xf32>
    %reduce_sum3A_806 = vector.shape_cast %sqrt3A_805 : vector<512x512xf32> to vector<1x512x512xf32>
    %reduce_sum3A_807 = arith.constant dense<0.000000e+00> : vector<1xf32>
    %reduce_sum3A_808 = vector.multi_reduction <add>, %reduce_sum3A_806, %reduce_sum3A_807 [1, 2] : vector<1x512x512xf32> to vector<1xf32>
    %reduce_sum3A_809 = vector.shape_cast %reduce_sum3A_808 : vector<1xf32> to vector<1x1x1xf32>
    %reduce_sum3A_810 = vector.extract %reduce_sum3A_809[0, 0, 0] : f32 from vector<1x1x1xf32>
    %add3A_811 = arith.addf %add3A_780, %reduce_sum3A_810 : f32
    %get3A_812 = arith.constant 2560 : index
    %get3A_813 = arith.constant 0 : index
    %get3A_814 = vector.load %arg18[%get3A_812, %get3A_813] : memref<4096x64xf32, #tpu.memory_space<vmem>>, vector<512x64xf32>
    %get3A_815 = arith.constant 0 : index
    %get3A_816 = arith.constant 2560 : index
    %get3A_817 = vector.load %arg22[%get3A_815, %get3A_816] : memref<1x4096xf32, #tpu.memory_space<vmem>>, vector<1x512xf32>
    %dot_general3A_818 = arith.constant dense<0.000000e+00> : vector<512x512xf32>
    %dot_general3A_819 = tpu.matmul %get3A_783, %get3A_814, %dot_general3A_818 {dimension_numbers = #tpu.dot_dimension_numbers<[1], [1], [0], [0], [0, 0, 1, 0], [], []>, transpose_lhs_hint = false} : vector<512x64xf32>, vector<512x64xf32>, vector<512x512xf32> -> vector<512x512xf32>
    %add3A_820 = vector.broadcast %get3A_786 : vector<512x1xf32> to vector<512x512xf32>
    %add3A_821 = vector.broadcast %get3A_817 : vector<1x512xf32> to vector<512x512xf32>
    %add3A_822 = arith.addf %add3A_820, %add3A_821 : vector<512x512xf32>
    %mul3A_823 = arith.constant 2.000000e+00 : f32
    %mul3A_824 = vector.broadcast %mul3A_823 : f32 to vector<512x512xf32>
    %mul3A_825 = arith.mulf %mul3A_824, %dot_general3A_819 : vector<512x512xf32>
    %sub3A_826 = arith.subf %add3A_822, %mul3A_825 : vector<512x512xf32>
    %max3A_827 = arith.constant 0.000000e+00 : f32
    %max3A_828 = vector.broadcast %max3A_827 : f32 to vector<512x512xf32>
    %max3A_829 = arith.maximumf %sub3A_826, %max3A_828 : vector<512x512xf32>
    %sqrt3A_830 = math.sqrt %max3A_829 : vector<512x512xf32>
    %reduce_sum3A_831 = vector.shape_cast %sqrt3A_830 : vector<512x512xf32> to vector<1x512x512xf32>
    %reduce_sum3A_832 = arith.constant dense<0.000000e+00> : vector<1xf32>
    %reduce_sum3A_833 = vector.multi_reduction <add>, %reduce_sum3A_831, %reduce_sum3A_832 [1, 2] : vector<1x512x512xf32> to vector<1xf32>
    %reduce_sum3A_834 = vector.shape_cast %reduce_sum3A_833 : vector<1xf32> to vector<1x1x1xf32>
    %reduce_sum3A_835 = vector.extract %reduce_sum3A_834[0, 0, 0] : f32 from vector<1x1x1xf32>
    %mul3A_836 = arith.constant 2.000000e+00 : f32
    %mul3A_837 = arith.mulf %mul3A_836, %reduce_sum3A_835 : f32
    %add3A_838 = arith.addf %add3A_811, %mul3A_837 : f32
    %get3A_839 = arith.constant 3072 : index
    %get3A_840 = arith.constant 0 : index
    %get3A_841 = vector.load %arg18[%get3A_839, %get3A_840] : memref<4096x64xf32, #tpu.memory_space<vmem>>, vector<512x64xf32>
    %get3A_842 = arith.constant 0 : index
    %get3A_843 = arith.constant 3072 : index
    %get3A_844 = vector.load %arg22[%get3A_842, %get3A_843] : memref<1x4096xf32, #tpu.memory_space<vmem>>, vector<1x512xf32>
    %dot_general3A_845 = arith.constant dense<0.000000e+00> : vector<512x512xf32>
    %dot_general3A_846 = tpu.matmul %get3A_783, %get3A_841, %dot_general3A_845 {dimension_numbers = #tpu.dot_dimension_numbers<[1], [1], [0], [0], [0, 0, 1, 0], [], []>, transpose_lhs_hint = false} : vector<512x64xf32>, vector<512x64xf32>, vector<512x512xf32> -> vector<512x512xf32>
    %add3A_847 = vector.broadcast %get3A_786 : vector<512x1xf32> to vector<512x512xf32>
    %add3A_848 = vector.broadcast %get3A_844 : vector<1x512xf32> to vector<512x512xf32>
    %add3A_849 = arith.addf %add3A_847, %add3A_848 : vector<512x512xf32>
    %mul3A_850 = arith.constant 2.000000e+00 : f32
    %mul3A_851 = vector.broadcast %mul3A_850 : f32 to vector<512x512xf32>
    %mul3A_852 = arith.mulf %mul3A_851, %dot_general3A_846 : vector<512x512xf32>
    %sub3A_853 = arith.subf %add3A_849, %mul3A_852 : vector<512x512xf32>
    %max3A_854 = arith.constant 0.000000e+00 : f32
    %max3A_855 = vector.broadcast %max3A_854 : f32 to vector<512x512xf32>
    %max3A_856 = arith.maximumf %sub3A_853, %max3A_855 : vector<512x512xf32>
    %sqrt3A_857 = math.sqrt %max3A_856 : vector<512x512xf32>
    %reduce_sum3A_858 = vector.shape_cast %sqrt3A_857 : vector<512x512xf32> to vector<1x512x512xf32>
    %reduce_sum3A_859 = arith.constant dense<0.000000e+00> : vector<1xf32>
    %reduce_sum3A_860 = vector.multi_reduction <add>, %reduce_sum3A_858, %reduce_sum3A_859 [1, 2] : vector<1x512x512xf32> to vector<1xf32>
    %reduce_sum3A_861 = vector.shape_cast %reduce_sum3A_860 : vector<1xf32> to vector<1x1x1xf32>
    %reduce_sum3A_862 = vector.extract %reduce_sum3A_861[0, 0, 0] : f32 from vector<1x1x1xf32>
    %mul3A_863 = arith.constant 2.000000e+00 : f32
    %mul3A_864 = arith.mulf %mul3A_863, %reduce_sum3A_862 : f32
    %add3A_865 = arith.addf %add3A_838, %mul3A_864 : f32
    %get3A_866 = arith.constant 3584 : index
    %get3A_867 = arith.constant 0 : index
    %get3A_868 = vector.load %arg18[%get3A_866, %get3A_867] : memref<4096x64xf32, #tpu.memory_space<vmem>>, vector<512x64xf32>
    %get3A_869 = arith.constant 0 : index
    %get3A_870 = arith.constant 3584 : index
    %get3A_871 = vector.load %arg22[%get3A_869, %get3A_870] : memref<1x4096xf32, #tpu.memory_space<vmem>>, vector<1x512xf32>
    %dot_general3A_872 = arith.constant dense<0.000000e+00> : vector<512x512xf32>
    %dot_general3A_873 = tpu.matmul %get3A_783, %get3A_868, %dot_general3A_872 {dimension_numbers = #tpu.dot_dimension_numbers<[1], [1], [0], [0], [0, 0, 1, 0], [], []>, transpose_lhs_hint = false} : vector<512x64xf32>, vector<512x64xf32>, vector<512x512xf32> -> vector<512x512xf32>
    %add3A_874 = vector.broadcast %get3A_786 : vector<512x1xf32> to vector<512x512xf32>
    %add3A_875 = vector.broadcast %get3A_871 : vector<1x512xf32> to vector<512x512xf32>
    %add3A_876 = arith.addf %add3A_874, %add3A_875 : vector<512x512xf32>
    %mul3A_877 = arith.constant 2.000000e+00 : f32
    %mul3A_878 = vector.broadcast %mul3A_877 : f32 to vector<512x512xf32>
    %mul3A_879 = arith.mulf %mul3A_878, %dot_general3A_873 : vector<512x512xf32>
    %sub3A_880 = arith.subf %add3A_876, %mul3A_879 : vector<512x512xf32>
    %max3A_881 = arith.constant 0.000000e+00 : f32
    %max3A_882 = vector.broadcast %max3A_881 : f32 to vector<512x512xf32>
    %max3A_883 = arith.maximumf %sub3A_880, %max3A_882 : vector<512x512xf32>
    %sqrt3A_884 = math.sqrt %max3A_883 : vector<512x512xf32>
    %reduce_sum3A_885 = vector.shape_cast %sqrt3A_884 : vector<512x512xf32> to vector<1x512x512xf32>
    %reduce_sum3A_886 = arith.constant dense<0.000000e+00> : vector<1xf32>
    %reduce_sum3A_887 = vector.multi_reduction <add>, %reduce_sum3A_885, %reduce_sum3A_886 [1, 2] : vector<1x512x512xf32> to vector<1xf32>
    %reduce_sum3A_888 = vector.shape_cast %reduce_sum3A_887 : vector<1xf32> to vector<1x1x1xf32>
    %reduce_sum3A_889 = vector.extract %reduce_sum3A_888[0, 0, 0] : f32 from vector<1x1x1xf32>
    %mul3A_890 = arith.constant 2.000000e+00 : f32
    %mul3A_891 = arith.mulf %mul3A_890, %reduce_sum3A_889 : f32
    %add3A_892 = arith.addf %add3A_865, %mul3A_891 : f32
    %get3A_893 = arith.constant 2560 : index
    %get3A_894 = arith.constant 0 : index
    %get3A_895 = vector.load %arg18[%get3A_893, %get3A_894] : memref<4096x64xf32, #tpu.memory_space<vmem>>, vector<512x64xf32>
    %get3A_896 = arith.constant 2560 : index
    %get3A_897 = arith.constant 0 : index
    %get3A_898 = vector.load %arg21[%get3A_896, %get3A_897] : memref<4096x1xf32, #tpu.memory_space<vmem>>, vector<512x1xf32>
    %get3A_899 = arith.constant 2560 : index
    %get3A_900 = arith.constant 0 : index
    %get3A_901 = vector.load %arg18[%get3A_899, %get3A_900] : memref<4096x64xf32, #tpu.memory_space<vmem>>, vector<512x64xf32>
    %get3A_902 = arith.constant 0 : index
    %get3A_903 = arith.constant 2560 : index
    %get3A_904 = vector.load %arg22[%get3A_902, %get3A_903] : memref<1x4096xf32, #tpu.memory_space<vmem>>, vector<1x512xf32>
    %dot_general3A_905 = arith.constant dense<0.000000e+00> : vector<512x512xf32>
    %dot_general3A_906 = tpu.matmul %get3A_895, %get3A_901, %dot_general3A_905 {dimension_numbers = #tpu.dot_dimension_numbers<[1], [1], [0], [0], [0, 0, 1, 0], [], []>, transpose_lhs_hint = false} : vector<512x64xf32>, vector<512x64xf32>, vector<512x512xf32> -> vector<512x512xf32>
    %add3A_907 = vector.broadcast %get3A_898 : vector<512x1xf32> to vector<512x512xf32>
    %add3A_908 = vector.broadcast %get3A_904 : vector<1x512xf32> to vector<512x512xf32>
    %add3A_909 = arith.addf %add3A_907, %add3A_908 : vector<512x512xf32>
    %mul3A_910 = arith.constant 2.000000e+00 : f32
    %mul3A_911 = vector.broadcast %mul3A_910 : f32 to vector<512x512xf32>
    %mul3A_912 = arith.mulf %mul3A_911, %dot_general3A_906 : vector<512x512xf32>
    %sub3A_913 = arith.subf %add3A_909, %mul3A_912 : vector<512x512xf32>
    %max3A_914 = arith.constant 0.000000e+00 : f32
    %max3A_915 = vector.broadcast %max3A_914 : f32 to vector<512x512xf32>
    %max3A_916 = arith.maximumf %sub3A_913, %max3A_915 : vector<512x512xf32>
    %sqrt3A_917 = math.sqrt %max3A_916 : vector<512x512xf32>
    %reduce_sum3A_918 = vector.shape_cast %sqrt3A_917 : vector<512x512xf32> to vector<1x512x512xf32>
    %reduce_sum3A_919 = arith.constant dense<0.000000e+00> : vector<1xf32>
    %reduce_sum3A_920 = vector.multi_reduction <add>, %reduce_sum3A_918, %reduce_sum3A_919 [1, 2] : vector<1x512x512xf32> to vector<1xf32>
    %reduce_sum3A_921 = vector.shape_cast %reduce_sum3A_920 : vector<1xf32> to vector<1x1x1xf32>
    %reduce_sum3A_922 = vector.extract %reduce_sum3A_921[0, 0, 0] : f32 from vector<1x1x1xf32>
    %add3A_923 = arith.addf %add3A_892, %reduce_sum3A_922 : f32
    %get3A_924 = arith.constant 3072 : index
    %get3A_925 = arith.constant 0 : index
    %get3A_926 = vector.load %arg18[%get3A_924, %get3A_925] : memref<4096x64xf32, #tpu.memory_space<vmem>>, vector<512x64xf32>
    %get3A_927 = arith.constant 0 : index
    %get3A_928 = arith.constant 3072 : index
    %get3A_929 = vector.load %arg22[%get3A_927, %get3A_928] : memref<1x4096xf32, #tpu.memory_space<vmem>>, vector<1x512xf32>
    %dot_general3A_930 = arith.constant dense<0.000000e+00> : vector<512x512xf32>
    %dot_general3A_931 = tpu.matmul %get3A_895, %get3A_926, %dot_general3A_930 {dimension_numbers = #tpu.dot_dimension_numbers<[1], [1], [0], [0], [0, 0, 1, 0], [], []>, transpose_lhs_hint = false} : vector<512x64xf32>, vector<512x64xf32>, vector<512x512xf32> -> vector<512x512xf32>
    %add3A_932 = vector.broadcast %get3A_898 : vector<512x1xf32> to vector<512x512xf32>
    %add3A_933 = vector.broadcast %get3A_929 : vector<1x512xf32> to vector<512x512xf32>
    %add3A_934 = arith.addf %add3A_932, %add3A_933 : vector<512x512xf32>
    %mul3A_935 = arith.constant 2.000000e+00 : f32
    %mul3A_936 = vector.broadcast %mul3A_935 : f32 to vector<512x512xf32>
    %mul3A_937 = arith.mulf %mul3A_936, %dot_general3A_931 : vector<512x512xf32>
    %sub3A_938 = arith.subf %add3A_934, %mul3A_937 : vector<512x512xf32>
    %max3A_939 = arith.constant 0.000000e+00 : f32
    %max3A_940 = vector.broadcast %max3A_939 : f32 to vector<512x512xf32>
    %max3A_941 = arith.maximumf %sub3A_938, %max3A_940 : vector<512x512xf32>
    %sqrt3A_942 = math.sqrt %max3A_941 : vector<512x512xf32>
    %reduce_sum3A_943 = vector.shape_cast %sqrt3A_942 : vector<512x512xf32> to vector<1x512x512xf32>
    %reduce_sum3A_944 = arith.constant dense<0.000000e+00> : vector<1xf32>
    %reduce_sum3A_945 = vector.multi_reduction <add>, %reduce_sum3A_943, %reduce_sum3A_944 [1, 2] : vector<1x512x512xf32> to vector<1xf32>
    %reduce_sum3A_946 = vector.shape_cast %reduce_sum3A_945 : vector<1xf32> to vector<1x1x1xf32>
    %reduce_sum3A_947 = vector.extract %reduce_sum3A_946[0, 0, 0] : f32 from vector<1x1x1xf32>
    %mul3A_948 = arith.constant 2.000000e+00 : f32
    %mul3A_949 = arith.mulf %mul3A_948, %reduce_sum3A_947 : f32
    %add3A_950 = arith.addf %add3A_923, %mul3A_949 : f32
    %get3A_951 = arith.constant 3584 : index
    %get3A_952 = arith.constant 0 : index
    %get3A_953 = vector.load %arg18[%get3A_951, %get3A_952] : memref<4096x64xf32, #tpu.memory_space<vmem>>, vector<512x64xf32>
    %get3A_954 = arith.constant 0 : index
    %get3A_955 = arith.constant 3584 : index
    %get3A_956 = vector.load %arg22[%get3A_954, %get3A_955] : memref<1x4096xf32, #tpu.memory_space<vmem>>, vector<1x512xf32>
    %dot_general3A_957 = arith.constant dense<0.000000e+00> : vector<512x512xf32>
    %dot_general3A_958 = tpu.matmul %get3A_895, %get3A_953, %dot_general3A_957 {dimension_numbers = #tpu.dot_dimension_numbers<[1], [1], [0], [0], [0, 0, 1, 0], [], []>, transpose_lhs_hint = false} : vector<512x64xf32>, vector<512x64xf32>, vector<512x512xf32> -> vector<512x512xf32>
    %add3A_959 = vector.broadcast %get3A_898 : vector<512x1xf32> to vector<512x512xf32>
    %add3A_960 = vector.broadcast %get3A_956 : vector<1x512xf32> to vector<512x512xf32>
    %add3A_961 = arith.addf %add3A_959, %add3A_960 : vector<512x512xf32>
    %mul3A_962 = arith.constant 2.000000e+00 : f32
    %mul3A_963 = vector.broadcast %mul3A_962 : f32 to vector<512x512xf32>
    %mul3A_964 = arith.mulf %mul3A_963, %dot_general3A_958 : vector<512x512xf32>
    %sub3A_965 = arith.subf %add3A_961, %mul3A_964 : vector<512x512xf32>
    %max3A_966 = arith.constant 0.000000e+00 : f32
    %max3A_967 = vector.broadcast %max3A_966 : f32 to vector<512x512xf32>
    %max3A_968 = arith.maximumf %sub3A_965, %max3A_967 : vector<512x512xf32>
    %sqrt3A_969 = math.sqrt %max3A_968 : vector<512x512xf32>
    %reduce_sum3A_970 = vector.shape_cast %sqrt3A_969 : vector<512x512xf32> to vector<1x512x512xf32>
    %reduce_sum3A_971 = arith.constant dense<0.000000e+00> : vector<1xf32>
    %reduce_sum3A_972 = vector.multi_reduction <add>, %reduce_sum3A_970, %reduce_sum3A_971 [1, 2] : vector<1x512x512xf32> to vector<1xf32>
    %reduce_sum3A_973 = vector.shape_cast %reduce_sum3A_972 : vector<1xf32> to vector<1x1x1xf32>
    %reduce_sum3A_974 = vector.extract %reduce_sum3A_973[0, 0, 0] : f32 from vector<1x1x1xf32>
    %mul3A_975 = arith.constant 2.000000e+00 : f32
    %mul3A_976 = arith.mulf %mul3A_975, %reduce_sum3A_974 : f32
    %add3A_977 = arith.addf %add3A_950, %mul3A_976 : f32
    %get3A_978 = arith.constant 3072 : index
    %get3A_979 = arith.constant 0 : index
    %get3A_980 = vector.load %arg18[%get3A_978, %get3A_979] : memref<4096x64xf32, #tpu.memory_space<vmem>>, vector<512x64xf32>
    %get3A_981 = arith.constant 3072 : index
    %get3A_982 = arith.constant 0 : index
    %get3A_983 = vector.load %arg21[%get3A_981, %get3A_982] : memref<4096x1xf32, #tpu.memory_space<vmem>>, vector<512x1xf32>
    %get3A_984 = arith.constant 3072 : index
    %get3A_985 = arith.constant 0 : index
    %get3A_986 = vector.load %arg18[%get3A_984, %get3A_985] : memref<4096x64xf32, #tpu.memory_space<vmem>>, vector<512x64xf32>
    %get3A_987 = arith.constant 0 : index
    %get3A_988 = arith.constant 3072 : index
    %get3A_989 = vector.load %arg22[%get3A_987, %get3A_988] : memref<1x4096xf32, #tpu.memory_space<vmem>>, vector<1x512xf32>
    %dot_general3A_990 = arith.constant dense<0.000000e+00> : vector<512x512xf32>
    %dot_general3A_991 = tpu.matmul %get3A_980, %get3A_986, %dot_general3A_990 {dimension_numbers = #tpu.dot_dimension_numbers<[1], [1], [0], [0], [0, 0, 1, 0], [], []>, transpose_lhs_hint = false} : vector<512x64xf32>, vector<512x64xf32>, vector<512x512xf32> -> vector<512x512xf32>
    %add3A_992 = vector.broadcast %get3A_983 : vector<512x1xf32> to vector<512x512xf32>
    %add3A_993 = vector.broadcast %get3A_989 : vector<1x512xf32> to vector<512x512xf32>
    %add3A_994 = arith.addf %add3A_992, %add3A_993 : vector<512x512xf32>
    %mul3A_995 = arith.constant 2.000000e+00 : f32
    %mul3A_996 = vector.broadcast %mul3A_995 : f32 to vector<512x512xf32>
    %mul3A_997 = arith.mulf %mul3A_996, %dot_general3A_991 : vector<512x512xf32>
    %sub3A_998 = arith.subf %add3A_994, %mul3A_997 : vector<512x512xf32>
    %max3A_999 = arith.constant 0.000000e+00 : f32
    %max3A_1000 = vector.broadcast %max3A_999 : f32 to vector<512x512xf32>
    %max3A_1001 = arith.maximumf %sub3A_998, %max3A_1000 : vector<512x512xf32>
    %sqrt3A_1002 = math.sqrt %max3A_1001 : vector<512x512xf32>
    %reduce_sum3A_1003 = vector.shape_cast %sqrt3A_1002 : vector<512x512xf32> to vector<1x512x512xf32>
    %reduce_sum3A_1004 = arith.constant dense<0.000000e+00> : vector<1xf32>
    %reduce_sum3A_1005 = vector.multi_reduction <add>, %reduce_sum3A_1003, %reduce_sum3A_1004 [1, 2] : vector<1x512x512xf32> to vector<1xf32>
    %reduce_sum3A_1006 = vector.shape_cast %reduce_sum3A_1005 : vector<1xf32> to vector<1x1x1xf32>
    %reduce_sum3A_1007 = vector.extract %reduce_sum3A_1006[0, 0, 0] : f32 from vector<1x1x1xf32>
    %add3A_1008 = arith.addf %add3A_977, %reduce_sum3A_1007 : f32
    %get3A_1009 = arith.constant 3584 : index
    %get3A_1010 = arith.constant 0 : index
    %get3A_1011 = vector.load %arg18[%get3A_1009, %get3A_1010] : memref<4096x64xf32, #tpu.memory_space<vmem>>, vector<512x64xf32>
    %get3A_1012 = arith.constant 0 : index
    %get3A_1013 = arith.constant 3584 : index
    %get3A_1014 = vector.load %arg22[%get3A_1012, %get3A_1013] : memref<1x4096xf32, #tpu.memory_space<vmem>>, vector<1x512xf32>
    %dot_general3A_1015 = arith.constant dense<0.000000e+00> : vector<512x512xf32>
    %dot_general3A_1016 = tpu.matmul %get3A_980, %get3A_1011, %dot_general3A_1015 {dimension_numbers = #tpu.dot_dimension_numbers<[1], [1], [0], [0], [0, 0, 1, 0], [], []>, transpose_lhs_hint = false} : vector<512x64xf32>, vector<512x64xf32>, vector<512x512xf32> -> vector<512x512xf32>
    %add3A_1017 = vector.broadcast %get3A_983 : vector<512x1xf32> to vector<512x512xf32>
    %add3A_1018 = vector.broadcast %get3A_1014 : vector<1x512xf32> to vector<512x512xf32>
    %add3A_1019 = arith.addf %add3A_1017, %add3A_1018 : vector<512x512xf32>
    %mul3A_1020 = arith.constant 2.000000e+00 : f32
    %mul3A_1021 = vector.broadcast %mul3A_1020 : f32 to vector<512x512xf32>
    %mul3A_1022 = arith.mulf %mul3A_1021, %dot_general3A_1016 : vector<512x512xf32>
    %sub3A_1023 = arith.subf %add3A_1019, %mul3A_1022 : vector<512x512xf32>
    %max3A_1024 = arith.constant 0.000000e+00 : f32
    %max3A_1025 = vector.broadcast %max3A_1024 : f32 to vector<512x512xf32>
    %max3A_1026 = arith.maximumf %sub3A_1023, %max3A_1025 : vector<512x512xf32>
    %sqrt3A_1027 = math.sqrt %max3A_1026 : vector<512x512xf32>
    %reduce_sum3A_1028 = vector.shape_cast %sqrt3A_1027 : vector<512x512xf32> to vector<1x512x512xf32>
    %reduce_sum3A_1029 = arith.constant dense<0.000000e+00> : vector<1xf32>
    %reduce_sum3A_1030 = vector.multi_reduction <add>, %reduce_sum3A_1028, %reduce_sum3A_1029 [1, 2] : vector<1x512x512xf32> to vector<1xf32>
    %reduce_sum3A_1031 = vector.shape_cast %reduce_sum3A_1030 : vector<1xf32> to vector<1x1x1xf32>
    %reduce_sum3A_1032 = vector.extract %reduce_sum3A_1031[0, 0, 0] : f32 from vector<1x1x1xf32>
    %mul3A_1033 = arith.constant 2.000000e+00 : f32
    %mul3A_1034 = arith.mulf %mul3A_1033, %reduce_sum3A_1032 : f32
    %add3A_1035 = arith.addf %add3A_1008, %mul3A_1034 : f32
    %get3A_1036 = arith.constant 3584 : index
    %get3A_1037 = arith.constant 0 : index
    %get3A_1038 = vector.load %arg18[%get3A_1036, %get3A_1037] : memref<4096x64xf32, #tpu.memory_space<vmem>>, vector<512x64xf32>
    %get3A_1039 = arith.constant 3584 : index
    %get3A_1040 = arith.constant 0 : index
    %get3A_1041 = vector.load %arg21[%get3A_1039, %get3A_1040] : memref<4096x1xf32, #tpu.memory_space<vmem>>, vector<512x1xf32>
    %get3A_1042 = arith.constant 3584 : index
    %get3A_1043 = arith.constant 0 : index
    %get3A_1044 = vector.load %arg18[%get3A_1042, %get3A_1043] : memref<4096x64xf32, #tpu.memory_space<vmem>>, vector<512x64xf32>
    %get3A_1045 = arith.constant 0 : index
    %get3A_1046 = arith.constant 3584 : index
    %get3A_1047 = vector.load %arg22[%get3A_1045, %get3A_1046] : memref<1x4096xf32, #tpu.memory_space<vmem>>, vector<1x512xf32>
    %dot_general3A_1048 = arith.constant dense<0.000000e+00> : vector<512x512xf32>
    %dot_general3A_1049 = tpu.matmul %get3A_1038, %get3A_1044, %dot_general3A_1048 {dimension_numbers = #tpu.dot_dimension_numbers<[1], [1], [0], [0], [0, 0, 1, 0], [], []>, transpose_lhs_hint = false} : vector<512x64xf32>, vector<512x64xf32>, vector<512x512xf32> -> vector<512x512xf32>
    %add3A_1050 = vector.broadcast %get3A_1041 : vector<512x1xf32> to vector<512x512xf32>
    %add3A_1051 = vector.broadcast %get3A_1047 : vector<1x512xf32> to vector<512x512xf32>
    %add3A_1052 = arith.addf %add3A_1050, %add3A_1051 : vector<512x512xf32>
    %mul3A_1053 = arith.constant 2.000000e+00 : f32
    %mul3A_1054 = vector.broadcast %mul3A_1053 : f32 to vector<512x512xf32>
    %mul3A_1055 = arith.mulf %mul3A_1054, %dot_general3A_1049 : vector<512x512xf32>
    %sub3A_1056 = arith.subf %add3A_1052, %mul3A_1055 : vector<512x512xf32>
    %max3A_1057 = arith.constant 0.000000e+00 : f32
    %max3A_1058 = vector.broadcast %max3A_1057 : f32 to vector<512x512xf32>
    %max3A_1059 = arith.maximumf %sub3A_1056, %max3A_1058 : vector<512x512xf32>
    %sqrt3A_1060 = math.sqrt %max3A_1059 : vector<512x512xf32>
    %reduce_sum3A_1061 = vector.shape_cast %sqrt3A_1060 : vector<512x512xf32> to vector<1x512x512xf32>
    %reduce_sum3A_1062 = arith.constant dense<0.000000e+00> : vector<1xf32>
    %reduce_sum3A_1063 = vector.multi_reduction <add>, %reduce_sum3A_1061, %reduce_sum3A_1062 [1, 2] : vector<1x512x512xf32> to vector<1xf32>
    %reduce_sum3A_1064 = vector.shape_cast %reduce_sum3A_1063 : vector<1xf32> to vector<1x1x1xf32>
    %reduce_sum3A_1065 = vector.extract %reduce_sum3A_1064[0, 0, 0] : f32 from vector<1x1x1xf32>
    %add3A_1066 = arith.addf %add3A_1035, %reduce_sum3A_1065 : f32
    %mul3A_1067 = arith.constant 5.96046448E-8 : f32
    %mul3A_1068 = arith.mulf %add3A_1066, %mul3A_1067 : f32
    %broadcast_in_dim3A_1069 = arith.constant 0.000000e+00 : f32
    %broadcast_in_dim3A_1070 = vector.broadcast %broadcast_in_dim3A_1069 : f32 to vector<1x64xf32>
    %scan3A = arith.constant 0 : i32
    %scan3A_1071 = arith.constant 8 : i32
    %scan3A_1072 = arith.addi %scan3A, %scan3A_1071 : i32
    %scan3A_1073 = arith.constant 2 : i32
    %scan3A_1074 = scf.for %scan3A_1175 = %scan3A to %scan3A_1072 step %scan3A_1073 iter_args(%scan3A_1176 = %broadcast_in_dim3A_1070) -> (vector<1x64xf32>)  : i32 {
      %mul3A_1177 = arith.constant 512 : i32
      %mul3A_1178 = arith.muli %scan3A_1175, %mul3A_1177 : i32
      %multiple_of3A = tpu.assume_multiple %mul3A_1178, 512 : i32
      %mul3A_1179 = arith.constant 512 : i32
      %mul3A_1180 = arith.muli %scan3A_1175, %mul3A_1179 : i32
      %multiple_of3A_1181 = tpu.assume_multiple %mul3A_1180, 512 : i32
      %get3A_1182 = arith.index_cast %multiple_of3A_1181 : i32 to index
      %get3A_1183 = arith.constant 0 : index
      %get3A_1184 = vector.load %arg18[%get3A_1182, %get3A_1183] : memref<4096x64xf32, #tpu.memory_space<vmem>>, vector<512x64xf32>
      %get3A_1185 = arith.index_cast %multiple_of3A_1181 : i32 to index
      %get3A_1186 = arith.constant 0 : index
      %get3A_1187 = vector.load %arg21[%get3A_1185, %get3A_1186] : memref<4096x1xf32, #tpu.memory_space<vmem>>, vector<512x1xf32>
      %get3A_1188 = arith.constant 0 : index
      %get3A_1189 = arith.constant 0 : index
      %get3A_1190 = vector.load %arg18[%get3A_1188, %get3A_1189] : memref<4096x64xf32, #tpu.memory_space<vmem>>, vector<4096x64xf32>
      %dot_general3A_1191 = arith.constant dense<0.000000e+00> : vector<512x4096xf32>
      %dot_general3A_1192 = tpu.matmul %get3A_1184, %get3A_1190, %dot_general3A_1191 {dimension_numbers = #tpu.dot_dimension_numbers<[1], [1], [0], [0], [0, 0, 1, 0], [], []>, transpose_lhs_hint = false} : vector<512x64xf32>, vector<4096x64xf32>, vector<512x4096xf32> -> vector<512x4096xf32>
      %get3A_1193 = arith.constant 0 : index
      %get3A_1194 = arith.constant 0 : index
      %get3A_1195 = vector.load %arg22[%get3A_1193, %get3A_1194] : memref<1x4096xf32, #tpu.memory_space<vmem>>, vector<1x4096xf32>
      %add3A_1196 = vector.broadcast %get3A_1187 : vector<512x1xf32> to vector<512x4096xf32>
      %add3A_1197 = vector.broadcast %get3A_1195 : vector<1x4096xf32> to vector<512x4096xf32>
      %add3A_1198 = arith.addf %add3A_1196, %add3A_1197 : vector<512x4096xf32>
      %mul3A_1199 = arith.constant 2.000000e+00 : f32
      %mul3A_1200 = vector.broadcast %mul3A_1199 : f32 to vector<512x4096xf32>
      %mul3A_1201 = arith.mulf %mul3A_1200, %dot_general3A_1192 : vector<512x4096xf32>
      %sub3A_1202 = arith.subf %add3A_1198, %mul3A_1201 : vector<512x4096xf32>
      %max3A_1203 = arith.constant 0.000000e+00 : f32
      %max3A_1204 = vector.broadcast %max3A_1203 : f32 to vector<512x4096xf32>
      %max3A_1205 = arith.maximumf %sub3A_1202, %max3A_1204 : vector<512x4096xf32>
      %sqrt3A_1206 = math.sqrt %max3A_1205 : vector<512x4096xf32>
      %neg3A = arith.constant 0.000000e+00 : f32
      %neg3A_1207 = vector.broadcast %neg3A : f32 to vector<512x4096xf32>
      %neg3A_1208 = arith.subf %neg3A_1207, %sqrt3A_1206 : vector<512x4096xf32>
      %add3A_1209 = arith.constant 9.99999997E-7 : f32
      %add3A_1210 = arith.addf %mul3A_1068, %add3A_1209 : f32
      %div3A_1211 = vector.broadcast %add3A_1210 : f32 to vector<512x4096xf32>
      %div3A_1212 = arith.divf %neg3A_1208, %div3A_1211 : vector<512x4096xf32>
      %exp3A = math.exp %div3A_1212 : vector<512x4096xf32>
      %reduce_sum3A_1213 = arith.constant dense<0.000000e+00> : vector<512xf32>
      %reduce_sum3A_1214 = vector.multi_reduction <add>, %exp3A, %reduce_sum3A_1213 [1] : vector<512x4096xf32> to vector<512xf32>
      %broadcast_in_dim3A_1215 = vector.shape_cast %reduce_sum3A_1214 : vector<512xf32> to vector<512x1xf32>
      %add3A_1216 = arith.constant 9.99999997E-7 : f32
      %add3A_1217 = vector.broadcast %add3A_1216 : f32 to vector<512x1xf32>
      %add3A_1218 = arith.addf %broadcast_in_dim3A_1215, %add3A_1217 : vector<512x1xf32>
      %div3A_1219 = vector.broadcast %add3A_1218 : vector<512x1xf32> to vector<512x4096xf32>
      %div3A_1220 = arith.divf %exp3A, %div3A_1219 : vector<512x4096xf32>
      %get3A_1221 = arith.constant 0 : index
      %get3A_1222 = arith.constant 0 : index
      %get3A_1223 = vector.load %arg19[%get3A_1221, %get3A_1222] : memref<4096x64xf32, #tpu.memory_space<vmem>>, vector<4096x64xf32>
      %dot_general3A_1224 = arith.constant dense<0.000000e+00> : vector<512x64xf32>
      %dot_general3A_1225 = tpu.matmul %div3A_1220, %get3A_1223, %dot_general3A_1224 {dimension_numbers = #tpu.dot_dimension_numbers<[1], [0], [0], [1], [0, 0, 1, 1], [], []>, transpose_lhs_hint = false} : vector<512x4096xf32>, vector<4096x64xf32>, vector<512x64xf32> -> vector<512x64xf32>
      %max3A_1226 = arith.constant 0.000000e+00 : f32
      %max3A_1227 = vector.broadcast %max3A_1226 : f32 to vector<512x64xf32>
      %max3A_1228 = arith.maximumf %dot_general3A_1225, %max3A_1227 : vector<512x64xf32>
      %swap3A_1229 = arith.index_cast %multiple_of3A : i32 to index
      %swap3A_1230 = arith.constant 0 : index
      %swap3A_1231 = vector.load %arg20[%swap3A_1229, %swap3A_1230] : memref<4096x64xf32, #tpu.memory_space<vmem>>, vector<512x64xf32>
      tpu.vector_store %arg20[%swap3A_1229, %swap3A_1230], %max3A_1228 {strides = array<i32>} : memref<4096x64xf32, #tpu.memory_space<vmem>>, vector<512x64xf32>,
      %get3A_1232 = arith.constant 0 : index
      %get3A_1233 = arith.constant 0 : index
      %get3A_1234 = vector.load %arg8[%get3A_1232, %get3A_1233] : memref<64x64xf32, #tpu.memory_space<vmem>>, vector<64x64xf32>
      %dot_general3A_1235 = arith.constant dense<0.000000e+00> : vector<512x64xf32>
      %dot_general3A_1236 = tpu.matmul %max3A_1228, %get3A_1234, %dot_general3A_1235 {dimension_numbers = #tpu.dot_dimension_numbers<[1], [0], [0], [1], [0, 0, 1, 1], [], []>, transpose_lhs_hint = false} : vector<512x64xf32>, vector<64x64xf32>, vector<512x64xf32> -> vector<512x64xf32>
      %max3A_1237 = arith.constant 0.000000e+00 : f32
      %max3A_1238 = vector.broadcast %max3A_1237 : f32 to vector<512x64xf32>
      %max3A_1239 = arith.maximumf %dot_general3A_1236, %max3A_1238 : vector<512x64xf32>
      %reduce_sum3A_1240 = arith.constant dense<0.000000e+00> : vector<64xf32>
      %reduce_sum3A_1241 = vector.multi_reduction <add>, %max3A_1239, %reduce_sum3A_1240 [0] : vector<512x64xf32> to vector<64xf32>
      %broadcast_in_dim3A_1242 = vector.shape_cast %reduce_sum3A_1241 : vector<64xf32> to vector<1x64xf32>
      %add3A_1243 = arith.addf %scan3A_1176, %broadcast_in_dim3A_1242 : vector<1x64xf32>
      %scan3A_1244 = arith.constant 1 : i32
      %scan3A_1245 = arith.addi %scan3A_1175, %scan3A_1244 : i32
      %mul3A_1246 = arith.constant 512 : i32
      %mul3A_1247 = arith.muli %scan3A_1245, %mul3A_1246 : i32
      %multiple_of3A_1248 = tpu.assume_multiple %mul3A_1247, 512 : i32
      %mul3A_1249 = arith.constant 512 : i32
      %mul3A_1250 = arith.muli %scan3A_1245, %mul3A_1249 : i32
      %multiple_of3A_1251 = tpu.assume_multiple %mul3A_1250, 512 : i32
      %get3A_1252 = arith.index_cast %multiple_of3A_1251 : i32 to index
      %get3A_1253 = arith.constant 0 : index
      %get3A_1254 = vector.load %arg18[%get3A_1252, %get3A_1253] : memref<4096x64xf32, #tpu.memory_space<vmem>>, vector<512x64xf32>
      %get3A_1255 = arith.index_cast %multiple_of3A_1251 : i32 to index
      %get3A_1256 = arith.constant 0 : index
      %get3A_1257 = vector.load %arg21[%get3A_1255, %get3A_1256] : memref<4096x1xf32, #tpu.memory_space<vmem>>, vector<512x1xf32>
      %get3A_1258 = arith.constant 0 : index
      %get3A_1259 = arith.constant 0 : index
      %get3A_1260 = vector.load %arg18[%get3A_1258, %get3A_1259] : memref<4096x64xf32, #tpu.memory_space<vmem>>, vector<4096x64xf32>
      %dot_general3A_1261 = arith.constant dense<0.000000e+00> : vector<512x4096xf32>
      %dot_general3A_1262 = tpu.matmul %get3A_1254, %get3A_1260, %dot_general3A_1261 {dimension_numbers = #tpu.dot_dimension_numbers<[1], [1], [0], [0], [0, 0, 1, 0], [], []>, transpose_lhs_hint = false} : vector<512x64xf32>, vector<4096x64xf32>, vector<512x4096xf32> -> vector<512x4096xf32>
      %get3A_1263 = arith.constant 0 : index
      %get3A_1264 = arith.constant 0 : index
      %get3A_1265 = vector.load %arg22[%get3A_1263, %get3A_1264] : memref<1x4096xf32, #tpu.memory_space<vmem>>, vector<1x4096xf32>
      %add3A_1266 = vector.broadcast %get3A_1257 : vector<512x1xf32> to vector<512x4096xf32>
      %add3A_1267 = vector.broadcast %get3A_1265 : vector<1x4096xf32> to vector<512x4096xf32>
      %add3A_1268 = arith.addf %add3A_1266, %add3A_1267 : vector<512x4096xf32>
      %mul3A_1269 = arith.constant 2.000000e+00 : f32
      %mul3A_1270 = vector.broadcast %mul3A_1269 : f32 to vector<512x4096xf32>
      %mul3A_1271 = arith.mulf %mul3A_1270, %dot_general3A_1262 : vector<512x4096xf32>
      %sub3A_1272 = arith.subf %add3A_1268, %mul3A_1271 : vector<512x4096xf32>
      %max3A_1273 = arith.constant 0.000000e+00 : f32
      %max3A_1274 = vector.broadcast %max3A_1273 : f32 to vector<512x4096xf32>
      %max3A_1275 = arith.maximumf %sub3A_1272, %max3A_1274 : vector<512x4096xf32>
      %sqrt3A_1276 = math.sqrt %max3A_1275 : vector<512x4096xf32>
      %neg3A_1277 = arith.constant 0.000000e+00 : f32
      %neg3A_1278 = vector.broadcast %neg3A_1277 : f32 to vector<512x4096xf32>
      %neg3A_1279 = arith.subf %neg3A_1278, %sqrt3A_1276 : vector<512x4096xf32>
      %add3A_1280 = arith.constant 9.99999997E-7 : f32
      %add3A_1281 = arith.addf %mul3A_1068, %add3A_1280 : f32
      %div3A_1282 = vector.broadcast %add3A_1281 : f32 to vector<512x4096xf32>
      %div3A_1283 = arith.divf %neg3A_1279, %div3A_1282 : vector<512x4096xf32>
      %exp3A_1284 = math.exp %div3A_1283 : vector<512x4096xf32>
      %reduce_sum3A_1285 = arith.constant dense<0.000000e+00> : vector<512xf32>
      %reduce_sum3A_1286 = vector.multi_reduction <add>, %exp3A_1284, %reduce_sum3A_1285 [1] : vector<512x4096xf32> to vector<512xf32>
      %broadcast_in_dim3A_1287 = vector.shape_cast %reduce_sum3A_1286 : vector<512xf32> to vector<512x1xf32>
      %add3A_1288 = arith.constant 9.99999997E-7 : f32
      %add3A_1289 = vector.broadcast %add3A_1288 : f32 to vector<512x1xf32>
      %add3A_1290 = arith.addf %broadcast_in_dim3A_1287, %add3A_1289 : vector<512x1xf32>
      %div3A_1291 = vector.broadcast %add3A_1290 : vector<512x1xf32> to vector<512x4096xf32>
      %div3A_1292 = arith.divf %exp3A_1284, %div3A_1291 : vector<512x4096xf32>
      %get3A_1293 = arith.constant 0 : index
      %get3A_1294 = arith.constant 0 : index
      %get3A_1295 = vector.load %arg19[%get3A_1293, %get3A_1294] : memref<4096x64xf32, #tpu.memory_space<vmem>>, vector<4096x64xf32>
      %dot_general3A_1296 = arith.constant dense<0.000000e+00> : vector<512x64xf32>
      %dot_general3A_1297 = tpu.matmul %div3A_1292, %get3A_1295, %dot_general3A_1296 {dimension_numbers = #tpu.dot_dimension_numbers<[1], [0], [0], [1], [0, 0, 1, 1], [], []>, transpose_lhs_hint = false} : vector<512x4096xf32>, vector<4096x64xf32>, vector<512x64xf32> -> vector<512x64xf32>
      %max3A_1298 = arith.constant 0.000000e+00 : f32
      %max3A_1299 = vector.broadcast %max3A_1298 : f32 to vector<512x64xf32>
      %max3A_1300 = arith.maximumf %dot_general3A_1297, %max3A_1299 : vector<512x64xf32>
      %swap3A_1301 = arith.index_cast %multiple_of3A_1248 : i32 to index
      %swap3A_1302 = arith.constant 0 : index
      %swap3A_1303 = vector.load %arg20[%swap3A_1301, %swap3A_1302] : memref<4096x64xf32, #tpu.memory_space<vmem>>, vector<512x64xf32>
      tpu.vector_store %arg20[%swap3A_1301, %swap3A_1302], %max3A_1300 {strides = array<i32>} : memref<4096x64xf32, #tpu.memory_space<vmem>>, vector<512x64xf32>,
      %get3A_1304 = arith.constant 0 : index
      %get3A_1305 = arith.constant 0 : index
      %get3A_1306 = vector.load %arg8[%get3A_1304, %get3A_1305] : memref<64x64xf32, #tpu.memory_space<vmem>>, vector<64x64xf32>
      %dot_general3A_1307 = arith.constant dense<0.000000e+00> : vector<512x64xf32>
      %dot_general3A_1308 = tpu.matmul %max3A_1300, %get3A_1306, %dot_general3A_1307 {dimension_numbers = #tpu.dot_dimension_numbers<[1], [0], [0], [1], [0, 0, 1, 1], [], []>, transpose_lhs_hint = false} : vector<512x64xf32>, vector<64x64xf32>, vector<512x64xf32> -> vector<512x64xf32>
      %max3A_1309 = arith.constant 0.000000e+00 : f32
      %max3A_1310 = vector.broadcast %max3A_1309 : f32 to vector<512x64xf32>
      %max3A_1311 = arith.maximumf %dot_general3A_1308, %max3A_1310 : vector<512x64xf32>
      %reduce_sum3A_1312 = arith.constant dense<0.000000e+00> : vector<64xf32>
      %reduce_sum3A_1313 = vector.multi_reduction <add>, %max3A_1311, %reduce_sum3A_1312 [0] : vector<512x64xf32> to vector<64xf32>
      %broadcast_in_dim3A_1314 = vector.shape_cast %reduce_sum3A_1313 : vector<64xf32> to vector<1x64xf32>
      %add3A_1315 = arith.addf %add3A_1243, %broadcast_in_dim3A_1314 : vector<1x64xf32>
      scf.yield %add3A_1315 : vector<1x64xf32>
    }
    %scan3A_1075 = arith.constant 8 : i32
    %get3A_1076 = arith.constant 0 : index
    %get3A_1077 = arith.constant 0 : index
    %get3A_1078 = vector.load %arg1[%get3A_1076, %get3A_1077] : memref<77x768xf32, #tpu.memory_space<vmem>>, vector<77x768xf32>
    %get3A_1079 = arith.constant 0 : index
    %get3A_1080 = arith.constant 0 : index
    %get3A_1081 = vector.load %arg4[%get3A_1079, %get3A_1080] : memref<768x192xf32, #tpu.memory_space<vmem>>, vector<768x192xf32>
    %dot_general3A_1082 = arith.constant dense<0.000000e+00> : vector<77x192xf32>
    %dot_general3A_1083 = tpu.matmul %get3A_1078, %get3A_1081, %dot_general3A_1082 {dimension_numbers = #tpu.dot_dimension_numbers<[1], [0], [0], [1], [0, 0, 1, 1], [], []>, transpose_lhs_hint = false} : vector<77x768xf32>, vector<768x192xf32>, vector<77x192xf32> -> vector<77x192xf32>
    %get3A_1084 = arith.constant 0 : index
    %get3A_1085 = arith.constant 0 : index
    %get3A_1086 = vector.load %arg6[%get3A_1084, %get3A_1085] : memref<1x192xf32, #tpu.memory_space<vmem>>, vector<1x192xf32>
    %add3A_1087 = vector.broadcast %get3A_1086 : vector<1x192xf32> to vector<77x192xf32>
    %add3A_1088 = arith.addf %dot_general3A_1083, %add3A_1087 : vector<77x192xf32>
    %swap3A_1089 = arith.constant 0 : index
    %swap3A_1090 = arith.constant 0 : index
    %swap3A_1091 = vector.load %arg23[%swap3A_1089, %swap3A_1090] : memref<77x192xf32, #tpu.memory_space<vmem>>, vector<77x192xf32>
    tpu.vector_store %arg23[%swap3A_1089, %swap3A_1090], %add3A_1088 {strides = array<i32>} : memref<77x192xf32, #tpu.memory_space<vmem>>, vector<77x192xf32>,
    %get3A_1092 = arith.constant 0 : index
    %get3A_1093 = arith.constant 0 : index
    %get3A_1094 = vector.load %arg5[%get3A_1092, %get3A_1093] : memref<64x192xf32, #tpu.memory_space<vmem>>, vector<64x192xf32>
    %get3A_1095 = arith.constant 0 : index
    %get3A_1096 = arith.constant 0 : index
    %get3A_1097 = vector.load %arg7[%get3A_1095, %get3A_1096] : memref<1x192xf32, #tpu.memory_space<vmem>>, vector<1x192xf32>
    %broadcast_in_dim3A_1098 = arith.constant 0.000000e+00 : f32
    %broadcast_in_dim3A_1099 = vector.broadcast %broadcast_in_dim3A_1098 : f32 to vector<1x64xf32>
    %scan3A_1100 = arith.constant 0 : i32
    %scan3A_1101 = arith.constant 77 : i32
    %scan3A_1102 = arith.addi %scan3A_1100, %scan3A_1101 : i32
    %scan3A_1103 = arith.constant 1 : i32
    %scan3A_1104 = scf.for %scan3A_1175 = %scan3A_1100 to %scan3A_1102 step %scan3A_1103 iter_args(%scan3A_1176 = %broadcast_in_dim3A_1099) -> (vector<1x64xf32>)  : i32 {
      %get3A_1177 = arith.index_cast %scan3A_1175 : i32 to index
      %get3A_1178 = arith.constant 0 : index
      %get3A_1179 = vector.load %arg23[%get3A_1177, %get3A_1178] : memref<77x192xf32, #tpu.memory_space<vmem>>, vector<1x192xf32>
      %dot_general3A_1180 = arith.constant dense<0.000000e+00> : vector<1x192xf32>
      %dot_general3A_1181 = tpu.matmul %scan3A_1176, %get3A_1094, %dot_general3A_1180 {dimension_numbers = #tpu.dot_dimension_numbers<[1], [0], [0], [1], [0, 0, 1, 1], [], []>, transpose_lhs_hint = false} : vector<1x64xf32>, vector<64x192xf32>, vector<1x192xf32> -> vector<1x192xf32>
      %add3A_1182 = arith.addf %dot_general3A_1181, %get3A_1097 : vector<1x192xf32>
      %slice3A_1183 = vector.extract_strided_slice %get3A_1179 {offsets = [0, 0], sizes = [1, 64], strides = [1, 1]} : vector<1x192xf32> to vector<1x64xf32>
      %slice3A_1184 = vector.extract_strided_slice %add3A_1182 {offsets = [0, 0], sizes = [1, 64], strides = [1, 1]} : vector<1x192xf32> to vector<1x64xf32>
      %add3A_1185 = arith.addf %slice3A_1183, %slice3A_1184 : vector<1x64xf32>
      %logistic3A = arith.negf %add3A_1185 : vector<1x64xf32>
      %logistic3A_1186 = math.exp %logistic3A : vector<1x64xf32>
      %logistic3A_1187 = arith.constant 1.000000e+00 : f32
      %logistic3A_1188 = vector.broadcast %logistic3A_1187 : f32 to vector<1x64xf32>
      %logistic3A_1189 = arith.addf %logistic3A_1188, %logistic3A_1186 : vector<1x64xf32>
      %logistic3A_1190 = arith.divf %logistic3A_1188, %logistic3A_1189 : vector<1x64xf32>
      %slice3A_1191 = vector.extract_strided_slice %get3A_1179 {offsets = [0, 64], sizes = [1, 64], strides = [1, 1]} : vector<1x192xf32> to vector<1x64xf32>
      %slice3A_1192 = vector.extract_strided_slice %add3A_1182 {offsets = [0, 64], sizes = [1, 64], strides = [1, 1]} : vector<1x192xf32> to vector<1x64xf32>
      %add3A_1193 = arith.addf %slice3A_1191, %slice3A_1192 : vector<1x64xf32>
      %logistic3A_1194 = arith.negf %add3A_1193 : vector<1x64xf32>
      %logistic3A_1195 = math.exp %logistic3A_1194 : vector<1x64xf32>
      %logistic3A_1196 = arith.constant 1.000000e+00 : f32
      %logistic3A_1197 = vector.broadcast %logistic3A_1196 : f32 to vector<1x64xf32>
      %logistic3A_1198 = arith.addf %logistic3A_1197, %logistic3A_1195 : vector<1x64xf32>
      %logistic3A_1199 = arith.divf %logistic3A_1197, %logistic3A_1198 : vector<1x64xf32>
      %slice3A_1200 = vector.extract_strided_slice %get3A_1179 {offsets = [0, 128], sizes = [1, 64], strides = [1, 1]} : vector<1x192xf32> to vector<1x64xf32>
      %slice3A_1201 = vector.extract_strided_slice %add3A_1182 {offsets = [0, 128], sizes = [1, 64], strides = [1, 1]} : vector<1x192xf32> to vector<1x64xf32>
      %mul3A_1202 = arith.mulf %logistic3A_1190, %slice3A_1201 : vector<1x64xf32>
      %add3A_1203 = arith.addf %slice3A_1200, %mul3A_1202 : vector<1x64xf32>
      %tanh3A = math.tanh %add3A_1203 : vector<1x64xf32>
      %sub3A_1204 = arith.constant 1.000000e+00 : f32
      %sub3A_1205 = vector.broadcast %sub3A_1204 : f32 to vector<1x64xf32>
      %sub3A_1206 = arith.subf %sub3A_1205, %logistic3A_1199 : vector<1x64xf32>
      %mul3A_1207 = arith.mulf %sub3A_1206, %tanh3A : vector<1x64xf32>
      %mul3A_1208 = arith.mulf %logistic3A_1199, %scan3A_1176 : vector<1x64xf32>
      %add3A_1209 = arith.addf %mul3A_1207, %mul3A_1208 : vector<1x64xf32>
      scf.yield %add3A_1209 : vector<1x64xf32>
    }
    %scan3A_1105 = arith.constant 77 : i32
    %mul3A_1106 = arith.constant 2.44140625E-4 : f32
    %mul3A_1107 = vector.broadcast %mul3A_1106 : f32 to vector<1x64xf32>
    %mul3A_1108 = arith.mulf %scan3A_1074, %mul3A_1107 : vector<1x64xf32>
    %get3A_1109 = arith.constant 0 : index
    %get3A_1110 = arith.constant 0 : index
    %get3A_1111 = vector.load %arg9[%get3A_1109, %get3A_1110] : memref<64x64xf32, #tpu.memory_space<vmem>>, vector<64x64xf32>
    %dot_general3A_1112 = arith.constant dense<0.000000e+00> : vector<1x64xf32>
    %dot_general3A_1113 = tpu.matmul %scan3A_1104, %get3A_1111, %dot_general3A_1112 {dimension_numbers = #tpu.dot_dimension_numbers<[1], [0], [0], [1], [0, 0, 1, 1], [], []>, transpose_lhs_hint = false} : vector<1x64xf32>, vector<64x64xf32>, vector<1x64xf32> -> vector<1x64xf32>
    %get3A_1114 = arith.constant 0 : index
    %get3A_1115 = arith.constant 0 : index
    %get3A_1116 = vector.load %arg10[%get3A_1114, %get3A_1115] : memref<64x64xf32, #tpu.memory_space<vmem>>, vector<64x64xf32>
    %dot_general3A_1117 = arith.constant dense<0.000000e+00> : vector<1x64xf32>
    %dot_general3A_1118 = tpu.matmul %mul3A_1108, %get3A_1116, %dot_general3A_1117 {dimension_numbers = #tpu.dot_dimension_numbers<[1], [0], [0], [1], [0, 0, 1, 1], [], []>, transpose_lhs_hint = false} : vector<1x64xf32>, vector<64x64xf32>, vector<1x64xf32> -> vector<1x64xf32>
    %add3A_1119 = arith.addf %dot_general3A_1113, %dot_general3A_1118 : vector<1x64xf32>
    %max3A_1120 = arith.constant 0.000000e+00 : f32
    %max3A_1121 = vector.broadcast %max3A_1120 : f32 to vector<1x64xf32>
    %max3A_1122 = arith.maximumf %add3A_1119, %max3A_1121 : vector<1x64xf32>
    %get3A_1123 = arith.constant 0 : index
    %get3A_1124 = arith.constant 0 : index
    %get3A_1125 = vector.load %arg11[%get3A_1123, %get3A_1124] : memref<64x64xf32, #tpu.memory_space<vmem>>, vector<64x64xf32>
    %dot_general3A_1126 = arith.constant dense<0.000000e+00> : vector<1x64xf32>
    %dot_general3A_1127 = tpu.matmul %scan3A_1104, %get3A_1125, %dot_general3A_1126 {dimension_numbers = #tpu.dot_dimension_numbers<[1], [0], [0], [1], [0, 0, 1, 1], [], []>, transpose_lhs_hint = false} : vector<1x64xf32>, vector<64x64xf32>, vector<1x64xf32> -> vector<1x64xf32>
    %max3A_1128 = arith.constant 0.000000e+00 : f32
    %max3A_1129 = vector.broadcast %max3A_1128 : f32 to vector<1x64xf32>
    %max3A_1130 = arith.maximumf %dot_general3A_1127, %max3A_1129 : vector<1x64xf32>
    %get3A_1131 = arith.constant 0 : index
    %get3A_1132 = arith.constant 0 : index
    %get3A_1133 = vector.load %arg12[%get3A_1131, %get3A_1132] : memref<64x64xf32, #tpu.memory_space<vmem>>, vector<64x64xf32>
    %dot_general3A_1134 = arith.constant dense<0.000000e+00> : vector<1x64xf32>
    %dot_general3A_1135 = tpu.matmul %max3A_1130, %get3A_1133, %dot_general3A_1134 {dimension_numbers = #tpu.dot_dimension_numbers<[1], [0], [0], [1], [0, 0, 1, 1], [], []>, transpose_lhs_hint = false} : vector<1x64xf32>, vector<64x64xf32>, vector<1x64xf32> -> vector<1x64xf32>
    %get3A_1136 = arith.constant 0 : index
    %get3A_1137 = arith.constant 0 : index
    %get3A_1138 = vector.load %arg20[%get3A_1136, %get3A_1137] : memref<4096x64xf32, #tpu.memory_space<vmem>>, vector<4096x64xf32>
    %get3A_1139 = arith.constant 0 : index
    %get3A_1140 = arith.constant 0 : index
    %get3A_1141 = vector.load %arg13[%get3A_1139, %get3A_1140] : memref<64x64xf32, #tpu.memory_space<vmem>>, vector<64x64xf32>
    %dot_general3A_1142 = arith.constant dense<0.000000e+00> : vector<4096x64xf32>
    %dot_general3A_1143 = tpu.matmul %get3A_1138, %get3A_1141, %dot_general3A_1142 {dimension_numbers = #tpu.dot_dimension_numbers<[1], [0], [0], [1], [0, 0, 1, 1], [], []>, transpose_lhs_hint = false} : vector<4096x64xf32>, vector<64x64xf32>, vector<4096x64xf32> -> vector<4096x64xf32>
    %add3A_1144 = vector.broadcast %dot_general3A_1135 : vector<1x64xf32> to vector<4096x64xf32>
    %add3A_1145 = arith.addf %dot_general3A_1143, %add3A_1144 : vector<4096x64xf32>
    %max3A_1146 = arith.constant 0.000000e+00 : f32
    %max3A_1147 = vector.broadcast %max3A_1146 : f32 to vector<4096x64xf32>
    %max3A_1148 = arith.maximumf %add3A_1145, %max3A_1147 : vector<4096x64xf32>
    %get3A_1149 = arith.constant 0 : index
    %get3A_1150 = arith.constant 0 : index
    %get3A_1151 = vector.load %arg14[%get3A_1149, %get3A_1150] : memref<64x64xf32, #tpu.memory_space<vmem>>, vector<64x64xf32>
    %dot_general3A_1152 = arith.constant dense<0.000000e+00> : vector<1x64xf32>
    %dot_general3A_1153 = tpu.matmul %max3A_1122, %get3A_1151, %dot_general3A_1152 {dimension_numbers = #tpu.dot_dimension_numbers<[1], [0], [0], [1], [0, 0, 1, 1], [], []>, transpose_lhs_hint = false} : vector<1x64xf32>, vector<64x64xf32>, vector<1x64xf32> -> vector<1x64xf32>
    %max3A_1154 = arith.constant 0.000000e+00 : f32
    %max3A_1155 = vector.broadcast %max3A_1154 : f32 to vector<1x64xf32>
    %max3A_1156 = arith.maximumf %dot_general3A_1153, %max3A_1155 : vector<1x64xf32>
    %get3A_1157 = arith.constant 0 : index
    %get3A_1158 = arith.constant 0 : index
    %get3A_1159 = vector.load %arg15[%get3A_1157, %get3A_1158] : memref<64x64xf32, #tpu.memory_space<vmem>>, vector<64x64xf32>
    %dot_general3A_1160 = arith.constant dense<0.000000e+00> : vector<1x64xf32>
    %dot_general3A_1161 = tpu.matmul %max3A_1156, %get3A_1159, %dot_general3A_1160 {dimension_numbers = #tpu.dot_dimension_numbers<[1], [0], [0], [1], [0, 0, 1, 1], [], []>, transpose_lhs_hint = false} : vector<1x64xf32>, vector<64x64xf32>, vector<1x64xf32> -> vector<1x64xf32>
    %get3A_1162 = arith.constant 0 : index
    %get3A_1163 = arith.constant 0 : index
    %get3A_1164 = vector.load %arg16[%get3A_1162, %get3A_1163] : memref<64x64xf32, #tpu.memory_space<vmem>>, vector<64x64xf32>
    %dot_general3A_1165 = arith.constant dense<0.000000e+00> : vector<4096x64xf32>
    %dot_general3A_1166 = tpu.matmul %max3A_1148, %get3A_1164, %dot_general3A_1165 {dimension_numbers = #tpu.dot_dimension_numbers<[1], [0], [0], [1], [0, 0, 1, 1], [], []>, transpose_lhs_hint = false} : vector<4096x64xf32>, vector<64x64xf32>, vector<4096x64xf32> -> vector<4096x64xf32>
    %add3A_1167 = vector.broadcast %dot_general3A_1161 : vector<1x64xf32> to vector<4096x64xf32>
    %add3A_1168 = arith.addf %dot_general3A_1166, %add3A_1167 : vector<4096x64xf32>
    %max3A_1169 = arith.constant 0.000000e+00 : f32
    %max3A_1170 = vector.broadcast %max3A_1169 : f32 to vector<4096x64xf32>
    %max3A_1171 = arith.maximumf %add3A_1168, %max3A_1170 : vector<4096x64xf32>
    %swap3A_1172 = arith.constant 0 : index
    %swap3A_1173 = arith.constant 0 : index
    %swap3A_1174 = vector.load %arg17[%swap3A_1172, %swap3A_1173] : memref<4096x64xf32, #tpu.memory_space<vmem>>, vector<4096x64xf32>
    tpu.vector_store %arg17[%swap3A_1172, %swap3A_1173], %max3A_1171 {strides = array<i32>} : memref<4096x64xf32, #tpu.memory_space<vmem>>, vector<4096x64xf32>,
    return
  }
}

</mosaic_0001>

<sc_bundles>
// kernel: kernel.4.cloned.1.call-start
scs
__scs_entry_jumppad:
0x0: {  	(pc) =	sbr.rel $0x88, $3  }
0x1: {  	(tag) =	ssettag $0x0;
	lr =	simm.s32 $0x1  }
0x2: {  	[smem:$0x3F8D] =	sst lr;
	_ =	strace $0xD0000000  }
0x3: {  	_ = 	snop  }
0x4: {  	_ = 	snop  }
0x5: {  	_ = 	snop  }
0x6: {  	_ = 	snop  }
0x7: {  	_ = 	snop  }
__scs_overlays_trampoline_lowered:
0x8: {  	[smem:$0x3F9C] =	sst s0  }
0x9: {  	[smem:$0x3F9D] =	sst s1  }
0xa: {  	[smem:$0x3F9E] =	sst s2  }
0xb: {  	[smem:$0x3F9F] =	sst s3  }
0xc: {  	[smem:$0x3FA0] =	sst s4  }
0xd: {  	[smem:$0x3FA1] =	sst s5  }
0xe: {  	[smem:$0x3FA2] =	sst s6  }
0xf: {  	[smem:$0x3FA3] =	sst s7  }
0x10: {  	[smem:$0x3FA4] =	sst s8  }
0x11: {  	[smem:$0x3FA5] =	sst s9;
	s0 =	simm.s32 @!p0 $0x0  }
0x12: {  	s1 =	sld [smem:$0x3F8B];
	s0 =	simm.s32 @p0 $0x1  }
0x13: {  	[smem:$0x3FA6] =	sst s0;
	s0 =	simm.s32 @!p1 $0x0  }
0x14: {  	s2 =	sld [smem:$0x3F8A];
	s0 =	simm.s32 @p1 $0x1  }
0x15: {  	[smem:$0x3FA7] =	sst s0;
	s0 =	simm.s32 @!p2 $0x0  }
0x16: {  	s3 =	sld [smem:$0x3FDB];
	s0 =	simm.s32 @p2 $0x1  }
0x17: {  	s4 =	simm.s32 $0x1BF5;
	[smem:$0x3FA9] =	sst s0  }
0x18: {  	s0 =	sld [smem:$0x3F8C];
	_ =	swait.ge [sflag:s4], $0x0  }
0x19: {  	s7 =	sld [smem:$0x3F8D]  }
0x1a: {  	s8 =	sadd.s32 $0xFFFFE003, lr  }
0x1b: {  	s9 =	sadd.s32 $0xFFFFFEF7, lr;
	s5 =	simm.s32 $0xFFFFFFFF;
	p2 =	slt.u32 s8, $0xFFFFF086  }
0x1c: {  	p1 =	slt.u32 s9, $0xF7A;
	s5 =	simm.s32 @!p2 $0x0  }
0x1d: {  	s5 =	simm.s32 @p1 $0x1;
	p0 =	seq.s32 s7, s2  }
0x1e: {  	s7 =	smul.u32 @!p0 $0xF7A, s2;
	p2 =	seq.s32 @!p0 s5, $0x0  }
0x1f: {  	s9 =	smul.u32 $0xF7A, s1;
	s8 =	simm.s32 @!p0 $0x1BF5;
	p2 =	por !p2, p0  }
0x20: {  	[sflag:s8] =	ssyncset.s32 @!p0 $0xFFFFF086;
	s6 =	sadd.s32 @!p0 s3, s7;
	s7 =	simm.s32 @!p0 $0x108  }
0x21: {  	s3 =	sadd.s32 s3, s9;
	s6 =	sadd.s32 @!p0 $0x88, s6;
	s7 =	simm.s32 @p2 $0x1082  }
0x22: {  	[simem:s7], [sflag:s8] =	dma.local @!p0 [hbm:s6], $0xF7A  }
0x23: {  	s9 =	sor.u32 $0xD0000000, s2;
	s6 =	simm.s32 $0x108;
	_ =	swait.ge @!p0 [sflag:s8], $0x0  }
0x24: {  	s3 =	sadd.s32 $0x88, s3;
	s6 =	simm.s32 @!p1 $0x1082;
	[sflag:s4] =	ssyncset.s32 $0xFFFFF086  }
0x25: {  	[simem:s6], [sflag:s4] =	dma.local [hbm:s3], $0xF7A  }
0x26: {  	[smem:$0x3F8D] =	sst s1;
	(tag) =	ssettag s2;
	_ =	strace s9  }
0x27: {  	s1 =	sld [smem:$0x3F9D]  }
0x28: {  	s2 =	sld [smem:$0x3F9E]  }
0x29: {  	s4 =	sld [smem:$0x3FA0]  }
0x2a: {  	p0 =	seq.s32 s5, $0x0;
	s5 =	sld [smem:$0x3FA1]  }
0x2b: {  	s6 =	sld [smem:$0x3FA2]  }
0x2c: {  	s7 =	sld [smem:$0x3FA3]  }
0x2d: {  	s3 =	simm.s32 $0x108;
	s8 =	sld [smem:$0x3FA4]  }
0x2e: {  	s3 =	simm.s32 @!p0 $0x1082;
	s9 =	sld [smem:$0x3FA5]  }
0x2f: {  	lr =	sadd.s32 s0, s3;
	s0 =	sld [smem:$0x3F9C]  }
0x30: {  	s3 =	sld [smem:$0x3F9F]  }
0x31: {  	[smem:$0x3FA8] =	sst s10  }
0x32: {  	s10 =	sld [smem:$0x3FA6];
	_ =	sdelay $0x3  }
0x33: {  	p0 =	seq.s32 s10, $0x1;
	s10 =	sld [smem:$0x3FA8];
	_ =	sdelay $0x3  }
0x34: {  	[smem:$0x3FA8] =	sst s10  }
0x35: {  	s10 =	sld [smem:$0x3FA7];
	_ =	sdelay $0x3  }
0x36: {  	p1 =	seq.s32 s10, $0x1;
	s10 =	sld [smem:$0x3FA8];
	_ =	sdelay $0x3  }
0x37: {  	[smem:$0x3FA8] =	sst s10  }
0x38: {  	s10 =	sld [smem:$0x3FA9]  }
0x39: {  	_ = 	snop;
	(pc) =	sbr.ind lr, $3  }
0x3a: {  	_ = 	snop  }
0x3b: {  	_ = 	snop  }
0x3c: {  	p2 =	seq.s32 s10, $0x1;
	s10 =	sld [smem:$0x3FA8]  }
0x3d: {  	_ =	shalt  }
0x3e: {  	_ =	shalt  }
0x3f: {  	_ =	shalt  }
0x40: {  	_ =	shalt  }
0x41: {  	_ =	shalt  }
0x42: {  	_ =	shalt  }
0x43: {  	_ =	shalt  }
0x44: {  	_ =	shalt  }
0x45: {  	_ =	shalt  }
0x46: {  	_ =	shalt  }
0x47: {  	_ =	shalt  }
0x48: {  	_ =	shalt  }
0x49: {  	_ =	shalt  }
0x4a: {  	_ =	shalt  }
0x4b: {  	_ =	shalt  }
0x4c: {  	_ =	shalt  }
0x4d: {  	_ =	shalt  }
0x4e: {  	_ =	shalt  }
0x4f: {  	_ =	shalt  }
0x50: {  	_ =	shalt  }
0x51: {  	_ =	shalt  }
0x52: {  	_ =	shalt  }
0x53: {  	_ =	shalt  }
0x54: {  	_ =	shalt  }
0x55: {  	_ =	shalt  }
0x56: {  	_ =	shalt  }
0x57: {  	_ =	shalt  }
0x58: {  	_ =	shalt  }
0x59: {  	_ =	shalt  }
0x5a: {  	_ =	shalt  }
0x5b: {  	_ =	shalt  }
0x5c: {  	_ =	shalt  }
0x5d: {  	_ =	shalt  }
0x5e: {  	_ =	shalt  }
0x5f: {  	_ =	shalt  }
0x60: {  	_ =	shalt  }
0x61: {  	_ =	shalt  }
0x62: {  	_ =	shalt  }
0x63: {  	_ =	shalt  }
0x64: {  	_ =	shalt  }
0x65: {  	_ =	shalt  }
0x66: {  	_ =	shalt  }
0x67: {  	_ =	shalt  }
0x68: {  	_ =	shalt  }
0x69: {  	_ =	shalt  }
0x6a: {  	_ =	shalt  }
0x6b: {  	_ =	shalt  }
0x6c: {  	_ =	shalt  }
0x6d: {  	_ =	shalt  }
0x6e: {  	_ =	shalt  }
0x6f: {  	_ =	shalt  }
0x70: {  	_ =	shalt  }
0x71: {  	_ =	shalt  }
0x72: {  	_ =	shalt  }
0x73: {  	_ =	shalt  }
0x74: {  	_ =	shalt  }
0x75: {  	_ =	shalt  }
0x76: {  	_ =	shalt  }
0x77: {  	_ =	shalt  }
0x78: {  	_ =	shalt  }
0x79: {  	_ =	shalt  }
0x7a: {  	_ =	shalt  }
0x7b: {  	_ =	shalt  }
0x7c: {  	_ =	shalt  }
0x7d: {  	_ =	shalt  }
0x7e: {  	_ =	shalt  }
0x7f: {  	_ =	shalt  }
0x80: {  	_ =	shalt  }
0x81: {  	_ =	shalt  }
0x82: {  	_ =	shalt  }
0x83: {  	_ =	shalt  }
0x84: {  	_ =	shalt  }
0x85: {  	_ =	shalt  }
0x86: {  	_ =	shalt  }
0x87: {  	_ =	shalt  }
.Lfunc_end0:
.L_simem_size_0:
called_computation_lowered:
.L_overlay_start_0:
0x88: {  	s2 =	sld [smem:$0x3FD9]  }
0x89: {  	s3 =	sld [smem:$0x3FFE];
	_ =	sdelay $0x1  }
0x8a: {  	s1 =	srdreg.scid  }
0x8b: {  	s0 =	sand.u32 $0x1, s1  }
0x8c: {  	s17 =	sshll.u32 s0, $0xA;
	s2 =	sadd.s32 s3, s2  }
0x8d: {  	s2 =	sadd.s32 s2, s17  }
0x8e: {  	[smem:$0x3FB4] =	sst s2  }
0x8f: {  	_ = 	snop  }
0x90: {  	s2 =	sld [smem:$0x3FB7];
	(tm) =	ssettm $0x1  }
0x91: {  	s18 =	sld [smem:$0x3FFB];
	_ =	sdelay $0x3  }
0x92: {  	_ =	strace s18  }
0x93: {  	s3 =	sld [smem:$0x3FFC];
	_ =	sdelay $0x3  }
0x94: {  	_ =	strace s3  }
0x95: {  	s3 =	sld [smem:$0x3FFD];
	_ =	sdelay $0x3  }
0x96: {  	_ =	strace s3  }
0x97: {  	_ =	strace $0x8FFFFFFF  }
0x98: {  	s19 =	sld [smem:$0x3FDB];
	_ =	sdelay $0x1  }
0x99: {  	s4 =	simm.s32 $_scs_section_size  }
0x9a: {  	s5 =	simm.s32 $_size__tile_overlayer_lowered;
	s6 =	simm.s32 $_tile_overlayer_lowered  }
0x9b: {  	s22 =	simm.s32 $0x1BFF;
	s21 =	sshll.u32 s6, $0x1;
	s3 =	sadd.s32 s4, s19  }
0x9c: {  	s7 =	simm.s32 $0x0;
	s20 =	sshll.u32 s5, $0x1;
	s5 =	sadd.s32 s21, s3  }
0x9d: {  	[timem:s7], [sflag:s22] =	dma.local [hbm:s5], s20  }
0x9e: {  	_ =	swait.ge [sflag:s22], s20  }
0x9f: {  	s4 =	ssub.s32 $0x0, s20;
	[sflag:s22] =	ssyncset.done $0x0  }
0xa0: {  	[sflag:s22] =	ssyncadd.s32 s4;
	_ =	sdelay $0x1  }
0xa1: {  	s23 =	simm.s32 $0x1B8B  }
0xa2: {  	_ =	swait.ge [sflag:s23], $0x1  }
0xa3: {  	[sflag:s23] =	ssyncset.done $0x0  }
0xa4: {  	s25 =	simm.s32 $0x1B8E;
	s24 =	sld [smem:$0x3FFE];
	[sflag:s23] =	ssyncadd.s32 $0xFFFFFFFF  }
0xa5: {  	s26 =	simm.s32 $execute0_lowered;
	[smem:$0x3FD2] =	sst s25  }
0xa6: {  	s5 =	sshll.u32 s26, $0x1;
	_ =	strace $0x80000046;
	[dreg:$0x1] =	wrdreg $0xFFFFFFFF  }
0xa7: {  	s28 =	simm.s32 $_size_execute0_lowered;
	s3 =	sadd.s32 s3, s5;
	[dreg:$0x0] =	wrdreg $0x0  }
0xa8: {  	s5 =	sshll.u32 s28, $0x1;
	[dreg:$0x2] =	wrdreg s3  }
0xa9: {  	[dreg:$0x3] =	wrdreg s5  }
0xaa: {  	[dreg:$0x4] =	wrdreg $0xC0  }
0xab: {  	_ =	task [dreg:s7], $0x5FFFF  }
0xac: {  	[dreg:$0x1] =	wrdreg $0xFFFFFFFF  }
0xad: {  	[dreg:$0x0] =	wrdreg $0x60  }
0xae: {  	[dreg:$0x2] =	wrdreg s24  }
0xaf: {  	[dreg:$0x3] =	wrdreg s2  }
0xb0: {  	[dreg:$0x4] =	wrdreg $0x9  }
0xb1: {  	_ =	task.clear_ibuf [dreg:s7], $0x5FFFF;
	_ =	strace $0x90000046  }
0xb2: {  	s29 =	simm.s32 $0x9;
	_ =	strace $0x80000048  }
0xb3: {  	_ =	swait.ge [sflag:s29], $0x1  }
0xb4: {  	[sflag:s29] =	ssyncadd.s32 $0xFFFFFFFF  }
0xb5: {  	_ =	strace $0x90000048  }
0xb6: {  	_ =	sfence  }
0xb7: {  	s30 =	sld [smem:$0x0];
	_ =	sdelay $0x2  }
0xb8: {  	s31 =	sshll.u32 s1, $0xD;
	s1 =	sshrl.u32 s1, $0x2  }
0xb9: {  	s3 =	sand.u32 $0x4000, s31;
	s1 =	sadd.s32 s1, s30  }
0xba: {  	s0 =	sor.u32 s3, s0;
	s1 =	sshll.u32 s1, $0x11  }
0xbb: {  	s0 =	sor.u32 s1, s0  }
0xbc: {  	s0 =	sadd.s32 $0x8F2B, s0  }
0xbd: {  	[sflag:s0] =	ssyncadd.remote.s32 $0x1  }
0xbe: {  	_ =	sfence.sel $0xFFFF  }
0xbf: {  	[dreg:$0x0] =	wrdreg $0xFFFFFFFF;
	(pc) =	sbr.abs _section_cstart, $3  }
0xc0: {  	[dreg:$0x1] =	wrdreg $0xFFFFFFFF  }
0xc1: {  	_ =	task.clear_ibuf [dreg:s7], $0x2FFFF;
	_ =	strace $0x9FFFFFFF  }
0xc2: {  	(tm) =	ssettm $0x7FFFFFFF  }
0xc3: {  	_ =	shalt  }
tec
execute0_lowered:
.L_overlay_start_1:
0x0: {  	(tag) =	ssettag $0x1  }
0x1: {  	s6 =	rddreg [dreg:$0x0];
	s1 =	srdreg.scid  }
0x2: {  	s0 =	stileid.u32;
	s2 =	rddreg [dreg:$0x1];
	s3 =	simm.s32 $0x0  }
0x3: {  	s11 =	simm.s32 $0x1080;
	s12 =	simm.s32 $0x40;
	s13 =	simm.s32 $0x1  }
0x4: {  	s4 =	sand.u32 $0x1, s1;
	s5 =	sshll.u32 s0, $0x1;
	s1 =	rddreg [dreg:$0x2]  }
0x5: {  	s14 =	simm.s32 $0x1090;
	[smem:$0x7FF] =	sst s3;
	s5 =	sor.u32 s4, s5  }
0x6: {  	_ =	strace $0x80000047;
	s8 =	ssub.s32 $0x2, s4;
	s4 =	sadd.s32 $0x2000, s6  }
0x7: {  	s7 =	sshll.u32 s5, $0x3;
	s9 =	sshll.u32 s5, $0x1;
	s10 =	sshrl.u32 s8, $0x1  }
0x8: {  	s5 =	sadd.s32 $0xA200, s6;
	s7 =	sadd.s32 s7, s6;
	s9 =	sadd.s32 s9, s6  }
0x9: {  	s8 =	ssub.s32 s8, s10;
	s10 =	simm.s32 $0x2;
	s6 =	sadd.s32 $0xA000, s7  }
0xa: {  	s7 =	sadd.s32 $0xA400, s9;
	s8 =	smax.u32 s8, $0x1;
	s9 =	simm.s32 $0x1040  }
.LBB2_1:
0xb: {  	[tilespmem:s9], [sflag:$0x2] =	stream.linear.gather [hbm4b:s2+s3], $0x40, $0x38;
	[tilespmem:$0x10A0] =	vst v63  }
0xc: {  	_ =	swait.ge [sflag:s10], $0x40  }
0xd: {  	[sflag:s10] =	ssyncset.done $0x0  }
0xe: {  	[sflag:s10] =	ssyncadd.s32 $0xFFFFFFC0  }
0xf: {  	[tilespmem:s11], [sflag:$0x2] =	stream.linear.gather [hbm4b:s5+s3], $0x10, $0x38;
	[tilespmem:$0x10A0] =	vst v63  }
0x10: {  	_ =	swait.ge [sflag:s10], $0x10  }
0x11: {  	[sflag:s10] =	ssyncset.done $0x0  }
0x12: {  	[sflag:s10] =	ssyncadd.s32 $0xFFFFFFF0  }
0x13: {  	[tilespmem:s3], [sflag:$0x2] =	stream.linear.gather [hbm4b:s6+s3], $0x40, $0x38;
	[tilespmem:$0x10A0] =	vst v63  }
0x14: {  	_ =	swait.ge [sflag:s10], $0x40  }
0x15: {  	[sflag:s10] =	ssyncset.done $0x0  }
0x16: {  	[sflag:s10] =	ssyncadd.s32 $0xFFFFFFC0  }
0x17: {  	[tilespmem:s12], [sflag:$0x1] =	stream.indirect.gather [hbm4b:s4+s12], $0x40, s3, s12, $0xb8;
	[tilespmem:$0x10A0] =	vst v63  }
0x18: {  	_ =	swait.ge [sflag:s13], $0x1000  }
0x19: {  	[sflag:s13] =	ssyncset.done $0x0  }
0x1a: {  	[sflag:s13] =	ssyncadd.s32 $0xFFFFF000  }
0x1b: {  	v13 =	vld [tilespmem:$0x40]  }
0x1c: {  	v14 =	vld [tilespmem:$0x80]  }
0x1d: {  	v16 =	vld [tilespmem:$0xC0]  }
0x1e: {  	v17 =	vld [tilespmem:$0x100]  }
0x1f: {  	v46 =	vld [tilespmem:$0x140]  }
0x20: {  	v19 =	vld [tilespmem:$0x180]  }
0x21: {  	v21 =	vld [tilespmem:$0x1C0]  }
0x22: {  	v22 =	vld [tilespmem:$0x200]  }
0x23: {  	v24 =	vld [tilespmem:$0x240]  }
0x24: {  	v26 =	vld [tilespmem:$0x280]  }
0x25: {  	v28 =	vld [tilespmem:$0x2C0]  }
0x26: {  	v30 =	vld [tilespmem:$0x300]  }
0x27: {  	v32 =	vld [tilespmem:$0x340]  }
0x28: {  	v34 =	vld [tilespmem:$0x380]  }
0x29: {  	v36 =	vld [tilespmem:$0x3C0]  }
0x2a: {  	v38 =	vld [tilespmem:$0x400]  }
0x2b: {  	v40 =	vld [tilespmem:$0x440]  }
0x2c: {  	v42 =	vld [tilespmem:$0x480]  }
0x2d: {  	v44 =	vld [tilespmem:$0x4C0]  }
0x2e: {  	v47 =	vld [tilespmem:$0x500]  }
0x2f: {  	v49 =	vld [tilespmem:$0x540]  }
0x30: {  	v51 =	vld [tilespmem:$0x580]  }
0x31: {  	v53 =	vld [tilespmem:$0x5C0]  }
0x32: {  	v55 =	vld [tilespmem:$0x600]  }
0x33: {  	v57 =	vld [tilespmem:$0x640]  }
0x34: {  	v59 =	vld [tilespmem:$0x680]  }
0x35: {  	v61 =	vld [tilespmem:$0x6C0]  }
0x36: {  	v0 =	vld [tilespmem:$0x700]  }
0x37: {  	v56 =	vld [tilespmem:$0x740]  }
0x38: {  	v58 =	vld [tilespmem:$0x780]  }
0x39: {  	v60 =	vld [tilespmem:$0x7C0]  }
0x3a: {  	v62 =	vld [tilespmem:$0x800]  }
0x3b: {  	v63 =	vld [tilespmem:$0x840]  }
0x3c: {  	v4 =	vld [tilespmem:$0x880]  }
0x3d: {  	v5 =	vld [tilespmem:$0x8C0]  }
0x3e: {  	v6 =	vld [tilespmem:$0x900]  }
0x3f: {  	v7 =	vld [tilespmem:$0x940]  }
0x40: {  	v8 =	vld [tilespmem:$0x980]  }
0x41: {  	v9 =	vld [tilespmem:$0x9C0]  }
0x42: {  	v10 =	vld [tilespmem:$0xA00]  }
0x43: {  	v11 =	vld [tilespmem:$0xA40]  }
0x44: {  	v12 =	vld [tilespmem:$0xA80]  }
0x45: {  	v15 =	vld [tilespmem:$0xAC0]  }
0x46: {  	v18 =	vld [tilespmem:$0xB00]  }
0x47: {  	v20 =	vld [tilespmem:$0xB40]  }
0x48: {  	v23 =	vld [tilespmem:$0xB80]  }
0x49: {  	v25 =	vld [tilespmem:$0xBC0]  }
0x4a: {  	v27 =	vld [tilespmem:$0xC00]  }
0x4b: {  	v29 =	vld [tilespmem:$0xC40]  }
0x4c: {  	v31 =	vld [tilespmem:$0xC80]  }
0x4d: {  	v33 =	vld [tilespmem:$0xCC0]  }
0x4e: {  	v35 =	vld [tilespmem:$0xD00]  }
0x4f: {  	v37 =	vld [tilespmem:$0xD40]  }
0x50: {  	v39 =	vld [tilespmem:$0xD80]  }
0x51: {  	v41 =	vld [tilespmem:$0xDC0]  }
0x52: {  	v43 =	vld [tilespmem:$0xE00]  }
0x53: {  	v45 =	vld [tilespmem:$0xE40]  }
0x54: {  	v48 =	vld [tilespmem:$0xE80]  }
0x55: {  	[tilespmem:$0x1FC30] =	vst v63;
	v63 =	vld [tilespmem:$0x950]  }
0x56: {  	v50 =	vld [tilespmem:$0xEC0]  }
0x57: {  	v52 =	vld [tilespmem:$0xF00]  }
0x58: {  	v54 =	vld [tilespmem:$0xF40]  }
0x59: {  	v1 =	vld [tilespmem:$0x90]  }
0x5a: {  	[tilespmem:$0x1FCB0] =	vst v63;
	v63 =	vld [tilespmem:$0x990]  }
0x5b: {  	v2 =	vld [tilespmem:$0xD0]  }
0x5c: {  	v3 =	vld [tilespmem:$0x110]  }
0x5d: {  	[tilespmem:$0x1FBF0] =	vst v56;
	v56 =	vld [tilespmem:$0xF80]  }
0x5e: {  	[tilespmem:$0x1FC00] =	vst v58;
	v58 =	vld [tilespmem:$0xFC0]  }
0x5f: {  	[tilespmem:$0x1FCD0] =	vst v63;
	v63 =	vld [tilespmem:$0x9D0]  }
0x60: {  	[tilespmem:$0x1FC10] =	vst v60;
	v60 =	vld [tilespmem:$0x1000]  }
0x61: {  	[tilespmem:$0x1FC20] =	vst v62;
	v62 =	vld [tilespmem:$0x1040]  }
0x62: {  	[tilespmem:$0x1FBE0] =	vst v0;
	v0 =	vld [tilespmem:$0x50]  }
0x63: {  	[tilespmem:$0x1FC40] =	vst v4;
	v4 =	vld [tilespmem:$0x150]  }
0x64: {  	[tilespmem:$0x1FCF0] =	vst v63;
	v63 =	vld [tilespmem:$0xA10]  }
0x65: {  	[tilespmem:$0x1FC50] =	vst v5;
	v5 =	vld [tilespmem:$0x190]  }
0x66: {  	[tilespmem:$0x1FC60] =	vst v6;
	v6 =	vld [tilespmem:$0x1D0]  }
0x67: {  	[tilespmem:$0x1FC70] =	vst v7;
	v7 =	vld [tilespmem:$0x210]  }
0x68: {  	[tilespmem:$0x1FC80] =	vst v8;
	v8 =	vld [tilespmem:$0x250]  }
0x69: {  	[tilespmem:$0x1FD10] =	vst v63;
	v63 =	vld [tilespmem:$0xA50]  }
0x6a: {  	[tilespmem:$0x1FC90] =	vst v9;
	v9 =	vld [tilespmem:$0x290]  }
0x6b: {  	[tilespmem:$0x1FCA0] =	vst v10;
	v10 =	vld [tilespmem:$0x2D0]  }
0x6c: {  	[tilespmem:$0x1FCC0] =	vst v11;
	v11 =	vld [tilespmem:$0x310]  }
0x6d: {  	[tilespmem:$0x1FCE0] =	vst v12;
	v12 =	vld [tilespmem:$0x350]  }
0x6e: {  	[tilespmem:$0x1FD30] =	vst v63;
	v63 =	vld [tilespmem:$0xA90]  }
0x6f: {  	[tilespmem:$0x1FD00] =	vst v15;
	v15 =	vld [tilespmem:$0x390]  }
0x70: {  	[tilespmem:$0x1FD20] =	vst v18;
	v18 =	vld [tilespmem:$0x3D0]  }
0x71: {  	[tilespmem:$0x1FD40] =	vst v20;
	v20 =	vld [tilespmem:$0x410]  }
0x72: {  	[tilespmem:$0x1FD60] =	vst v23;
	v23 =	vld [tilespmem:$0x450]  }
0x73: {  	[tilespmem:$0x1FD50] =	vst v63;
	v63 =	vld [tilespmem:$0xAD0]  }
0x74: {  	[tilespmem:$0x1FD80] =	vst v25;
	v25 =	vld [tilespmem:$0x490]  }
0x75: {  	[tilespmem:$0x1FDA0] =	vst v27;
	v27 =	vld [tilespmem:$0x4D0]  }
0x76: {  	[tilespmem:$0x1FDC0] =	vst v29;
	v29 =	vld [tilespmem:$0x510]  }
0x77: {  	[tilespmem:$0x1FDE0] =	vst v31;
	v31 =	vld [tilespmem:$0x550]  }
0x78: {  	[tilespmem:$0x1FD70] =	vst v63;
	v63 =	vld [tilespmem:$0xB10]  }
0x79: {  	[tilespmem:$0x1FE00] =	vst v33;
	v33 =	vld [tilespmem:$0x590]  }
0x7a: {  	[tilespmem:$0x1FE20] =	vst v35;
	v35 =	vld [tilespmem:$0x5D0]  }
0x7b: {  	[tilespmem:$0x1FE40] =	vst v37;
	v37 =	vld [tilespmem:$0x610]  }
0x7c: {  	[tilespmem:$0x1FE60] =	vst v39;
	v39 =	vld [tilespmem:$0x650]  }
0x7d: {  	[tilespmem:$0x1FD90] =	vst v63;
	v63 =	vld [tilespmem:$0xB50]  }
0x7e: {  	[tilespmem:$0x1FE80] =	vst v41;
	v41 =	vld [tilespmem:$0x690]  }
0x7f: {  	[tilespmem:$0x1FEA0] =	vst v43;
	v43 =	vld [tilespmem:$0x6D0]  }
0x80: {  	[tilespmem:$0x1FEC0] =	vst v45;
	v45 =	vld [tilespmem:$0x710]  }
0x81: {  	[tilespmem:$0x1FEE0] =	vst v48;
	v48 =	vld [tilespmem:$0x750]  }
0x82: {  	[tilespmem:$0x1FDB0] =	vst v63;
	v63 =	vld [tilespmem:$0xB90]  }
0x83: {  	[tilespmem:$0x1FF00] =	vst v50;
	v50 =	vld [tilespmem:$0x790]  }
0x84: {  	[tilespmem:$0x1FF20] =	vst v52;
	v52 =	vld [tilespmem:$0x7D0];
	v13 =	vadd.f32 $0.0e+00, v13  }
0x85: {  	[tilespmem:$0x1FF40] =	vst v54;
	v54 =	vld [tilespmem:$0x810]  }
0x86: {  	v13 =	vadd.f32 v14, v13;
	v14 =	vld [tilespmem:$0xA0]  }
0x87: {  	[tilespmem:$0x1FDD0] =	vst v63;
	v63 =	vld [tilespmem:$0xBD0]  }
0x88: {  	v13 =	vadd.f32 v16, v13;
	v16 =	vld [tilespmem:$0xF50]  }
0x89: {  	[tilespmem:$0x1FF60] =	vst v56;
	v56 =	vld [tilespmem:$0x850]  }
0x8a: {  	[tilespmem:$0x1FF80] =	vst v58;
	v58 =	vld [tilespmem:$0x890]  }
0x8b: {  	[tilespmem:$0x1FFA0] =	vst v60;
	v60 =	vld [tilespmem:$0x8D0]  }
0x8c: {  	[tilespmem:$0x1FDF0] =	vst v63;
	v63 =	vld [tilespmem:$0xC10]  }
0x8d: {  	[tilespmem:$0x1FFE0] =	vst v62;
	v62 =	vld [tilespmem:$0x910];
	v13 =	vadd.f32 v17, v13  }
0x8e: {  	v0 =	vadd.f32 $0.0e+00, v0;
	v17 =	vld [tilespmem:$0x1010]  }
0x8f: {  	v13 =	vadd.f32 v46, v13;
	v46 =	vld [tilespmem:$0x1050]  }
0x90: {  	v0 =	vadd.f32 v1, v0;
	[tilespmem:$0x1FFB0] =	vst v16;
	v16 =	vld [tilespmem:$0xFD0]  }
0x91: {  	[tilespmem:$0x1FE10] =	vst v63;
	v63 =	vld [tilespmem:$0xC50]  }
0x92: {  	v0 =	vadd.f32 v2, v0;
	v2 =	vld [tilespmem:$0x70]  }
0x93: {  	v19 =	vadd.f32 v19, v13;
	v13 =	vld [tilespmem:$0x2F0]  }
0x94: {  	v0 =	vadd.f32 v3, v0;
	v3 =	vld [tilespmem:$0xB0]  }
0x95: {  	[tilespmem:$0x1FFF0] =	vst v17;
	v17 =	vld [tilespmem:$0x360]  }
0x96: {  	v1 =	vadd.f32 v21, v19;
	[tilespmem:$0x1FE30] =	vst v63;
	v63 =	vld [tilespmem:$0xC90]  }
0x97: {  	v21 =	vld [tilespmem:$0xF0];
	v0 =	vadd.f32 v4, v0  }
0x98: {  	v19 =	vld [tilespmem:$0x1A0];
	v1 =	vadd.f32 v22, v1  }
0x99: {  	[tilespmem:$0x1FFD0] =	vst v16;
	v16 =	vld [tilespmem:$0xE0];
	v2 =	vadd.f32 $0.0e+00, v2;
	v0 =	vadd.f32 v5, v0  }
0x9a: {  	v22 =	vld [tilespmem:$0x120];
	v1 =	vadd.f32 v24, v1  }
0x9b: {  	v2 =	vadd.f32 v3, v2;
	v0 =	vadd.f32 v6, v0;
	[tilespmem:$0x1FE50] =	vst v63;
	v63 =	vld [tilespmem:$0xCD0]  }
0x9c: {  	v24 =	vld [tilespmem:$0x130];
	v1 =	vadd.f32 v26, v1  }
0x9d: {  	v2 =	vadd.f32 v21, v2;
	v21 =	vld [tilespmem:$0x1B0];
	v0 =	vadd.f32 v7, v0  }
0x9e: {  	v26 =	vld [tilespmem:$0x220];
	v1 =	vadd.f32 v28, v1  }
0x9f: {  	v28 =	vld [tilespmem:$0x230];
	v0 =	vadd.f32 v8, v0  }
0xa0: {  	v1 =	vadd.f32 v30, v1;
	[tilespmem:$0x1FE70] =	vst v63;
	v63 =	vld [tilespmem:$0xD10]  }
0xa1: {  	v2 =	vadd.f32 v24, v2;
	v24 =	vld [tilespmem:$0x1F0];
	v0 =	vadd.f32 v9, v0  }
0xa2: {  	v30 =	vld [tilespmem:$0x260];
	v1 =	vadd.f32 v32, v1  }
0xa3: {  	v32 =	vld [tilespmem:$0x270];
	v0 =	vadd.f32 v10, v0  }
0xa4: {  	v1 =	vadd.f32 v34, v1;
	v34 =	vld [tilespmem:$0x2A0]  }
0xa5: {  	v0 =	vadd.f32 v11, v0;
	[tilespmem:$0x1FE90] =	vst v63;
	v63 =	vld [tilespmem:$0xD50]  }
0xa6: {  	v1 =	vadd.f32 v36, v1;
	v36 =	vld [tilespmem:$0x2B0]  }
0xa7: {  	v0 =	vadd.f32 v12, v0;
	v12 =	vld [tilespmem:$0x1FC30]  }
0xa8: {  	v1 =	vadd.f32 v38, v1;
	v38 =	vld [tilespmem:$0x5E0]  }
0xa9: {  	v0 =	vadd.f32 v15, v0;
	v15 =	vld [tilespmem:$0x1FC40]  }
0xaa: {  	[tilespmem:$0x1FEB0] =	vst v63;
	v63 =	vld [tilespmem:$0xD90]  }
0xab: {  	v1 =	vadd.f32 v40, v1;
	v40 =	vld [tilespmem:$0x1FBF0]  }
0xac: {  	v0 =	vadd.f32 v18, v0;
	v18 =	vld [tilespmem:$0x370]  }
0xad: {  	v1 =	vadd.f32 v42, v1;
	v42 =	vld [tilespmem:$0x620]  }
0xae: {  	v0 =	vadd.f32 v20, v0;
	v20 =	vld [tilespmem:$0x3B0]  }
0xaf: {  	[tilespmem:$0x1FED0] =	vst v63;
	v63 =	vld [tilespmem:$0xDD0]  }
0xb0: {  	v1 =	vadd.f32 v44, v1;
	v44 =	vld [tilespmem:$0x630]  }
0xb1: {  	v0 =	vadd.f32 v23, v0;
	v23 =	vld [tilespmem:$0x420]  }
0xb2: {  	v1 =	vadd.f32 v47, v1;
	v47 =	vld [tilespmem:$0x1FC00]  }
0xb3: {  	v0 =	vadd.f32 v25, v0;
	v25 =	vld [tilespmem:$0x460]  }
0xb4: {  	[tilespmem:$0x1FEF0] =	vst v63;
	v63 =	vld [tilespmem:$0xE10]  }
0xb5: {  	v1 =	vadd.f32 v49, v1;
	v49 =	vld [tilespmem:$0x660]  }
0xb6: {  	v0 =	vadd.f32 v27, v0;
	v27 =	vld [tilespmem:$0x4A0]  }
0xb7: {  	v1 =	vadd.f32 v51, v1;
	v51 =	vld [tilespmem:$0x670]  }
0xb8: {  	v0 =	vadd.f32 v29, v0;
	v29 =	vld [tilespmem:$0x4E0]  }
0xb9: {  	[tilespmem:$0x1FF10] =	vst v63;
	v63 =	vld [tilespmem:$0xE50]  }
0xba: {  	v1 =	vadd.f32 v53, v1;
	v53 =	vld [tilespmem:$0x1FC10]  }
0xbb: {  	v0 =	vadd.f32 v31, v0;
	v31 =	vld [tilespmem:$0x520]  }
0xbc: {  	v1 =	vadd.f32 v55, v1;
	v55 =	vld [tilespmem:$0x6A0]  }
0xbd: {  	v0 =	vadd.f32 v33, v0;
	v33 =	vld [tilespmem:$0x560]  }
0xbe: {  	[tilespmem:$0x1FF30] =	vst v63;
	v63 =	vld [tilespmem:$0xE90]  }
0xbf: {  	v1 =	vadd.f32 v57, v1;
	v57 =	vld [tilespmem:$0x6B0]  }
0xc0: {  	v0 =	vadd.f32 v35, v0;
	v35 =	vld [tilespmem:$0x5A0]  }
0xc1: {  	v1 =	vadd.f32 v59, v1;
	v59 =	vld [tilespmem:$0x1FC20]  }
0xc2: {  	v0 =	vadd.f32 v37, v0;
	v37 =	vld [tilespmem:$0x1FBE0]  }
0xc3: {  	[tilespmem:$0x1FF50] =	vst v63;
	v63 =	vld [tilespmem:$0xED0]  }
0xc4: {  	v1 =	vadd.f32 v61, v1;
	v61 =	vld [tilespmem:$0x6E0];
	v0 =	vadd.f32 v39, v0  }
0xc5: {  	v39 =	vld [tilespmem:$0x5F0]  }
0xc6: {  	v0 =	vadd.f32 v41, v0;
	v41 =	vld [tilespmem:$0x1FCE0]  }
0xc7: {  	v1 =	vadd.f32 v37, v1;
	v37 =	vld [tilespmem:$0x1FCC0]  }
0xc8: {  	[tilespmem:$0x1FF70] =	vst v63;
	v63 =	vld [tilespmem:$0xF10]  }
0xc9: {  	v0 =	vadd.f32 v43, v0;
	v43 =	vld [tilespmem:$0x1FCF0]  }
0xca: {  	v1 =	vadd.f32 v40, v1;
	v40 =	vld [tilespmem:$0x930]  }
0xcb: {  	v0 =	vadd.f32 v45, v0;
	v45 =	vld [tilespmem:$0x1FD00]  }
0xcc: {  	v1 =	vadd.f32 v47, v1;
	v47 =	vld [tilespmem:$0x9A0]  }
0xcd: {  	v0 =	vadd.f32 v48, v0;
	[tilespmem:$0x1FF90] =	vst v63;
	v63 =	vld [tilespmem:$0xF90]  }
0xce: {  	v48 =	vld [tilespmem:$0x1FD10]  }
0xcf: {  	v1 =	vadd.f32 v53, v1;
	v53 =	vld [tilespmem:$0x9F0];
	v0 =	vadd.f32 v50, v0  }
0xd0: {  	v50 =	vld [tilespmem:$0x1FD20]  }
0xd1: {  	v1 =	vadd.f32 v59, v1;
	v59 =	vld [tilespmem:$0xA60];
	v0 =	vadd.f32 v52, v0  }
0xd2: {  	[tilespmem:$0x1FFC0] =	vst v63;
	v63 =	vld [tilespmem:$0x60]  }
0xd3: {  	v52 =	vld [tilespmem:$0x1FD30];
	v0 =	vadd.f32 v54, v0  }
0xd4: {  	v1 =	vadd.f32 v12, v1;
	v12 =	vld [tilespmem:$0x1FD90]  }
0xd5: {  	v54 =	vld [tilespmem:$0x1FD40];
	v0 =	vadd.f32 v56, v0  }
0xd6: {  	v1 =	vadd.f32 v15, v1;
	v15 =	vld [tilespmem:$0xAE0]  }
0xd7: {  	v56 =	vld [tilespmem:$0x1FD50];
	v0 =	vadd.f32 v58, v0;
	v63 =	vadd.f32 $0.0e+00, v63  }
0xd8: {  	v58 =	vld [tilespmem:$0x1FD60]  }
0xd9: {  	v0 =	vadd.f32 v60, v0;
	v60 =	vld [tilespmem:$0x1FD70];
	v4 =	vadd.f32 v14, v63  }
0xda: {  	v63 =	vld [tilespmem:$0x160]  }
0xdb: {  	v4 =	vadd.f32 v16, v4;
	v16 =	vld [tilespmem:$0x170]  }
0xdc: {  	v0 =	vadd.f32 v62, v0;
	v62 =	vld [tilespmem:$0x1FD80]  }
0xdd: {  	v14 =	vld [tilespmem:$0x320];
	v4 =	vadd.f32 v22, v4  }
0xde: {  	v22 =	vld [tilespmem:$0x1E0]  }
0xdf: {  	v3 =	vadd.f32 v63, v4;
	v63 =	vld [tilespmem:$0x2E0]  }
0xe0: {  	v2 =	vadd.f32 v16, v2;
	v16 =	vld [tilespmem:$0x330]  }
0xe1: {  	v3 =	vadd.f32 v19, v3;
	v19 =	vld [tilespmem:$0x3A0]  }
0xe2: {  	v2 =	vadd.f32 v21, v2;
	v21 =	vld [tilespmem:$0x3E0]  }
0xe3: {  	v3 =	vadd.f32 v22, v3;
	v22 =	vld [tilespmem:$0x3F0]  }
0xe4: {  	v2 =	vadd.f32 v24, v2;
	v24 =	vld [tilespmem:$0x430]  }
0xe5: {  	v3 =	vadd.f32 v26, v3;
	v26 =	vld [tilespmem:$0x470]  }
0xe6: {  	v2 =	vadd.f32 v28, v2;
	v28 =	vld [tilespmem:$0x4B0]  }
0xe7: {  	v3 =	vadd.f32 v30, v3;
	v30 =	vld [tilespmem:$0x4F0]  }
0xe8: {  	v2 =	vadd.f32 v32, v2;
	v32 =	vld [tilespmem:$0x530]  }
0xe9: {  	v3 =	vadd.f32 v34, v3;
	v34 =	vld [tilespmem:$0x570]  }
0xea: {  	v2 =	vadd.f32 v36, v2;
	v36 =	vld [tilespmem:$0x5B0]  }
0xeb: {  	v3 =	vadd.f32 v63, v3;
	v63 =	vld [tilespmem:$0x6F0]  }
0xec: {  	v2 =	vadd.f32 v13, v2;
	v13 =	vld [tilespmem:$0x720]  }
0xed: {  	v3 =	vadd.f32 v14, v3;
	v14 =	vld [tilespmem:$0x730]  }
0xee: {  	v2 =	vadd.f32 v16, v2;
	v16 =	vld [tilespmem:$0x760]  }
0xef: {  	v3 =	vadd.f32 v17, v3;
	v17 =	vld [tilespmem:$0x770]  }
0xf0: {  	v2 =	vadd.f32 v18, v2;
	v18 =	vld [tilespmem:$0x1FC50]  }
0xf1: {  	v3 =	vadd.f32 v19, v3;
	v19 =	vld [tilespmem:$0x7A0]  }
0xf2: {  	v2 =	vadd.f32 v20, v2;
	v20 =	vld [tilespmem:$0x7B0]  }
0xf3: {  	v3 =	vadd.f32 v21, v3;
	v21 =	vld [tilespmem:$0x1FC60]  }
0xf4: {  	v2 =	vadd.f32 v22, v2;
	v22 =	vld [tilespmem:$0x7E0]  }
0xf5: {  	v3 =	vadd.f32 v23, v3;
	v23 =	vld [tilespmem:$0x7F0]  }
0xf6: {  	v1 =	vadd.f32 v18, v1;
	v18 =	vld [tilespmem:$0x1FDC0]  }
0xf7: {  	v2 =	vadd.f32 v24, v2;
	v24 =	vld [tilespmem:$0x1FC70]  }
0xf8: {  	v3 =	vadd.f32 v25, v3;
	v25 =	vld [tilespmem:$0x820]  }
0xf9: {  	v2 =	vadd.f32 v26, v2;
	v26 =	vld [tilespmem:$0x830]  }
0xfa: {  	v1 =	vadd.f32 v21, v1;
	v21 =	vld [tilespmem:$0xB30]  }
0xfb: {  	v3 =	vadd.f32 v27, v3;
	v27 =	vld [tilespmem:$0x1FC80]  }
0xfc: {  	v2 =	vadd.f32 v28, v2;
	v28 =	vld [tilespmem:$0x860]  }
0xfd: {  	v3 =	vadd.f32 v29, v3;
	v29 =	vld [tilespmem:$0x870]  }
0xfe: {  	v1 =	vadd.f32 v24, v1;
	v24 =	vld [tilespmem:$0x1FDF0]  }
0xff: {  	v2 =	vadd.f32 v30, v2;
	v30 =	vld [tilespmem:$0x1FC90]  }
0x100: {  	v3 =	vadd.f32 v31, v3;
	v31 =	vld [tilespmem:$0x8A0]  }
0x101: {  	v2 =	vadd.f32 v32, v2;
	v32 =	vld [tilespmem:$0x8B0]  }
0x102: {  	v1 =	vadd.f32 v27, v1;
	v27 =	vld [tilespmem:$0xBA0]  }
0x103: {  	v3 =	vadd.f32 v33, v3;
	v33 =	vld [tilespmem:$0x1FCA0]  }
0x104: {  	v2 =	vadd.f32 v34, v2;
	v34 =	vld [tilespmem:$0x8E0]  }
0x105: {  	v3 =	vadd.f32 v35, v3;
	v35 =	vld [tilespmem:$0x1FCB0]  }
0x106: {  	v1 =	vadd.f32 v30, v1;
	v30 =	vld [tilespmem:$0x1FE20]  }
0x107: {  	v2 =	vadd.f32 v36, v2;
	v36 =	vld [tilespmem:$0x8F0]  }
0x108: {  	v3 =	vadd.f32 v38, v3;
	v38 =	vld [tilespmem:$0x920]  }
0x109: {  	v2 =	vadd.f32 v39, v2;
	v39 =	vld [tilespmem:$0x1FCD0]  }
0x10a: {  	v1 =	vadd.f32 v33, v1;
	v33 =	vld [tilespmem:$0xBF0]  }
0x10b: {  	v3 =	vadd.f32 v42, v3;
	v42 =	vld [tilespmem:$0x960]  }
0x10c: {  	v2 =	vadd.f32 v44, v2;
	v44 =	vld [tilespmem:$0x970]  }
0x10d: {  	v0 =	vadd.f32 v35, v0;
	v35 =	vld [tilespmem:$0xC20]  }
0x10e: {  	v1 =	vadd.f32 v37, v1;
	v37 =	vld [tilespmem:$0xC30]  }
0x10f: {  	v3 =	vadd.f32 v49, v3;
	v49 =	vld [tilespmem:$0x9B0]  }
0x110: {  	v2 =	vadd.f32 v51, v2;
	v51 =	vld [tilespmem:$0x9E0]  }
0x111: {  	v1 =	vadd.f32 v41, v1;
	v41 =	vld [tilespmem:$0xC70]  }
0x112: {  	v3 =	vadd.f32 v55, v3;
	v55 =	vld [tilespmem:$0xA20]  }
0x113: {  	v0 =	vadd.f32 v39, v0;
	v39 =	vld [tilespmem:$0xC60]  }
0x114: {  	v2 =	vadd.f32 v57, v2;
	v57 =	vld [tilespmem:$0xA30]  }
0x115: {  	v1 =	vadd.f32 v45, v1;
	v45 =	vld [tilespmem:$0xCB0]  }
0x116: {  	v3 =	vadd.f32 v61, v3;
	v61 =	vld [tilespmem:$0xA70]  }
0x117: {  	v0 =	vadd.f32 v43, v0;
	v43 =	vld [tilespmem:$0xCA0]  }
0x118: {  	v2 =	vadd.f32 v63, v2;
	v63 =	vld [tilespmem:$0xAA0]  }
0x119: {  	v1 =	vadd.f32 v50, v1;
	v50 =	vld [tilespmem:$0xCF0]  }
0x11a: {  	v3 =	vadd.f32 v13, v3;
	v13 =	vld [tilespmem:$0xAB0]  }
0x11b: {  	v0 =	vadd.f32 v48, v0;
	v48 =	vld [tilespmem:$0xCE0]  }
0x11c: {  	v2 =	vadd.f32 v14, v2;
	v14 =	vld [tilespmem:$0x1FDA0]  }
0x11d: {  	v1 =	vadd.f32 v54, v1;
	v54 =	vld [tilespmem:$0xD30];
	v3 =	vadd.f32 v16, v3  }
0x11e: {  	v0 =	vadd.f32 v52, v0;
	v16 =	vld [tilespmem:$0x1FDB0]  }
0x11f: {  	v52 =	vld [tilespmem:$0xD20];
	v2 =	vadd.f32 v17, v2;
	v3 =	vadd.f32 v19, v3  }
0x120: {  	v1 =	vadd.f32 v58, v1;
	v17 =	vld [tilespmem:$0xAF0]  }
0x121: {  	v58 =	vld [tilespmem:$0xD70];
	v2 =	vadd.f32 v20, v2;
	v3 =	vadd.f32 v22, v3  }
0x122: {  	v0 =	vadd.f32 v56, v0;
	v19 =	vld [tilespmem:$0xB20]  }
0x123: {  	v56 =	vld [tilespmem:$0xD60];
	v2 =	vadd.f32 v23, v2;
	v3 =	vadd.f32 v25, v3  }
0x124: {  	v1 =	vadd.f32 v62, v1;
	v20 =	vld [tilespmem:$0x1FDD0]  }
0x125: {  	v62 =	vld [tilespmem:$0xDB0];
	v2 =	vadd.f32 v26, v2;
	v3 =	vadd.f32 v28, v3  }
0x126: {  	v0 =	vadd.f32 v60, v0;
	v22 =	vld [tilespmem:$0x1FDE0]  }
0x127: {  	v60 =	vld [tilespmem:$0xDA0];
	v2 =	vadd.f32 v29, v2;
	v3 =	vadd.f32 v31, v3  }
0x128: {  	v1 =	vadd.f32 v14, v1;
	v23 =	vld [tilespmem:$0xB60]  }
0x129: {  	v14 =	vld [tilespmem:$0xDF0];
	v2 =	vadd.f32 v32, v2;
	v3 =	vadd.f32 v34, v3  }
0x12a: {  	v0 =	vadd.f32 v12, v0;
	v25 =	vld [tilespmem:$0xB70]  }
0x12b: {  	v12 =	vld [tilespmem:$0xDE0];
	v2 =	vadd.f32 v36, v2;
	v3 =	vadd.f32 v38, v3  }
0x12c: {  	v1 =	vadd.f32 v18, v1;
	v26 =	vld [tilespmem:$0x1FE00]  }
0x12d: {  	v18 =	vld [tilespmem:$0xE30];
	v2 =	vadd.f32 v40, v2;
	v3 =	vadd.f32 v42, v3  }
0x12e: {  	v0 =	vadd.f32 v16, v0;
	v28 =	vld [tilespmem:$0x1FE10]  }
0x12f: {  	v16 =	vld [tilespmem:$0xE20];
	v2 =	vadd.f32 v44, v2;
	v3 =	vadd.f32 v47, v3  }
0x130: {  	v1 =	vadd.f32 v22, v1;
	v29 =	vld [tilespmem:$0xBB0]  }
0x131: {  	v22 =	vld [tilespmem:$0xE70];
	v2 =	vadd.f32 v49, v2;
	v3 =	vadd.f32 v51, v3  }
0x132: {  	v0 =	vadd.f32 v20, v0;
	v31 =	vld [tilespmem:$0xBE0]  }
0x133: {  	v20 =	vld [tilespmem:$0xE60];
	v2 =	vadd.f32 v53, v2;
	v3 =	vadd.f32 v55, v3  }
0x134: {  	v32 =	vld [tilespmem:$0x1FE30]  }
0x135: {  	v34 =	vld [tilespmem:$0x1FE40];
	v2 =	vadd.f32 v57, v2;
	v3 =	vadd.f32 v59, v3  }
0x136: {  	v0 =	vadd.f32 v24, v0;
	v1 =	vadd.f32 v26, v1;
	v24 =	vld [tilespmem:$0xEA0]  }
0x137: {  	v26 =	vld [tilespmem:$0xEB0];
	v2 =	vadd.f32 v61, v2;
	v3 =	vadd.f32 v63, v3  }
0x138: {  	v36 =	vld [tilespmem:$0x1FE50]  }
0x139: {  	v38 =	vld [tilespmem:$0x1FE60];
	v2 =	vadd.f32 v13, v2;
	v3 =	vadd.f32 v15, v3  }
0x13a: {  	v0 =	vadd.f32 v28, v0;
	v1 =	vadd.f32 v30, v1;
	v28 =	vld [tilespmem:$0xEE0]  }
0x13b: {  	v30 =	vld [tilespmem:$0xEF0];
	v2 =	vadd.f32 v17, v2;
	v3 =	vadd.f32 v19, v3  }
0x13c: {  	v40 =	vld [tilespmem:$0x1FE70]  }
0x13d: {  	v42 =	vld [tilespmem:$0x1FE80];
	v2 =	vadd.f32 v21, v2;
	v3 =	vadd.f32 v23, v3  }
0x13e: {  	v0 =	vadd.f32 v32, v0;
	v32 =	vld [tilespmem:$0x1FFC0]  }
0x13f: {  	v44 =	vld [tilespmem:$0x1FE90];
	v2 =	vadd.f32 v25, v2;
	v3 =	vadd.f32 v27, v3  }
0x140: {  	v1 =	vadd.f32 v34, v1;
	v0 =	vadd.f32 v36, v0;
	v47 =	vld [tilespmem:$0x1FEA0]  }
0x141: {  	v49 =	vld [tilespmem:$0x1FEB0];
	v2 =	vadd.f32 v29, v2;
	v3 =	vadd.f32 v31, v3  }
0x142: {  	v1 =	vadd.f32 v38, v1;
	v0 =	vadd.f32 v40, v0;
	v51 =	vld [tilespmem:$0x1FEC0]  }
0x143: {  	v53 =	vld [tilespmem:$0x1FED0];
	v2 =	vadd.f32 v33, v2;
	v3 =	vadd.f32 v35, v3  }
0x144: {  	v1 =	vadd.f32 v42, v1;
	v0 =	vadd.f32 v44, v0;
	v55 =	vld [tilespmem:$0x1FEE0]  }
0x145: {  	v57 =	vld [tilespmem:$0x1FEF0];
	v2 =	vadd.f32 v37, v2;
	v3 =	vadd.f32 v39, v3  }
0x146: {  	v1 =	vadd.f32 v47, v1;
	v0 =	vadd.f32 v49, v0;
	v59 =	vld [tilespmem:$0x1FF00]  }
0x147: {  	v61 =	vld [tilespmem:$0x1FF10];
	v2 =	vadd.f32 v41, v2;
	v3 =	vadd.f32 v43, v3  }
0x148: {  	v1 =	vadd.f32 v51, v1;
	v0 =	vadd.f32 v53, v0;
	v63 =	vld [tilespmem:$0x1FF20]  }
0x149: {  	v13 =	vld [tilespmem:$0x1FF30];
	v2 =	vadd.f32 v45, v2;
	v3 =	vadd.f32 v48, v3  }
0x14a: {  	v1 =	vadd.f32 v55, v1;
	v0 =	vadd.f32 v57, v0;
	v15 =	vld [tilespmem:$0x1FF40]  }
0x14b: {  	v17 =	vld [tilespmem:$0x1FF50];
	v2 =	vadd.f32 v50, v2;
	v3 =	vadd.f32 v52, v3  }
0x14c: {  	v1 =	vadd.f32 v59, v1;
	v0 =	vadd.f32 v61, v0;
	v19 =	vld [tilespmem:$0x1FF60]  }
0x14d: {  	v21 =	vld [tilespmem:$0x1FF70];
	v2 =	vadd.f32 v54, v2;
	v3 =	vadd.f32 v56, v3  }
0x14e: {  	v1 =	vadd.f32 v63, v1;
	v0 =	vadd.f32 v13, v0;
	v23 =	vld [tilespmem:$0x1FF80]  }
0x14f: {  	v25 =	vld [tilespmem:$0x1FF90];
	v2 =	vadd.f32 v58, v2;
	v3 =	vadd.f32 v60, v3  }
0x150: {  	v1 =	vadd.f32 v15, v1;
	v0 =	vadd.f32 v17, v0;
	v27 =	vld [tilespmem:$0x1FFA0]  }
0x151: {  	v29 =	vld [tilespmem:$0x1FFB0];
	v2 =	vadd.f32 v62, v2;
	v3 =	vadd.f32 v12, v3  }
0x152: {  	v36 =	vld [tilespmem:$0x1FFD0];
	v1 =	vadd.f32 v19, v1;
	v0 =	vadd.f32 v21, v0  }
0x153: {  	v53 =	vld [tilespmem:$0x1070];
	v2 =	vadd.f32 v14, v2;
	v3 =	vadd.f32 v16, v3  }
0x154: {  	v31 =	vld [tilespmem:$0xF20];
	v1 =	vadd.f32 v23, v1;
	v0 =	vadd.f32 v25, v0  }
0x155: {  	v37 =	vld [tilespmem:$0x1FFE0];
	v2 =	vadd.f32 v18, v2;
	v3 =	vadd.f32 v20, v3  }
0x156: {  	v33 =	vld [tilespmem:$0xF30];
	v1 =	vadd.f32 v27, v1;
	v0 =	vadd.f32 v29, v0  }
0x157: {  	v43 =	vld [tilespmem:$0x1FFF0];
	v2 =	vadd.f32 v22, v2;
	v3 =	vadd.f32 v24, v3  }
0x158: {  	v59 =	vshrl.u32 v53, $0x10;
	v35 =	vld [tilespmem:$0xF60];
	v1 =	vmul.f32 $1.562500000e-02, v1;
	v0 =	vadd.f32 v32, v0  }
0x159: {  	v40 =	vld [tilespmem:$0xFA0];
	v5 =	vand.u32 $0x1, v59;
	v2 =	vadd.f32 v26, v2;
	v3 =	vadd.f32 v28, v3  }
0x15a: {  	v39 =	vld [tilespmem:$0xF70];
	v34 =	vshrl.u32 v1, $0x10;
	v0 =	vadd.f32 v36, v0;
	v38 =	vshrl.u32 v37, $0x10  }
0x15b: {  	v42 =	vld [tilespmem:$0xFB0];
	v9 =	vand.u32 $0x1, v34;
	v2 =	vadd.f32 v30, v2;
	v3 =	vadd.f32 v31, v3  }
0x15c: {  	v44 =	vld [tilespmem:$0xFE0];
	v10 =	vand.u32 $0x1, v38;
	v1 =	vadd.s32 v9, v1;
	v0 =	vadd.f32 v43, v0  }
0x15d: {  	v47 =	vld [tilespmem:$0x1020];
	v50 =	vshrl.u32 v46, $0x10;
	v2 =	vadd.f32 v33, v2;
	v3 =	vadd.f32 v35, v3  }
0x15e: {  	v45 =	vld [tilespmem:$0xFF0];
	v41 =	vadd.s32 v10, v37;
	v1 =	vadd.s32 $0x7FFF, v1;
	v4 =	vand.u32 $0x1, v50  }
0x15f: {  	v0 =	vmul.f32 $1.562500000e-02, v0;
	v2 =	vadd.f32 v39, v2;
	v3 =	vadd.f32 v40, v3  }
0x160: {  	v48 =	vld [tilespmem:$0x1030];
	v1 =	vand.u32 $0xFFFF0000, v1;
	v9 =	vadd.s32 $0x7FFF, v41;
	v4 =	vadd.s32 v4, v46  }
0x161: {  	v52 =	vld [tilespmem:$0x1060];
	v49 =	vshrl.u32 v0, $0x10;
	v2 =	vadd.f32 v42, v2;
	v3 =	vadd.f32 v44, v3  }
0x162: {  	v9 =	vand.u32 $0xFFFF0000, v9;
	v4 =	vadd.s32 $0x7FFF, v4;
	v51 =	vand.u32 $0x1, v49  }
0x163: {  	v0 =	vadd.s32 v51, v0;
	v2 =	vadd.f32 v45, v2;
	v3 =	vadd.f32 v47, v3  }
0x164: {  	v1 =	vmul.f32 v1, v9;
	v4 =	vand.u32 $0xFFFF0000, v4;
	v0 =	vadd.s32 $0x7FFF, v0  }
0x165: {  	v0 =	vand.u32 $0xFFFF0000, v0;
	v2 =	vadd.f32 v48, v2;
	v3 =	vmul.f32 $1.562500000e-02, v3  }
0x166: {  	v1 =	vadd.f32 $0.0e+00, v1;
	v55 =	vshrl.u32 v52, $0x10;
	v0 =	vmul.f32 v0, v4  }
0x167: {  	v57 =	vand.u32 $0x1, v55;
	v2 =	vmul.f32 $1.562500000e-02, v2;
	v54 =	vshrl.u32 v3, $0x10  }
0x168: {  	v4 =	vadd.s32 v5, v53;
	v0 =	vadd.f32 v0, v1;
	v1 =	vand.u32 $0x1, v54  }
0x169: {  	v56 =	vshrl.u32 v2, $0x10;
	v1 =	vadd.s32 v1, v3;
	v3 =	vadd.s32 v57, v52  }
0x16a: {  	v58 =	vand.u32 $0x1, v56;
	v1 =	vadd.s32 $0x7FFF, v1;
	v3 =	vadd.s32 $0x7FFF, v3  }
0x16b: {  	v2 =	vadd.s32 v58, v2;
	v1 =	vand.u32 $0xFFFF0000, v1;
	v3 =	vand.u32 $0xFFFF0000, v3  }
0x16c: {  	v60 =	vadd.s32 $0x7FFF, v4;
	v2 =	vadd.s32 $0x7FFF, v2;
	v1 =	vmul.f32 v1, v3  }
0x16d: {  	v2 =	vand.u32 $0xFFFF0000, v2;
	v3 =	vand.u32 $0xFFFF0000, v60  }
0x16e: {  	v61 =	vmul.f32 v2, v3;
	v0 =	vadd.f32 v1, v0;
	_ =	sdelay $0x1  }
0x16f: {  	v0 =	vadd.f32 v61, v0;
	_ =	sdelay $0x1  }
0x170: {  	(xrf2) =	vadd.scan.msk.f32 $0xffff, v0;
	_ =	sdelay $0x7  }
0x171: {  	v62 =	vld [tilespmem:$0x1080];
	_ =	sdelay $0x1  }
0x172: {  	v63, _, _ =	vpop (xrf2)  }
0x173: {  	v1 =	vbroadcast v63, $0xF;
	_ =	sdelay $0x1  }
0x174: {  	v0 =	vadd.f32 v1, v62  }
0x175: {  	p0 =	sne.s32 s8, $0x1  }
.Ltmp0:
0x176: {  	[tilespmem:$0x1090] =	vst v0;
	(pc) =	sbr.rel @p0 .LBB2_1-.Ltmp0, $4  }
0x177: {  	[hbm4b:s7+s3] =	stream.linear.scatter [tilespmem:s14], [sflag:$0x2], $0x10, $0x38;
	[tilespmem:$0x10A0] =	vst v63  }
0x178: {  	_ =	swait.ge [sflag:s10], $0x10  }
0x179: {  	[sflag:s10] =	ssyncset.done $0x0  }
0x17a: {  	s8 =	sadd.s32 $0xFFFFFFFF, s8;
	[sflag:s10] =	ssyncadd.s32 $0xFFFFFFF0  }
0x17b: {  	_ =	sfence.sel $0x180000  }
0x17c: {  	[bflag:$0x0] =	sbarrier.arrive $0xFFFF  }
0x17d: {  	p0 =	sne.s32 s0, $0x0;
	_ =	strace $0x90000047  }
0x17e: {  	s0 =	sadd.s32 @!p0 $0x100000, s1;
	[bflag:$0x2] =	sbarrier.arrive $0xFFFF  }
0x17f: {  	[sflag:s0] =	ssyncadd.tile.s32 @!p0 $0x1;
	_ =	shalt  }
.Lfunc_end2:
_tile_overlayer_lowered:
.L_overlay_start_2:
0x180: {  	(tag) =	ssettag $0x2  }
0x181: {  	s0 =	rddreg [dreg:$0x0];
	s2 =	stileid.u32  }
0x182: {  	s1 =	rddreg [dreg:$0x1];
	p0 =	sne.s32 s2, $0x0  }
0x183: {  	s3 =	rddreg [dreg:$0x2];
	[bflag:$0x3] =	sbarrier.arrive $0xFFFF;
	s2 =	simm.s32 @!p0 $0x1C02  }
0x184: {  	[timem:s3], [sflag:s2] =	dma.local @!p0 [hbm:s0], s1  }
0x185: {  	s0 =	simm.s32 @!p0 $0x2  }
0x186: {  	_ =	swait.ge @!p0 [sflag:s0], s1  }
0x187: {  	s1 =	ssub.s32 @!p0 $0x0, s1;
	[sflag:s0] =	ssyncset.done @!p0 $0x0  }
0x188: {  	[sflag:s0] =	ssyncadd.s32 @!p0 s1  }
0x189: {  	[bflag:$0x3] =	sbarrier.arrive $0xFFFF  }
0x18a: {  	_ =	shalt  }

</sc_bundles>
